<compile_context>
chip_gen: v7x
topology: tpu7x:2x2x1
jax: 0.10.2.dev20260603
libtpu: 0.0.44.dev20260713+nightly
codegen_flags: <defaults>
</compile_context>

<pallas_src>
import jax
import jax.numpy as jnp
from jax import lax
from jax.experimental import pallas as pl
from jax.experimental.pallas import tpu as pltpu
from jax.experimental.pallas import tpu_sc as plsc

N_NODES = 10000
NPAD = 10240
IN_CH = 128
HIDDEN = 128
HEADS = 2
TEMP = 0.7

EP1 = 331776
EP1_PER_TILE = EP1 // 16
EP1_CHUNKS = EP1_PER_TILE // 128

EP2 = 327680
EP2_PER_W = EP2 // 32
EP2_GROUPS = 20

NB = 512
NBLK = NPAD // NB


def _tc_a_body(x_ref, w_ref, pt_ref, xp0_ref, xp1_ref, av_ref):
    r = jnp.dot(x_ref[...], w_ref[...], preferred_element_type=jnp.float32)
    xp0_ref[...] = r[:, :HIDDEN]
    xp1_ref[...] = r[:, HIDDEN:]
    av_ref[...] = lax.dot_general(pt_ref[...], x_ref[...],
                                  (((1,), (1,)), ((), ())),
                                  preferred_element_type=jnp.float32)


def _tc_a(x_pad, W, pT):
    return pl.pallas_call(
        _tc_a_body,
        grid=(NBLK,),
        in_specs=[
            pl.BlockSpec((NB, IN_CH), lambda i: (i, 0)),
            pl.BlockSpec((IN_CH, HEADS * HIDDEN), lambda i: (0, 0)),
            pl.BlockSpec((4, IN_CH), lambda i: (0, 0)),
        ],
        out_specs=[
            pl.BlockSpec((NB, HIDDEN), lambda i: (i, 0)),
            pl.BlockSpec((NB, HIDDEN), lambda i: (i, 0)),
            pl.BlockSpec((4, NB), lambda i: (0, i)),
        ],
        out_shape=[
            jax.ShapeDtypeStruct((NPAD, HIDDEN), jnp.float32),
            jax.ShapeDtypeStruct((NPAD, HIDDEN), jnp.float32),
            jax.ShapeDtypeStruct((4, NPAD), jnp.float32),
        ],
    )(x_pad, W, pT)


IBLK = 2304
SUBCH = EP1_PER_TILE // 64


def _sc_b_body(av, xp0, xp1, srch, dsth, out0, out1, d0, d1,
               as_v, ad_v, si2, di2, srcb0, dstb0, srcb1, dstb1,
               sb0, sb1, xb0, xb1, zrow,
               den_sh, acc_sh, gsem0, gsem1, ssem0, ssem1, dsem0, dsem1):
    c = lax.axis_index("c")
    s = lax.axis_index("s")
    zero16 = jnp.zeros((16,), jnp.float32)

    @pl.when(c == 0)
    def _():
        pltpu.sync_copy(av.at[0], as_v)
        pltpu.sync_copy(av.at[2], ad_v)

    @pl.when(c == 1)
    def _():
        pltpu.sync_copy(av.at[1], as_v)
        pltpu.sync_copy(av.at[3], ad_v)

    for i in range(40):
        zrow[pl.ds(16 * i, 16)] = zero16

    def _zrow_body(r, _):
        for q in range(8):
            xb0[r, pl.ds(16 * q, 16)] = zero16
            xb1[r, pl.ds(16 * q, 16)] = zero16
        return 0

    lax.fori_loop(0, 64, _zrow_body, 0)

    pltpu.sync_copy(zrow, den_sh.at[pl.ds(s * 640, 640)])
    for jj in range(10):
        pltpu.sync_copy(xb0 if jj % 2 == 0 else xb1,
                        acc_sh.at[pl.ds(s * 640 + jj * 64, 64)])
    plsc.subcore_barrier()

    ebase = s * EP1_PER_TILE
    iota16 = lax.iota(jnp.int32, 16)

    def _issue(g, srcb, dstb, xb, gsem, ssem, dsem):
        @pl.when(g >= 2)
        def _():
            pltpu.make_async_copy(xb, acc_sh.at[pl.ds(0, 64)], ssem).wait()
            pltpu.make_async_copy(srcb, den_sh.at[pl.ds(0, 64)], dsem).wait()
        off = (g % 36) * 64
        for k in range(4):
            srcb[pl.ds(16 * k, 16)] = si2[pl.ds(off + 16 * k, 16)]
            dstb[pl.ds(16 * k, 16)] = di2[pl.ds(off + 16 * k, 16)]

        @pl.when(c == 0)
        def _():
            pltpu.async_copy(xp0.at[srcb], xb, gsem)

        @pl.when(c == 1)
        def _():
            pltpu.async_copy(xp1.at[srcb], xb, gsem)

    def _work(srcb, dstb, xb, sb, gsem, ssem, dsem):
        pltpu.make_async_copy(xp0.at[pl.ds(0, 64)], xb, gsem).wait()
        for k in range(4):
            s16 = srcb[pl.ds(16 * k, 16)]
            d16 = dstb[pl.ds(16 * k, 16)]
            e = (plsc.load_gather(as_v, [s16])
                 + plsc.load_gather(ad_v, [d16]))
            e = jnp.where(e >= 0.0, e, 0.2 * e)
            sb[pl.ds(16 * k, 16)] = jnp.exp(e)
        pltpu.async_copy(sb, den_sh.at[dstb], dsem, add=True)

        def _scale(r, _):
            a16 = plsc.load_gather(sb, [iota16 * 0 + r])
            for q in range(8):
                xb[r, pl.ds(16 * q, 16)] = xb[r, pl.ds(16 * q, 16)] * a16
            return 0

        lax.fori_loop(0, 64, _scale, 0)
        pltpu.async_copy(xb, acc_sh.at[dstb], ssem, add=True)

    def _pipe(g, _):
        @pl.when((g % 36 == 0) & (g < SUBCH))
        def _():
            jo = g // 36
            pltpu.sync_copy(srch.at[pl.ds(ebase + jo * IBLK, IBLK)], si2)
            pltpu.sync_copy(dsth.at[pl.ds(ebase + jo * IBLK, IBLK)], di2)

        p = g % 2

        @pl.when(p == 0)
        def _():
            @pl.when(g < SUBCH)
            def _():
                _issue(g, srcb0, dstb0, xb0, gsem0, ssem0, dsem0)

            @pl.when(g > 0)
            def _():
                _work(srcb1, dstb1, xb1, sb1, gsem1, ssem1, dsem1)

        @pl.when(p == 1)
        def _():
            @pl.when(g < SUBCH)
            def _():
                _issue(g, srcb1, dstb1, xb1, gsem1, ssem1, dsem1)

            _work(srcb0, dstb0, xb0, sb0, gsem0, ssem0, dsem0)
        return 0

    lax.fori_loop(0, SUBCH + 1, _pipe, 0)
    pltpu.make_async_copy(xb0, acc_sh.at[pl.ds(0, 64)], ssem0).wait()
    pltpu.make_async_copy(xb1, acc_sh.at[pl.ds(0, 64)], ssem1).wait()
    pltpu.make_async_copy(srcb0, den_sh.at[pl.ds(0, 64)], dsem0).wait()
    pltpu.make_async_copy(srcb1, den_sh.at[pl.ds(0, 64)], dsem1).wait()
    plsc.subcore_barrier()

    @pl.when(c == 0)
    def _():
        pltpu.sync_copy(den_sh.at[pl.ds(s * 640, 640)],
                        d0.at[pl.ds(s * 640, 640)])
        for jj in range(5):
            rows = pl.ds(s * 640 + jj * 128, 128)
            pltpu.sync_copy(acc_sh.at[rows], out0.at[rows])

    @pl.when(c == 1)
    def _():
        pltpu.sync_copy(den_sh.at[pl.ds(s * 640, 640)],
                        d1.at[pl.ds(s * 640, 640)])
        for jj in range(5):
            rows = pl.ds(s * 640 + jj * 128, 128)
            pltpu.sync_copy(acc_sh.at[rows], out1.at[rows])


def _sc_b(av, xp0, xp1, srch, dsth):
    mesh = plsc.VectorSubcoreMesh(core_axis_name="c", subcore_axis_name="s",
                                  num_cores=2, num_subcores=16)
    f = pl.kernel(
        _sc_b_body,
        out_type=[
            jax.ShapeDtypeStruct((NPAD, HIDDEN), jnp.float32),
            jax.ShapeDtypeStruct((NPAD, HIDDEN), jnp.float32),
            jax.ShapeDtypeStruct((NPAD,), jnp.float32),
            jax.ShapeDtypeStruct((NPAD,), jnp.float32),
        ],
        mesh=mesh,
        compiler_params=pltpu.CompilerParams(needs_layout_passes=False),
        scratch_types=[
            pltpu.VMEM((NPAD,), jnp.float32),
            pltpu.VMEM((NPAD,), jnp.float32),
            pltpu.VMEM((IBLK,), jnp.int32),
            pltpu.VMEM((IBLK,), jnp.int32),
            pltpu.VMEM((64,), jnp.int32),
            pltpu.VMEM((64,), jnp.int32),
            pltpu.VMEM((64,), jnp.int32),
            pltpu.VMEM((64,), jnp.int32),
            pltpu.VMEM((64,), jnp.float32),
            pltpu.VMEM((64,), jnp.float32),
            pltpu.VMEM((64, HIDDEN), jnp.float32),
            pltpu.VMEM((64, HIDDEN), jnp.float32),
            pltpu.VMEM((640,), jnp.float32),
            pltpu.VMEM_SHARED((NPAD,), jnp.float32),
            pltpu.VMEM_SHARED((NPAD, HIDDEN), jnp.float32),
            pltpu.SemaphoreType.DMA,
            pltpu.SemaphoreType.DMA,
            pltpu.SemaphoreType.DMA,
            pltpu.SemaphoreType.DMA,
            pltpu.SemaphoreType.DMA,
            pltpu.SemaphoreType.DMA,
        ],
    )
    return f(av, xp0, xp1, srch, dsth)


def _tc_c_body(o0_ref, o1_ref, d0_ref, d1_ref, bias_ref, w1at_ref, w1bt_ref,
               hb1_ref, ut_ref, vt_ref):
    r0 = 1.0 / (d0_ref[...] + 1e-16)
    r1 = 1.0 / (d1_ref[...] + 1e-16)
    h = (o0_ref[...] * r0 + o1_ref[...] * r1) * 0.5 + bias_ref[...]
    dn = (((1,), (1,)), ((), ()))
    ut_ref[...] = (lax.dot_general(w1at_ref[...], h, dn,
                                   preferred_element_type=jnp.float32)
                   + hb1_ref[...])
    vt_ref[...] = (lax.dot_general(w1bt_ref[...], h, dn,
                                   preferred_element_type=jnp.float32)
                   + hb1_ref[...])


def _tc_c(o0, o1, dn0, dn1, bias2d, W1aT, W1bT, hb1):
    return pl.pallas_call(
        _tc_c_body,
        grid=(NBLK,),
        in_specs=[
            pl.BlockSpec((NB, HIDDEN), lambda i: (i, 0)),
            pl.BlockSpec((NB, HIDDEN), lambda i: (i, 0)),
            pl.BlockSpec((NB, 1), lambda i: (i, 0)),
            pl.BlockSpec((NB, 1), lambda i: (i, 0)),
            pl.BlockSpec((1, HIDDEN), lambda i: (0, 0)),
            pl.BlockSpec((32, HIDDEN), lambda i: (0, 0)),
            pl.BlockSpec((32, HIDDEN), lambda i: (0, 0)),
            pl.BlockSpec((32, 1), lambda i: (0, 0)),
        ],
        out_specs=[
            pl.BlockSpec((32, NB), lambda i: (0, i)),
            pl.BlockSpec((32, NB), lambda i: (0, i)),
        ],
        out_shape=[
            jax.ShapeDtypeStruct((32, NPAD), jnp.float32),
            jax.ShapeDtypeStruct((32, NPAD), jnp.float32),
        ],
    )(o0, o1, dn0, dn1, bias2d, W1aT, W1bT, hb1)


EROWS = EP2 // 128
ESH = EP2 // 4
NBLK_D = ESH // 4096
IBLK_D = 4096


def _sc_d_body(ut_hbm, vt_hbm, srcd, dstd, w2_hbm, b2_hbm, out2d,
               ut_v, vt_v, sib0, dib0, sib1, dib1, lbuf, ridx, w2v, b2v,
               lg_sh, gsem, isem0, isem1):
    c = lax.axis_index("c")
    s = lax.axis_index("s")
    fg = s % 8
    es = (s // 8) * 2 + c
    ebase = es * ESH
    iota16 = lax.iota(jnp.int32, 16)
    zero16 = jnp.zeros((16,), jnp.float32)

    pltpu.sync_copy(ut_hbm.at[pl.ds(fg * 4, 4)], ut_v)
    pltpu.sync_copy(vt_hbm.at[pl.ds(fg * 4, 4)], vt_v)
    pltpu.sync_copy(w2_hbm, w2v)
    pltpu.sync_copy(b2_hbm, b2v)

    def _z(r, _):
        for q in range(8):
            lbuf[r, pl.ds(16 * q, 16)] = zero16
        return 0

    lax.fori_loop(0, 16, _z, 0)
    for t in range(10):
        pltpu.sync_copy(lbuf, lg_sh.at[pl.ds(s * 160 + t * 16, 16)])
    plsc.subcore_barrier()

    w2f = [plsc.load_gather(w2v, [iota16 * 0 + (fg * 4 + j)])
           for j in range(4)]
    binit = b2v[...] * jnp.where(fg == 0, 1.0, 0.0)

    def _ib_issue(b, sib, dib, isem):
        pltpu.async_copy(srcd.at[pl.ds(ebase + b * IBLK_D, IBLK_D)], sib, isem)
        pltpu.async_copy(dstd.at[pl.ds(ebase + b * IBLK_D, IBLK_D)], dib, isem)

    def _ib_work(b, sib, dib, isem):
        pltpu.make_async_copy(srcd.at[pl.ds(0, IBLK_D)], sib, isem).wait()
        pltpu.make_async_copy(srcd.at[pl.ds(0, IBLK_D)], dib, isem).wait()

        def _blk(m, _):
            off = m * 2048
            def _kk(k, _):
                s16 = sib[pl.ds(off + 16 * k, 16)]
                d16 = dib[pl.ds(off + 16 * k, 16)]
                acc = binit
                for j in range(4):
                    j16 = jnp.full((16,), j, jnp.int32)
                    z = (plsc.load_gather(ut_v, [j16, s16])
                         + plsc.load_gather(vt_v, [j16, d16]))
                    acc = acc + jnp.maximum(z, 0.0) * w2f[j]
                lbuf[k >> 3, pl.ds((k & 7) * 16, 16)] = acc
                return 0

            lax.fori_loop(0, 128, _kk, 0)
            rbase = es * 640 + (b * 2 + m) * 16
            ridx[...] = iota16 + rbase
            pltpu.sync_copy(lbuf, lg_sh.at[ridx], add=True)
            return 0

        lax.fori_loop(0, 2, _blk, 0)
        return 0

    def _ib_step(b, _):
        p = b % 2

        @pl.when(p == 0)
        def _():
            @pl.when(b < NBLK_D)
            def _():
                _ib_issue(b, sib0, dib0, isem0)

            @pl.when(b > 0)
            def _():
                _ib_work(b - 1, sib1, dib1, isem1)

        @pl.when(p == 1)
        def _():
            @pl.when(b < NBLK_D)
            def _():
                _ib_issue(b, sib1, dib1, isem1)

            _ib_work(b - 1, sib0, dib0, isem0)
        return 0

    lax.fori_loop(0, NBLK_D + 1, _ib_step, 0)
    plsc.subcore_barrier()

    for half in range(2):
        rb = (c + 2 * half) * 640 + (s % 8) * 80 + (s // 8) * 40
        rows = pl.ds(rb, 40)
        pltpu.sync_copy(lg_sh.at[rows], out2d.at[rows])


def _sc_d(uT, vT, srcd, dstd, w2p, b2p):
    mesh = plsc.VectorSubcoreMesh(core_axis_name="c", subcore_axis_name="s",
                                  num_cores=2, num_subcores=16)
    f = pl.kernel(
        _sc_d_body,
        out_type=jax.ShapeDtypeStruct((EROWS, 128), jnp.float32),
        mesh=mesh,
        compiler_params=pltpu.CompilerParams(needs_layout_passes=False,
                                             use_tc_tiling_on_sc=False),
        scratch_types=[
            pltpu.VMEM((4, NPAD), jnp.float32),
            pltpu.VMEM((4, NPAD), jnp.float32),
            pltpu.VMEM((IBLK_D,), jnp.int32),
            pltpu.VMEM((IBLK_D,), jnp.int32),
            pltpu.VMEM((IBLK_D,), jnp.int32),
            pltpu.VMEM((IBLK_D,), jnp.int32),
            pltpu.VMEM((16, 128), jnp.float32),
            pltpu.VMEM((16,), jnp.int32),
            pltpu.VMEM((32,), jnp.float32),
            pltpu.VMEM((16,), jnp.float32),
            pltpu.VMEM_SHARED((EROWS, 128), jnp.float32),
            pltpu.SemaphoreType.DMA,
            pltpu.SemaphoreType.DMA,
            pltpu.SemaphoreType.DMA,
        ],
    )
    return f(uT, vT, srcd, dstd, w2p, b2p)


def kernel(x, edge_index, W, att_src, att_dst, bias, W1, b1, W2, b2):
    src = edge_index[0]
    dst = edge_index[1]
    n_edges = src.shape[0]

    x_pad = jnp.pad(x, ((0, NPAD - N_NODES), (0, 0)))

    Wr = W.reshape(IN_CH, HEADS, HIDDEN)
    pT = jnp.stack([
        Wr[:, 0, :] @ att_src[0],
        Wr[:, 1, :] @ att_src[1],
        Wr[:, 0, :] @ att_dst[0],
        Wr[:, 1, :] @ att_dst[1],
    ], axis=0)

    loop = jnp.arange(N_NODES, dtype=src.dtype)
    npad1 = EP1 - (n_edges + N_NODES)
    pad1 = N_NODES + (jnp.arange(npad1, dtype=src.dtype) % (NPAD - N_NODES))
    srch = jnp.concatenate([src, loop, pad1])
    dsth = jnp.concatenate([dst, loop, pad1])

    xp0, xp1, av = _tc_a(x_pad, W, pT)
    o0, o1, dn0, dn1 = _sc_b(av, xp0, xp1, srch, dsth)

    uT, vT = _tc_c(o0, o1, dn0.reshape(NPAD, 1), dn1.reshape(NPAD, 1),
                   bias.reshape(1, HIDDEN), W1[:HIDDEN].T, W1[HIDDEN:].T,
                   (0.5 * b1).reshape(32, 1))

    npad2 = EP2 - n_edges
    pad2 = N_NODES + (jnp.arange(npad2, dtype=src.dtype) % (NPAD - N_NODES))
    srcd = jnp.concatenate([src, pad2])
    dstd = jnp.concatenate([dst, pad2])

    w2p = W2[:, 0] / TEMP
    b2p = jnp.full((16,), b2[0] / TEMP, jnp.float32)

    logits2d = _sc_d(uT, vT, srcd, dstd, w2p, b2p)
    return logits2d.reshape(EP2)[:n_edges]

# --- scband reference (transcript-rebuilt; emitter-appended) ---
"""Pipeline reference for scband-link-predictor-13984413515968 (READ-ONLY COPY).

The authoritative reference and input builder live on the scoring server;
editing this copy changes nothing except your own understanding.
"""

import jax, jax.numpy as jnp
import numpy as np

N_NODES = 10000
N_EDGES = 320000
IN_CH = 128
HIDDEN = 128
HEADS = 2
TEMPERATURE = 0.7


def setup_inputs(seed: int = 0) -> dict:
    key = jax.random.key(seed)
    ks = jax.random.split(key, 10)
    x = jax.random.normal(ks[0], (N_NODES, IN_CH), dtype=jnp.float32)
    edge_index = jax.random.randint(ks[1], (2, N_EDGES), 0, N_NODES, dtype=jnp.int32)
    W = jax.random.normal(ks[2], (IN_CH, HEADS * HIDDEN), dtype=jnp.float32) * 0.05
    att_src = jax.random.normal(ks[3], (HEADS, HIDDEN), dtype=jnp.float32) * 0.05
    att_dst = jax.random.normal(ks[4], (HEADS, HIDDEN), dtype=jnp.float32) * 0.05
    bias = jnp.zeros((HIDDEN,), dtype=jnp.float32)
    W1 = jax.random.normal(ks[5], (2 * HIDDEN, 32), dtype=jnp.float32) * 0.05
    b1 = jnp.zeros((32,), dtype=jnp.float32)
    W2 = jax.random.normal(ks[6], (32, 1), dtype=jnp.float32) * 0.05
    b2 = jnp.zeros((1,), dtype=jnp.float32)
    return {"x": x, "edge_index": edge_index, "W": W, "att_src": att_src,
            "att_dst": att_dst, "bias": bias, "W1": W1, "b1": b1, "W2": W2, "b2": b2}


def _gat_conv(x, edge_index, W, att_src, att_dst, bias):
    # PyG GATConv(in_channels, hidden_channels, heads=2, concat=False)
    N = x.shape[0]
    heads, hidden = att_src.shape
    src = edge_index[0]
    dst = edge_index[1]
    # add_self_loops=True (PyG default)
    loop = jnp.arange(N, dtype=src.dtype)
    src = jnp.concatenate([src, loop])
    dst = jnp.concatenate([dst, loop])
    xp = (x @ W).reshape(N, heads, hidden)  # [N, H, F]
    a_src = jnp.sum(xp * att_src[None, :, :], axis=-1)  # [N, H]
    a_dst = jnp.sum(xp * att_dst[None, :, :], axis=-1)  # [N, H]
    e = a_src[src] + a_dst[dst]  # [E', H]
    e = jax.nn.leaky_relu(e, negative_slope=0.2)
    # segment softmax over incoming edges of each dst node
    m = jax.ops.segment_max(e, dst, num_segments=N)
    m = jnp.where(jnp.isfinite(m), m, 0.0)
    m = jax.lax.stop_gradient(m)
    ex = jnp.exp(e - m[dst])
    denom = jax.ops.segment_sum(ex, dst, num_segments=N)
    alpha = ex / (denom[dst] + 1e-16)  # [E', H]
    msg = xp[src] * alpha[:, :, None]  # [E', H, F]
    out = jax.ops.segment_sum(msg, dst, num_segments=N)  # [N, H, F]
    out = out.mean(axis=1) + bias  # concat=False -> mean over heads
    return out


def reference(x, edge_index, W, att_src, att_dst, bias, W1, b1, W2, b2):
    h = _gat_conv(x, edge_index, W, att_src, att_dst, bias)  # [N, HIDDEN]
    edge_embeds = jnp.concatenate([h[edge_index[0]], h[edge_index[1]]], axis=1)  # [E, 2*HIDDEN]
    z = jnp.maximum(edge_embeds @ W1 + b1, 0.0)
    logits = (z @ W2 + b2).squeeze(-1)
    return logits / TEMPERATURE

if __name__ == "__main__":
    import jax
    _d = setup_inputs()
    print(jax.jit(kernel)(*tuple(_d.values())))

</pallas_src>

<mosaic_0001>
#map = affine_map<(d0, d1) -> (0, 0)>
#map1 = affine_map<(d0, d1) -> (0)>
module attributes {stable_mosaic.version = 14 : i64} {
  func.func @_sc_b_body(%arg0: i32, %arg1: i32, %arg2: memref<4x10240xf32, #tpu.memory_space<hbm>>, %arg3: memref<10240x128xf32, #tpu.memory_space<hbm>>, %arg4: memref<10240x128xf32, #tpu.memory_space<hbm>>, %arg5: memref<331776xi32, #tpu.memory_space<hbm>>, %arg6: memref<331776xi32, #tpu.memory_space<hbm>>, %arg7: memref<10240x128xf32, #tpu.memory_space<hbm>>, %arg8: memref<10240x128xf32, #tpu.memory_space<hbm>>, %arg9: memref<10240xf32, #tpu.memory_space<hbm>>, %arg10: memref<10240xf32, #tpu.memory_space<hbm>>, %arg11: memref<10240xf32, #tpu.memory_space<vmem>>, %arg12: memref<10240xf32, #tpu.memory_space<vmem>>, %arg13: memref<2304xi32, #tpu.memory_space<vmem>>, %arg14: memref<2304xi32, #tpu.memory_space<vmem>>, %arg15: memref<64xi32, #tpu.memory_space<vmem>>, %arg16: memref<64xi32, #tpu.memory_space<vmem>>, %arg17: memref<64xi32, #tpu.memory_space<vmem>>, %arg18: memref<64xi32, #tpu.memory_space<vmem>>, %arg19: memref<64xf32, #tpu.memory_space<vmem>>, %arg20: memref<64xf32, #tpu.memory_space<vmem>>, %arg21: memref<64x128xf32, #tpu.memory_space<vmem>>, %arg22: memref<64x128xf32, #tpu.memory_space<vmem>>, %arg23: memref<640xf32, #tpu.memory_space<vmem>>, %arg24: memref<10240xf32, #tpu.memory_space<vmem_shared>>, %arg25: memref<10240x128xf32, #tpu.memory_space<vmem_shared>>, %arg26: memref<!tpu.dma_semaphore, #tpu.memory_space<semaphore_mem>>, %arg27: memref<!tpu.dma_semaphore, #tpu.memory_space<semaphore_mem>>, %arg28: memref<!tpu.dma_semaphore, #tpu.memory_space<semaphore_mem>>, %arg29: memref<!tpu.dma_semaphore, #tpu.memory_space<semaphore_mem>>, %arg30: memref<!tpu.dma_semaphore, #tpu.memory_space<semaphore_mem>>, %arg31: memref<!tpu.dma_semaphore, #tpu.memory_space<semaphore_mem>>) attributes {dimension_semantics = [#tpu.dimension_semantics<core_parallel>, #tpu.dimension_semantics<subcore_parallel>], iteration_bounds = array<i64: 2, 16>, scalar_prefetch = 0 : i64, scratch_operands = 21 : i64, tpu.core_type = #tpu.core_type<sc_vector_subcore>, window_params = [{transform_indices = #map}, {transform_indices = #map}, {transform_indices = #map}, {transform_indices = #map1}, {transform_indices = #map1}, {transform_indices = #map}, {transform_indices = #map}, {transform_indices = #map1}, {transform_indices = #map1}]} {
    %broadcast_in_dim3A = arith.constant 0.000000e+00 : f32
    %broadcast_in_dim3A_0 = vector.broadcast %broadcast_in_dim3A : f32 to vector<16xf32>
    %eq3A = arith.constant 0 : i32
    %eq3A_1 = arith.cmpi eq, %arg0, %eq3A : i32
    %convert_element_type3A = arith.extui %eq3A_1 : i1 to i32
    %cond3A = arith.constant 0 : i32
    %cond3A_2 = arith.cmpi ne, %convert_element_type3A, %cond3A : i32
    scf.if %cond3A_2 {
      %run_scoped3A = arith.constant 0 : i32
      "tpu.region"() ({
        %run_scoped3A_173 = tpu.sem_alloc : memref<!tpu.dma_semaphore, #tpu.memory_space<semaphore_mem>>
        %dma_start3A = arith.constant 0 : i32
        %dma_start3A_174 = tpu.memref_slice %arg2[%run_scoped3A, %dma_start3A] : memref<4x10240xf32, #tpu.memory_space<hbm>> -> memref<1x10240xf32, #tpu.memory_space<hbm>>
        %dma_start3A_175 = tpu.memref_squeeze %dma_start3A_174 : memref<1x10240xf32, #tpu.memory_space<hbm>> -> memref<10240xf32, #tpu.memory_space<hbm>>
        %dma_start3A_176 = arith.constant 0 : i32
        %dma_start3A_177 = tpu.memref_slice %arg2[%run_scoped3A, %dma_start3A_176] : memref<4x10240xf32, #tpu.memory_space<hbm>> -> memref<1x10240xf32, #tpu.memory_space<hbm>>
        %dma_start3A_178 = tpu.memref_squeeze %dma_start3A_177 : memref<1x10240xf32, #tpu.memory_space<hbm>> -> memref<10240xf32, #tpu.memory_space<hbm>>
        tpu.enqueue_dma source(%dma_start3A_178 : memref<10240xf32, #tpu.memory_space<hbm>>) target(%arg11 : memref<10240xf32, #tpu.memory_space<vmem>>) target_semaphore(%run_scoped3A_173 : memref<!tpu.dma_semaphore, #tpu.memory_space<semaphore_mem>>)
        %dma_wait3A_179 = arith.constant 0 : i32
        %dma_wait3A_180 = tpu.memref_slice %arg2[%run_scoped3A, %dma_wait3A_179] : memref<4x10240xf32, #tpu.memory_space<hbm>> -> memref<1x10240xf32, #tpu.memory_space<hbm>>
        %dma_wait3A_181 = tpu.memref_squeeze %dma_wait3A_180 : memref<1x10240xf32, #tpu.memory_space<hbm>> -> memref<10240xf32, #tpu.memory_space<hbm>>
        %dma_wait3A_182 = arith.constant 0 : i32
        %dma_wait3A_183 = tpu.memref_slice %arg2[%run_scoped3A, %dma_wait3A_182] : memref<4x10240xf32, #tpu.memory_space<hbm>> -> memref<1x10240xf32, #tpu.memory_space<hbm>>
        %dma_wait3A_184 = tpu.memref_squeeze %dma_wait3A_183 : memref<1x10240xf32, #tpu.memory_space<hbm>> -> memref<10240xf32, #tpu.memory_space<hbm>>
        tpu.wait_dma2 semaphore(%run_scoped3A_173 : memref<!tpu.dma_semaphore, #tpu.memory_space<semaphore_mem>>) src(%dma_wait3A_184 : memref<10240xf32, #tpu.memory_space<hbm>>) dst(%arg11 : memref<10240xf32, #tpu.memory_space<vmem>>)
        tpu.yield
      }) : () -> ()
      %run_scoped3A_172 = arith.constant 2 : i32
      "tpu.region"() ({
        %run_scoped3A_173 = tpu.sem_alloc : memref<!tpu.dma_semaphore, #tpu.memory_space<semaphore_mem>>
        %dma_start3A = arith.constant 0 : i32
        %dma_start3A_174 = tpu.memref_slice %arg2[%run_scoped3A_172, %dma_start3A] : memref<4x10240xf32, #tpu.memory_space<hbm>> -> memref<1x10240xf32, #tpu.memory_space<hbm>>
        %dma_start3A_175 = tpu.memref_squeeze %dma_start3A_174 : memref<1x10240xf32, #tpu.memory_space<hbm>> -> memref<10240xf32, #tpu.memory_space<hbm>>
        %dma_start3A_176 = arith.constant 0 : i32
        %dma_start3A_177 = tpu.memref_slice %arg2[%run_scoped3A_172, %dma_start3A_176] : memref<4x10240xf32, #tpu.memory_space<hbm>> -> memref<1x10240xf32, #tpu.memory_space<hbm>>
        %dma_start3A_178 = tpu.memref_squeeze %dma_start3A_177 : memref<1x10240xf32, #tpu.memory_space<hbm>> -> memref<10240xf32, #tpu.memory_space<hbm>>
        tpu.enqueue_dma source(%dma_start3A_178 : memref<10240xf32, #tpu.memory_space<hbm>>) target(%arg12 : memref<10240xf32, #tpu.memory_space<vmem>>) target_semaphore(%run_scoped3A_173 : memref<!tpu.dma_semaphore, #tpu.memory_space<semaphore_mem>>)
        %dma_wait3A_179 = arith.constant 0 : i32
        %dma_wait3A_180 = tpu.memref_slice %arg2[%run_scoped3A_172, %dma_wait3A_179] : memref<4x10240xf32, #tpu.memory_space<hbm>> -> memref<1x10240xf32, #tpu.memory_space<hbm>>
        %dma_wait3A_181 = tpu.memref_squeeze %dma_wait3A_180 : memref<1x10240xf32, #tpu.memory_space<hbm>> -> memref<10240xf32, #tpu.memory_space<hbm>>
        %dma_wait3A_182 = arith.constant 0 : i32
        %dma_wait3A_183 = tpu.memref_slice %arg2[%run_scoped3A_172, %dma_wait3A_182] : memref<4x10240xf32, #tpu.memory_space<hbm>> -> memref<1x10240xf32, #tpu.memory_space<hbm>>
        %dma_wait3A_184 = tpu.memref_squeeze %dma_wait3A_183 : memref<1x10240xf32, #tpu.memory_space<hbm>> -> memref<10240xf32, #tpu.memory_space<hbm>>
        tpu.wait_dma2 semaphore(%run_scoped3A_173 : memref<!tpu.dma_semaphore, #tpu.memory_space<semaphore_mem>>) src(%dma_wait3A_184 : memref<10240xf32, #tpu.memory_space<hbm>>) dst(%arg12 : memref<10240xf32, #tpu.memory_space<vmem>>)
        tpu.yield
      }) : () -> ()
    } else {
    }
    %eq3A_3 = arith.constant 1 : i32
    %eq3A_4 = arith.cmpi eq, %arg0, %eq3A_3 : i32
    %convert_element_type3A_5 = arith.extui %eq3A_4 : i1 to i32
    %cond3A_6 = arith.constant 0 : i32
    %cond3A_7 = arith.cmpi ne, %convert_element_type3A_5, %cond3A_6 : i32
    scf.if %cond3A_7 {
      %run_scoped3A = arith.constant 1 : i32
      "tpu.region"() ({
        %run_scoped3A_173 = tpu.sem_alloc : memref<!tpu.dma_semaphore, #tpu.memory_space<semaphore_mem>>
        %dma_start3A = arith.constant 0 : i32
        %dma_start3A_174 = tpu.memref_slice %arg2[%run_scoped3A, %dma_start3A] : memref<4x10240xf32, #tpu.memory_space<hbm>> -> memref<1x10240xf32, #tpu.memory_space<hbm>>
        %dma_start3A_175 = tpu.memref_squeeze %dma_start3A_174 : memref<1x10240xf32, #tpu.memory_space<hbm>> -> memref<10240xf32, #tpu.memory_space<hbm>>
        %dma_start3A_176 = arith.constant 0 : i32
        %dma_start3A_177 = tpu.memref_slice %arg2[%run_scoped3A, %dma_start3A_176] : memref<4x10240xf32, #tpu.memory_space<hbm>> -> memref<1x10240xf32, #tpu.memory_space<hbm>>
        %dma_start3A_178 = tpu.memref_squeeze %dma_start3A_177 : memref<1x10240xf32, #tpu.memory_space<hbm>> -> memref<10240xf32, #tpu.memory_space<hbm>>
        tpu.enqueue_dma source(%dma_start3A_178 : memref<10240xf32, #tpu.memory_space<hbm>>) target(%arg11 : memref<10240xf32, #tpu.memory_space<vmem>>) target_semaphore(%run_scoped3A_173 : memref<!tpu.dma_semaphore, #tpu.memory_space<semaphore_mem>>)
        %dma_wait3A_179 = arith.constant 0 : i32
        %dma_wait3A_180 = tpu.memref_slice %arg2[%run_scoped3A, %dma_wait3A_179] : memref<4x10240xf32, #tpu.memory_space<hbm>> -> memref<1x10240xf32, #tpu.memory_space<hbm>>
        %dma_wait3A_181 = tpu.memref_squeeze %dma_wait3A_180 : memref<1x10240xf32, #tpu.memory_space<hbm>> -> memref<10240xf32, #tpu.memory_space<hbm>>
        %dma_wait3A_182 = arith.constant 0 : i32
        %dma_wait3A_183 = tpu.memref_slice %arg2[%run_scoped3A, %dma_wait3A_182] : memref<4x10240xf32, #tpu.memory_space<hbm>> -> memref<1x10240xf32, #tpu.memory_space<hbm>>
        %dma_wait3A_184 = tpu.memref_squeeze %dma_wait3A_183 : memref<1x10240xf32, #tpu.memory_space<hbm>> -> memref<10240xf32, #tpu.memory_space<hbm>>
        tpu.wait_dma2 semaphore(%run_scoped3A_173 : memref<!tpu.dma_semaphore, #tpu.memory_space<semaphore_mem>>) src(%dma_wait3A_184 : memref<10240xf32, #tpu.memory_space<hbm>>) dst(%arg11 : memref<10240xf32, #tpu.memory_space<vmem>>)
        tpu.yield
      }) : () -> ()
      %run_scoped3A_172 = arith.constant 3 : i32
      "tpu.region"() ({
        %run_scoped3A_173 = tpu.sem_alloc : memref<!tpu.dma_semaphore, #tpu.memory_space<semaphore_mem>>
        %dma_start3A = arith.constant 0 : i32
        %dma_start3A_174 = tpu.memref_slice %arg2[%run_scoped3A_172, %dma_start3A] : memref<4x10240xf32, #tpu.memory_space<hbm>> -> memref<1x10240xf32, #tpu.memory_space<hbm>>
        %dma_start3A_175 = tpu.memref_squeeze %dma_start3A_174 : memref<1x10240xf32, #tpu.memory_space<hbm>> -> memref<10240xf32, #tpu.memory_space<hbm>>
        %dma_start3A_176 = arith.constant 0 : i32
        %dma_start3A_177 = tpu.memref_slice %arg2[%run_scoped3A_172, %dma_start3A_176] : memref<4x10240xf32, #tpu.memory_space<hbm>> -> memref<1x10240xf32, #tpu.memory_space<hbm>>
        %dma_start3A_178 = tpu.memref_squeeze %dma_start3A_177 : memref<1x10240xf32, #tpu.memory_space<hbm>> -> memref<10240xf32, #tpu.memory_space<hbm>>
        tpu.enqueue_dma source(%dma_start3A_178 : memref<10240xf32, #tpu.memory_space<hbm>>) target(%arg12 : memref<10240xf32, #tpu.memory_space<vmem>>) target_semaphore(%run_scoped3A_173 : memref<!tpu.dma_semaphore, #tpu.memory_space<semaphore_mem>>)
        %dma_wait3A_179 = arith.constant 0 : i32
        %dma_wait3A_180 = tpu.memref_slice %arg2[%run_scoped3A_172, %dma_wait3A_179] : memref<4x10240xf32, #tpu.memory_space<hbm>> -> memref<1x10240xf32, #tpu.memory_space<hbm>>
        %dma_wait3A_181 = tpu.memref_squeeze %dma_wait3A_180 : memref<1x10240xf32, #tpu.memory_space<hbm>> -> memref<10240xf32, #tpu.memory_space<hbm>>
        %dma_wait3A_182 = arith.constant 0 : i32
        %dma_wait3A_183 = tpu.memref_slice %arg2[%run_scoped3A_172, %dma_wait3A_182] : memref<4x10240xf32, #tpu.memory_space<hbm>> -> memref<1x10240xf32, #tpu.memory_space<hbm>>
        %dma_wait3A_184 = tpu.memref_squeeze %dma_wait3A_183 : memref<1x10240xf32, #tpu.memory_space<hbm>> -> memref<10240xf32, #tpu.memory_space<hbm>>
        tpu.wait_dma2 semaphore(%run_scoped3A_173 : memref<!tpu.dma_semaphore, #tpu.memory_space<semaphore_mem>>) src(%dma_wait3A_184 : memref<10240xf32, #tpu.memory_space<hbm>>) dst(%arg12 : memref<10240xf32, #tpu.memory_space<vmem>>)
        tpu.yield
      }) : () -> ()
    } else {
    }
    %swap3A = arith.constant 0 : index
    %swap3A_8 = tpu.vector_load %arg23[%swap3A] {strides = array<i32>} : memref<640xf32, #tpu.memory_space<vmem>>, vector<16xf32>,
    tpu.vector_store %arg23[%swap3A], %broadcast_in_dim3A_0 {strides = array<i32>} : memref<640xf32, #tpu.memory_space<vmem>>, vector<16xf32>,
    %swap3A_9 = arith.constant 16 : index
    %swap3A_10 = tpu.vector_load %arg23[%swap3A_9] {strides = array<i32>} : memref<640xf32, #tpu.memory_space<vmem>>, vector<16xf32>,
    tpu.vector_store %arg23[%swap3A_9], %broadcast_in_dim3A_0 {strides = array<i32>} : memref<640xf32, #tpu.memory_space<vmem>>, vector<16xf32>,
    %swap3A_11 = arith.constant 32 : index
    %swap3A_12 = tpu.vector_load %arg23[%swap3A_11] {strides = array<i32>} : memref<640xf32, #tpu.memory_space<vmem>>, vector<16xf32>,
    tpu.vector_store %arg23[%swap3A_11], %broadcast_in_dim3A_0 {strides = array<i32>} : memref<640xf32, #tpu.memory_space<vmem>>, vector<16xf32>,
    %swap3A_13 = arith.constant 48 : index
    %swap3A_14 = tpu.vector_load %arg23[%swap3A_13] {strides = array<i32>} : memref<640xf32, #tpu.memory_space<vmem>>, vector<16xf32>,
    tpu.vector_store %arg23[%swap3A_13], %broadcast_in_dim3A_0 {strides = array<i32>} : memref<640xf32, #tpu.memory_space<vmem>>, vector<16xf32>,
    %swap3A_15 = arith.constant 64 : index
    %swap3A_16 = tpu.vector_load %arg23[%swap3A_15] {strides = array<i32>} : memref<640xf32, #tpu.memory_space<vmem>>, vector<16xf32>,
    tpu.vector_store %arg23[%swap3A_15], %broadcast_in_dim3A_0 {strides = array<i32>} : memref<640xf32, #tpu.memory_space<vmem>>, vector<16xf32>,
    %swap3A_17 = arith.constant 80 : index
    %swap3A_18 = tpu.vector_load %arg23[%swap3A_17] {strides = array<i32>} : memref<640xf32, #tpu.memory_space<vmem>>, vector<16xf32>,
    tpu.vector_store %arg23[%swap3A_17], %broadcast_in_dim3A_0 {strides = array<i32>} : memref<640xf32, #tpu.memory_space<vmem>>, vector<16xf32>,
    %swap3A_19 = arith.constant 96 : index
    %swap3A_20 = tpu.vector_load %arg23[%swap3A_19] {strides = array<i32>} : memref<640xf32, #tpu.memory_space<vmem>>, vector<16xf32>,
    tpu.vector_store %arg23[%swap3A_19], %broadcast_in_dim3A_0 {strides = array<i32>} : memref<640xf32, #tpu.memory_space<vmem>>, vector<16xf32>,
    %swap3A_21 = arith.constant 112 : index
    %swap3A_22 = tpu.vector_load %arg23[%swap3A_21] {strides = array<i32>} : memref<640xf32, #tpu.memory_space<vmem>>, vector<16xf32>,
    tpu.vector_store %arg23[%swap3A_21], %broadcast_in_dim3A_0 {strides = array<i32>} : memref<640xf32, #tpu.memory_space<vmem>>, vector<16xf32>,
    %swap3A_23 = arith.constant 128 : index
    %swap3A_24 = tpu.vector_load %arg23[%swap3A_23] {strides = array<i32>} : memref<640xf32, #tpu.memory_space<vmem>>, vector<16xf32>,
    tpu.vector_store %arg23[%swap3A_23], %broadcast_in_dim3A_0 {strides = array<i32>} : memref<640xf32, #tpu.memory_space<vmem>>, vector<16xf32>,
    %swap3A_25 = arith.constant 144 : index
    %swap3A_26 = tpu.vector_load %arg23[%swap3A_25] {strides = array<i32>} : memref<640xf32, #tpu.memory_space<vmem>>, vector<16xf32>,
    tpu.vector_store %arg23[%swap3A_25], %broadcast_in_dim3A_0 {strides = array<i32>} : memref<640xf32, #tpu.memory_space<vmem>>, vector<16xf32>,
    %swap3A_27 = arith.constant 160 : index
    %swap3A_28 = tpu.vector_load %arg23[%swap3A_27] {strides = array<i32>} : memref<640xf32, #tpu.memory_space<vmem>>, vector<16xf32>,
    tpu.vector_store %arg23[%swap3A_27], %broadcast_in_dim3A_0 {strides = array<i32>} : memref<640xf32, #tpu.memory_space<vmem>>, vector<16xf32>,
    %swap3A_29 = arith.constant 176 : index
    %swap3A_30 = tpu.vector_load %arg23[%swap3A_29] {strides = array<i32>} : memref<640xf32, #tpu.memory_space<vmem>>, vector<16xf32>,
    tpu.vector_store %arg23[%swap3A_29], %broadcast_in_dim3A_0 {strides = array<i32>} : memref<640xf32, #tpu.memory_space<vmem>>, vector<16xf32>,
    %swap3A_31 = arith.constant 192 : index
    %swap3A_32 = tpu.vector_load %arg23[%swap3A_31] {strides = array<i32>} : memref<640xf32, #tpu.memory_space<vmem>>, vector<16xf32>,
    tpu.vector_store %arg23[%swap3A_31], %broadcast_in_dim3A_0 {strides = array<i32>} : memref<640xf32, #tpu.memory_space<vmem>>, vector<16xf32>,
    %swap3A_33 = arith.constant 208 : index
    %swap3A_34 = tpu.vector_load %arg23[%swap3A_33] {strides = array<i32>} : memref<640xf32, #tpu.memory_space<vmem>>, vector<16xf32>,
    tpu.vector_store %arg23[%swap3A_33], %broadcast_in_dim3A_0 {strides = array<i32>} : memref<640xf32, #tpu.memory_space<vmem>>, vector<16xf32>,
    %swap3A_35 = arith.constant 224 : index
    %swap3A_36 = tpu.vector_load %arg23[%swap3A_35] {strides = array<i32>} : memref<640xf32, #tpu.memory_space<vmem>>, vector<16xf32>,
    tpu.vector_store %arg23[%swap3A_35], %broadcast_in_dim3A_0 {strides = array<i32>} : memref<640xf32, #tpu.memory_space<vmem>>, vector<16xf32>,
    %swap3A_37 = arith.constant 240 : index
    %swap3A_38 = tpu.vector_load %arg23[%swap3A_37] {strides = array<i32>} : memref<640xf32, #tpu.memory_space<vmem>>, vector<16xf32>,
    tpu.vector_store %arg23[%swap3A_37], %broadcast_in_dim3A_0 {strides = array<i32>} : memref<640xf32, #tpu.memory_space<vmem>>, vector<16xf32>,
    %swap3A_39 = arith.constant 256 : index
    %swap3A_40 = tpu.vector_load %arg23[%swap3A_39] {strides = array<i32>} : memref<640xf32, #tpu.memory_space<vmem>>, vector<16xf32>,
    tpu.vector_store %arg23[%swap3A_39], %broadcast_in_dim3A_0 {strides = array<i32>} : memref<640xf32, #tpu.memory_space<vmem>>, vector<16xf32>,
    %swap3A_41 = arith.constant 272 : index
    %swap3A_42 = tpu.vector_load %arg23[%swap3A_41] {strides = array<i32>} : memref<640xf32, #tpu.memory_space<vmem>>, vector<16xf32>,
    tpu.vector_store %arg23[%swap3A_41], %broadcast_in_dim3A_0 {strides = array<i32>} : memref<640xf32, #tpu.memory_space<vmem>>, vector<16xf32>,
    %swap3A_43 = arith.constant 288 : index
    %swap3A_44 = tpu.vector_load %arg23[%swap3A_43] {strides = array<i32>} : memref<640xf32, #tpu.memory_space<vmem>>, vector<16xf32>,
    tpu.vector_store %arg23[%swap3A_43], %broadcast_in_dim3A_0 {strides = array<i32>} : memref<640xf32, #tpu.memory_space<vmem>>, vector<16xf32>,
    %swap3A_45 = arith.constant 304 : index
    %swap3A_46 = tpu.vector_load %arg23[%swap3A_45] {strides = array<i32>} : memref<640xf32, #tpu.memory_space<vmem>>, vector<16xf32>,
    tpu.vector_store %arg23[%swap3A_45], %broadcast_in_dim3A_0 {strides = array<i32>} : memref<640xf32, #tpu.memory_space<vmem>>, vector<16xf32>,
    %swap3A_47 = arith.constant 320 : index
    %swap3A_48 = tpu.vector_load %arg23[%swap3A_47] {strides = array<i32>} : memref<640xf32, #tpu.memory_space<vmem>>, vector<16xf32>,
    tpu.vector_store %arg23[%swap3A_47], %broadcast_in_dim3A_0 {strides = array<i32>} : memref<640xf32, #tpu.memory_space<vmem>>, vector<16xf32>,
    %swap3A_49 = arith.constant 336 : index
    %swap3A_50 = tpu.vector_load %arg23[%swap3A_49] {strides = array<i32>} : memref<640xf32, #tpu.memory_space<vmem>>, vector<16xf32>,
    tpu.vector_store %arg23[%swap3A_49], %broadcast_in_dim3A_0 {strides = array<i32>} : memref<640xf32, #tpu.memory_space<vmem>>, vector<16xf32>,
    %swap3A_51 = arith.constant 352 : index
    %swap3A_52 = tpu.vector_load %arg23[%swap3A_51] {strides = array<i32>} : memref<640xf32, #tpu.memory_space<vmem>>, vector<16xf32>,
    tpu.vector_store %arg23[%swap3A_51], %broadcast_in_dim3A_0 {strides = array<i32>} : memref<640xf32, #tpu.memory_space<vmem>>, vector<16xf32>,
    %swap3A_53 = arith.constant 368 : index
    %swap3A_54 = tpu.vector_load %arg23[%swap3A_53] {strides = array<i32>} : memref<640xf32, #tpu.memory_space<vmem>>, vector<16xf32>,
    tpu.vector_store %arg23[%swap3A_53], %broadcast_in_dim3A_0 {strides = array<i32>} : memref<640xf32, #tpu.memory_space<vmem>>, vector<16xf32>,
    %swap3A_55 = arith.constant 384 : index
    %swap3A_56 = tpu.vector_load %arg23[%swap3A_55] {strides = array<i32>} : memref<640xf32, #tpu.memory_space<vmem>>, vector<16xf32>,
    tpu.vector_store %arg23[%swap3A_55], %broadcast_in_dim3A_0 {strides = array<i32>} : memref<640xf32, #tpu.memory_space<vmem>>, vector<16xf32>,
    %swap3A_57 = arith.constant 400 : index
    %swap3A_58 = tpu.vector_load %arg23[%swap3A_57] {strides = array<i32>} : memref<640xf32, #tpu.memory_space<vmem>>, vector<16xf32>,
    tpu.vector_store %arg23[%swap3A_57], %broadcast_in_dim3A_0 {strides = array<i32>} : memref<640xf32, #tpu.memory_space<vmem>>, vector<16xf32>,
    %swap3A_59 = arith.constant 416 : index
    %swap3A_60 = tpu.vector_load %arg23[%swap3A_59] {strides = array<i32>} : memref<640xf32, #tpu.memory_space<vmem>>, vector<16xf32>,
    tpu.vector_store %arg23[%swap3A_59], %broadcast_in_dim3A_0 {strides = array<i32>} : memref<640xf32, #tpu.memory_space<vmem>>, vector<16xf32>,
    %swap3A_61 = arith.constant 432 : index
    %swap3A_62 = tpu.vector_load %arg23[%swap3A_61] {strides = array<i32>} : memref<640xf32, #tpu.memory_space<vmem>>, vector<16xf32>,
    tpu.vector_store %arg23[%swap3A_61], %broadcast_in_dim3A_0 {strides = array<i32>} : memref<640xf32, #tpu.memory_space<vmem>>, vector<16xf32>,
    %swap3A_63 = arith.constant 448 : index
    %swap3A_64 = tpu.vector_load %arg23[%swap3A_63] {strides = array<i32>} : memref<640xf32, #tpu.memory_space<vmem>>, vector<16xf32>,
    tpu.vector_store %arg23[%swap3A_63], %broadcast_in_dim3A_0 {strides = array<i32>} : memref<640xf32, #tpu.memory_space<vmem>>, vector<16xf32>,
    %swap3A_65 = arith.constant 464 : index
    %swap3A_66 = tpu.vector_load %arg23[%swap3A_65] {strides = array<i32>} : memref<640xf32, #tpu.memory_space<vmem>>, vector<16xf32>,
    tpu.vector_store %arg23[%swap3A_65], %broadcast_in_dim3A_0 {strides = array<i32>} : memref<640xf32, #tpu.memory_space<vmem>>, vector<16xf32>,
    %swap3A_67 = arith.constant 480 : index
    %swap3A_68 = tpu.vector_load %arg23[%swap3A_67] {strides = array<i32>} : memref<640xf32, #tpu.memory_space<vmem>>, vector<16xf32>,
    tpu.vector_store %arg23[%swap3A_67], %broadcast_in_dim3A_0 {strides = array<i32>} : memref<640xf32, #tpu.memory_space<vmem>>, vector<16xf32>,
    %swap3A_69 = arith.constant 496 : index
    %swap3A_70 = tpu.vector_load %arg23[%swap3A_69] {strides = array<i32>} : memref<640xf32, #tpu.memory_space<vmem>>, vector<16xf32>,
    tpu.vector_store %arg23[%swap3A_69], %broadcast_in_dim3A_0 {strides = array<i32>} : memref<640xf32, #tpu.memory_space<vmem>>, vector<16xf32>,
    %swap3A_71 = arith.constant 512 : index
    %swap3A_72 = tpu.vector_load %arg23[%swap3A_71] {strides = array<i32>} : memref<640xf32, #tpu.memory_space<vmem>>, vector<16xf32>,
    tpu.vector_store %arg23[%swap3A_71], %broadcast_in_dim3A_0 {strides = array<i32>} : memref<640xf32, #tpu.memory_space<vmem>>, vector<16xf32>,
    %swap3A_73 = arith.constant 528 : index
    %swap3A_74 = tpu.vector_load %arg23[%swap3A_73] {strides = array<i32>} : memref<640xf32, #tpu.memory_space<vmem>>, vector<16xf32>,
    tpu.vector_store %arg23[%swap3A_73], %broadcast_in_dim3A_0 {strides = array<i32>} : memref<640xf32, #tpu.memory_space<vmem>>, vector<16xf32>,
    %swap3A_75 = arith.constant 544 : index
    %swap3A_76 = tpu.vector_load %arg23[%swap3A_75] {strides = array<i32>} : memref<640xf32, #tpu.memory_space<vmem>>, vector<16xf32>,
    tpu.vector_store %arg23[%swap3A_75], %broadcast_in_dim3A_0 {strides = array<i32>} : memref<640xf32, #tpu.memory_space<vmem>>, vector<16xf32>,
    %swap3A_77 = arith.constant 560 : index
    %swap3A_78 = tpu.vector_load %arg23[%swap3A_77] {strides = array<i32>} : memref<640xf32, #tpu.memory_space<vmem>>, vector<16xf32>,
    tpu.vector_store %arg23[%swap3A_77], %broadcast_in_dim3A_0 {strides = array<i32>} : memref<640xf32, #tpu.memory_space<vmem>>, vector<16xf32>,
    %swap3A_79 = arith.constant 576 : index
    %swap3A_80 = tpu.vector_load %arg23[%swap3A_79] {strides = array<i32>} : memref<640xf32, #tpu.memory_space<vmem>>, vector<16xf32>,
    tpu.vector_store %arg23[%swap3A_79], %broadcast_in_dim3A_0 {strides = array<i32>} : memref<640xf32, #tpu.memory_space<vmem>>, vector<16xf32>,
    %swap3A_81 = arith.constant 592 : index
    %swap3A_82 = tpu.vector_load %arg23[%swap3A_81] {strides = array<i32>} : memref<640xf32, #tpu.memory_space<vmem>>, vector<16xf32>,
    tpu.vector_store %arg23[%swap3A_81], %broadcast_in_dim3A_0 {strides = array<i32>} : memref<640xf32, #tpu.memory_space<vmem>>, vector<16xf32>,
    %swap3A_83 = arith.constant 608 : index
    %swap3A_84 = tpu.vector_load %arg23[%swap3A_83] {strides = array<i32>} : memref<640xf32, #tpu.memory_space<vmem>>, vector<16xf32>,
    tpu.vector_store %arg23[%swap3A_83], %broadcast_in_dim3A_0 {strides = array<i32>} : memref<640xf32, #tpu.memory_space<vmem>>, vector<16xf32>,
    %swap3A_85 = arith.constant 624 : index
    %swap3A_86 = tpu.vector_load %arg23[%swap3A_85] {strides = array<i32>} : memref<640xf32, #tpu.memory_space<vmem>>, vector<16xf32>,
    tpu.vector_store %arg23[%swap3A_85], %broadcast_in_dim3A_0 {strides = array<i32>} : memref<640xf32, #tpu.memory_space<vmem>>, vector<16xf32>,
    %scan3A = arith.constant 0 : i32
    %scan3A_87 = arith.constant 0 : i32
    %scan3A_88 = arith.constant 64 : i32
    %scan3A_89 = arith.addi %scan3A_87, %scan3A_88 : i32
    %scan3A_90 = arith.constant 1 : i32
    %scan3A_91 = scf.for %scan3A_172 = %scan3A_87 to %scan3A_89 step %scan3A_90 iter_args(%scan3A_173 = %scan3A) -> (i32)  : i32 {
      %swap3A_174 = arith.index_cast %scan3A_172 : i32 to index
      %swap3A_175 = arith.constant 0 : index
      %swap3A_176 = tpu.vector_load %arg21[%swap3A_174, %swap3A_175] {strides = array<i32>} : memref<64x128xf32, #tpu.memory_space<vmem>>, vector<16xf32>,
      tpu.vector_store %arg21[%swap3A_174, %swap3A_175], %broadcast_in_dim3A_0 {strides = array<i32>} : memref<64x128xf32, #tpu.memory_space<vmem>>, vector<16xf32>,
      %swap3A_177 = arith.index_cast %scan3A_172 : i32 to index
      %swap3A_178 = arith.constant 0 : index
      %swap3A_179 = tpu.vector_load %arg22[%swap3A_177, %swap3A_178] {strides = array<i32>} : memref<64x128xf32, #tpu.memory_space<vmem>>, vector<16xf32>,
      tpu.vector_store %arg22[%swap3A_177, %swap3A_178], %broadcast_in_dim3A_0 {strides = array<i32>} : memref<64x128xf32, #tpu.memory_space<vmem>>, vector<16xf32>,
      %swap3A_180 = arith.index_cast %scan3A_172 : i32 to index
      %swap3A_181 = arith.constant 16 : index
      %swap3A_182 = tpu.vector_load %arg21[%swap3A_180, %swap3A_181] {strides = array<i32>} : memref<64x128xf32, #tpu.memory_space<vmem>>, vector<16xf32>,
      tpu.vector_store %arg21[%swap3A_180, %swap3A_181], %broadcast_in_dim3A_0 {strides = array<i32>} : memref<64x128xf32, #tpu.memory_space<vmem>>, vector<16xf32>,
      %swap3A_183 = arith.index_cast %scan3A_172 : i32 to index
      %swap3A_184 = arith.constant 16 : index
      %swap3A_185 = tpu.vector_load %arg22[%swap3A_183, %swap3A_184] {strides = array<i32>} : memref<64x128xf32, #tpu.memory_space<vmem>>, vector<16xf32>,
      tpu.vector_store %arg22[%swap3A_183, %swap3A_184], %broadcast_in_dim3A_0 {strides = array<i32>} : memref<64x128xf32, #tpu.memory_space<vmem>>, vector<16xf32>,
      %swap3A_186 = arith.index_cast %scan3A_172 : i32 to index
      %swap3A_187 = arith.constant 32 : index
      %swap3A_188 = tpu.vector_load %arg21[%swap3A_186, %swap3A_187] {strides = array<i32>} : memref<64x128xf32, #tpu.memory_space<vmem>>, vector<16xf32>,
      tpu.vector_store %arg21[%swap3A_186, %swap3A_187], %broadcast_in_dim3A_0 {strides = array<i32>} : memref<64x128xf32, #tpu.memory_space<vmem>>, vector<16xf32>,
      %swap3A_189 = arith.index_cast %scan3A_172 : i32 to index
      %swap3A_190 = arith.constant 32 : index
      %swap3A_191 = tpu.vector_load %arg22[%swap3A_189, %swap3A_190] {strides = array<i32>} : memref<64x128xf32, #tpu.memory_space<vmem>>, vector<16xf32>,
      tpu.vector_store %arg22[%swap3A_189, %swap3A_190], %broadcast_in_dim3A_0 {strides = array<i32>} : memref<64x128xf32, #tpu.memory_space<vmem>>, vector<16xf32>,
      %swap3A_192 = arith.index_cast %scan3A_172 : i32 to index
      %swap3A_193 = arith.constant 48 : index
      %swap3A_194 = tpu.vector_load %arg21[%swap3A_192, %swap3A_193] {strides = array<i32>} : memref<64x128xf32, #tpu.memory_space<vmem>>, vector<16xf32>,
      tpu.vector_store %arg21[%swap3A_192, %swap3A_193], %broadcast_in_dim3A_0 {strides = array<i32>} : memref<64x128xf32, #tpu.memory_space<vmem>>, vector<16xf32>,
      %swap3A_195 = arith.index_cast %scan3A_172 : i32 to index
      %swap3A_196 = arith.constant 48 : index
      %swap3A_197 = tpu.vector_load %arg22[%swap3A_195, %swap3A_196] {strides = array<i32>} : memref<64x128xf32, #tpu.memory_space<vmem>>, vector<16xf32>,
      tpu.vector_store %arg22[%swap3A_195, %swap3A_196], %broadcast_in_dim3A_0 {strides = array<i32>} : memref<64x128xf32, #tpu.memory_space<vmem>>, vector<16xf32>,
      %swap3A_198 = arith.index_cast %scan3A_172 : i32 to index
      %swap3A_199 = arith.constant 64 : index
      %swap3A_200 = tpu.vector_load %arg21[%swap3A_198, %swap3A_199] {strides = array<i32>} : memref<64x128xf32, #tpu.memory_space<vmem>>, vector<16xf32>,
      tpu.vector_store %arg21[%swap3A_198, %swap3A_199], %broadcast_in_dim3A_0 {strides = array<i32>} : memref<64x128xf32, #tpu.memory_space<vmem>>, vector<16xf32>,
      %swap3A_201 = arith.index_cast %scan3A_172 : i32 to index
      %swap3A_202 = arith.constant 64 : index
      %swap3A_203 = tpu.vector_load %arg22[%swap3A_201, %swap3A_202] {strides = array<i32>} : memref<64x128xf32, #tpu.memory_space<vmem>>, vector<16xf32>,
      tpu.vector_store %arg22[%swap3A_201, %swap3A_202], %broadcast_in_dim3A_0 {strides = array<i32>} : memref<64x128xf32, #tpu.memory_space<vmem>>, vector<16xf32>,
      %swap3A_204 = arith.index_cast %scan3A_172 : i32 to index
      %swap3A_205 = arith.constant 80 : index
      %swap3A_206 = tpu.vector_load %arg21[%swap3A_204, %swap3A_205] {strides = array<i32>} : memref<64x128xf32, #tpu.memory_space<vmem>>, vector<16xf32>,
      tpu.vector_store %arg21[%swap3A_204, %swap3A_205], %broadcast_in_dim3A_0 {strides = array<i32>} : memref<64x128xf32, #tpu.memory_space<vmem>>, vector<16xf32>,
      %swap3A_207 = arith.index_cast %scan3A_172 : i32 to index
      %swap3A_208 = arith.constant 80 : index
      %swap3A_209 = tpu.vector_load %arg22[%swap3A_207, %swap3A_208] {strides = array<i32>} : memref<64x128xf32, #tpu.memory_space<vmem>>, vector<16xf32>,
      tpu.vector_store %arg22[%swap3A_207, %swap3A_208], %broadcast_in_dim3A_0 {strides = array<i32>} : memref<64x128xf32, #tpu.memory_space<vmem>>, vector<16xf32>,
      %swap3A_210 = arith.index_cast %scan3A_172 : i32 to index
      %swap3A_211 = arith.constant 96 : index
      %swap3A_212 = tpu.vector_load %arg21[%swap3A_210, %swap3A_211] {strides = array<i32>} : memref<64x128xf32, #tpu.memory_space<vmem>>, vector<16xf32>,
      tpu.vector_store %arg21[%swap3A_210, %swap3A_211], %broadcast_in_dim3A_0 {strides = array<i32>} : memref<64x128xf32, #tpu.memory_space<vmem>>, vector<16xf32>,
      %swap3A_213 = arith.index_cast %scan3A_172 : i32 to index
      %swap3A_214 = arith.constant 96 : index
      %swap3A_215 = tpu.vector_load %arg22[%swap3A_213, %swap3A_214] {strides = array<i32>} : memref<64x128xf32, #tpu.memory_space<vmem>>, vector<16xf32>,
      tpu.vector_store %arg22[%swap3A_213, %swap3A_214], %broadcast_in_dim3A_0 {strides = array<i32>} : memref<64x128xf32, #tpu.memory_space<vmem>>, vector<16xf32>,
      %swap3A_216 = arith.index_cast %scan3A_172 : i32 to index
      %swap3A_217 = arith.constant 112 : index
      %swap3A_218 = tpu.vector_load %arg21[%swap3A_216, %swap3A_217] {strides = array<i32>} : memref<64x128xf32, #tpu.memory_space<vmem>>, vector<16xf32>,
      tpu.vector_store %arg21[%swap3A_216, %swap3A_217], %broadcast_in_dim3A_0 {strides = array<i32>} : memref<64x128xf32, #tpu.memory_space<vmem>>, vector<16xf32>,
      %swap3A_219 = arith.index_cast %scan3A_172 : i32 to index
      %swap3A_220 = arith.constant 112 : index
      %swap3A_221 = tpu.vector_load %arg22[%swap3A_219, %swap3A_220] {strides = array<i32>} : memref<64x128xf32, #tpu.memory_space<vmem>>, vector<16xf32>,
      tpu.vector_store %arg22[%swap3A_219, %swap3A_220], %broadcast_in_dim3A_0 {strides = array<i32>} : memref<64x128xf32, #tpu.memory_space<vmem>>, vector<16xf32>,
      %scan3A_222 = arith.constant 0 : i32
      scf.yield %scan3A_222 : i32
    }
    %scan3A_92 = arith.constant 64 : i32
    %mul3A = arith.constant 640 : i32
    %mul3A_93 = arith.muli %arg1, %mul3A : i32
    "tpu.region"() ({
      %run_scoped3A = tpu.sem_alloc : memref<!tpu.dma_semaphore, #tpu.memory_space<semaphore_mem>>
      %dma_start3A = tpu.memref_slice %arg24[%mul3A_93] : memref<10240xf32, #tpu.memory_space<vmem_shared>> -> memref<640xf32, #tpu.memory_space<vmem_shared>>
      %dma_start3A_172 = tpu.memref_slice %arg24[%mul3A_93] : memref<10240xf32, #tpu.memory_space<vmem_shared>> -> memref<640xf32, #tpu.memory_space<vmem_shared>>
      tpu.enqueue_dma source(%arg23 : memref<640xf32, #tpu.memory_space<vmem>>) target(%dma_start3A_172 : memref<640xf32, #tpu.memory_space<vmem_shared>>) target_semaphore(%run_scoped3A : memref<!tpu.dma_semaphore, #tpu.memory_space<semaphore_mem>>)
      %dma_wait3A_173 = tpu.memref_slice %arg24[%mul3A_93] : memref<10240xf32, #tpu.memory_space<vmem_shared>> -> memref<640xf32, #tpu.memory_space<vmem_shared>>
      %dma_wait3A_174 = tpu.memref_slice %arg24[%mul3A_93] : memref<10240xf32, #tpu.memory_space<vmem_shared>> -> memref<640xf32, #tpu.memory_space<vmem_shared>>
      tpu.wait_dma2 semaphore(%run_scoped3A : memref<!tpu.dma_semaphore, #tpu.memory_space<semaphore_mem>>) src(%arg23 : memref<640xf32, #tpu.memory_space<vmem>>) dst(%dma_wait3A_174 : memref<640xf32, #tpu.memory_space<vmem_shared>>)
      tpu.yield
    }) : () -> ()
    %mul3A_94 = arith.constant 640 : i32
    %mul3A_95 = arith.muli %arg1, %mul3A_94 : i32
    %add3A = arith.constant 0 : i32
    %add3A_96 = arith.addi %mul3A_95, %add3A : i32
    "tpu.region"() ({
      %run_scoped3A = tpu.sem_alloc : memref<!tpu.dma_semaphore, #tpu.memory_space<semaphore_mem>>
      %dma_start3A = arith.constant 0 : i32
      %dma_start3A_172 = tpu.memref_slice %arg25[%add3A_96, %dma_start3A] : memref<10240x128xf32, #tpu.memory_space<vmem_shared>> -> memref<64x128xf32, #tpu.memory_space<vmem_shared>>
      %dma_start3A_173 = arith.constant 0 : i32
      %dma_start3A_174 = tpu.memref_slice %arg25[%add3A_96, %dma_start3A_173] : memref<10240x128xf32, #tpu.memory_space<vmem_shared>> -> memref<64x128xf32, #tpu.memory_space<vmem_shared>>
      tpu.enqueue_dma source(%arg21 : memref<64x128xf32, #tpu.memory_space<vmem>>) target(%dma_start3A_174 : memref<64x128xf32, #tpu.memory_space<vmem_shared>>) target_semaphore(%run_scoped3A : memref<!tpu.dma_semaphore, #tpu.memory_space<semaphore_mem>>)
      %dma_wait3A_175 = arith.constant 0 : i32
      %dma_wait3A_176 = tpu.memref_slice %arg25[%add3A_96, %dma_wait3A_175] : memref<10240x128xf32, #tpu.memory_space<vmem_shared>> -> memref<64x128xf32, #tpu.memory_space<vmem_shared>>
      %dma_wait3A_177 = arith.constant 0 : i32
      %dma_wait3A_178 = tpu.memref_slice %arg25[%add3A_96, %dma_wait3A_177] : memref<10240x128xf32, #tpu.memory_space<vmem_shared>> -> memref<64x128xf32, #tpu.memory_space<vmem_shared>>
      tpu.wait_dma2 semaphore(%run_scoped3A : memref<!tpu.dma_semaphore, #tpu.memory_space<semaphore_mem>>) src(%arg21 : memref<64x128xf32, #tpu.memory_space<vmem>>) dst(%dma_wait3A_178 : memref<64x128xf32, #tpu.memory_space<vmem_shared>>)
      tpu.yield
    }) : () -> ()
    %mul3A_97 = arith.constant 640 : i32
    %mul3A_98 = arith.muli %arg1, %mul3A_97 : i32
    %add3A_99 = arith.constant 64 : i32
    %add3A_100 = arith.addi %mul3A_98, %add3A_99 : i32
    "tpu.region"() ({
      %run_scoped3A = tpu.sem_alloc : memref<!tpu.dma_semaphore, #tpu.memory_space<semaphore_mem>>
      %dma_start3A = arith.constant 0 : i32
      %dma_start3A_172 = tpu.memref_slice %arg25[%add3A_100, %dma_start3A] : memref<10240x128xf32, #tpu.memory_space<vmem_shared>> -> memref<64x128xf32, #tpu.memory_space<vmem_shared>>
      %dma_start3A_173 = arith.constant 0 : i32
      %dma_start3A_174 = tpu.memref_slice %arg25[%add3A_100, %dma_start3A_173] : memref<10240x128xf32, #tpu.memory_space<vmem_shared>> -> memref<64x128xf32, #tpu.memory_space<vmem_shared>>
      tpu.enqueue_dma source(%arg22 : memref<64x128xf32, #tpu.memory_space<vmem>>) target(%dma_start3A_174 : memref<64x128xf32, #tpu.memory_space<vmem_shared>>) target_semaphore(%run_scoped3A : memref<!tpu.dma_semaphore, #tpu.memory_space<semaphore_mem>>)
      %dma_wait3A_175 = arith.constant 0 : i32
      %dma_wait3A_176 = tpu.memref_slice %arg25[%add3A_100, %dma_wait3A_175] : memref<10240x128xf32, #tpu.memory_space<vmem_shared>> -> memref<64x128xf32, #tpu.memory_space<vmem_shared>>
      %dma_wait3A_177 = arith.constant 0 : i32
      %dma_wait3A_178 = tpu.memref_slice %arg25[%add3A_100, %dma_wait3A_177] : memref<10240x128xf32, #tpu.memory_space<vmem_shared>> -> memref<64x128xf32, #tpu.memory_space<vmem_shared>>
      tpu.wait_dma2 semaphore(%run_scoped3A : memref<!tpu.dma_semaphore, #tpu.memory_space<semaphore_mem>>) src(%arg22 : memref<64x128xf32, #tpu.memory_space<vmem>>) dst(%dma_wait3A_178 : memref<64x128xf32, #tpu.memory_space<vmem_shared>>)
      tpu.yield
    }) : () -> ()
    %mul3A_101 = arith.constant 640 : i32
    %mul3A_102 = arith.muli %arg1, %mul3A_101 : i32
    %add3A_103 = arith.constant 128 : i32
    %add3A_104 = arith.addi %mul3A_102, %add3A_103 : i32
    "tpu.region"() ({
      %run_scoped3A = tpu.sem_alloc : memref<!tpu.dma_semaphore, #tpu.memory_space<semaphore_mem>>
      %dma_start3A = arith.constant 0 : i32
      %dma_start3A_172 = tpu.memref_slice %arg25[%add3A_104, %dma_start3A] : memref<10240x128xf32, #tpu.memory_space<vmem_shared>> -> memref<64x128xf32, #tpu.memory_space<vmem_shared>>
      %dma_start3A_173 = arith.constant 0 : i32
      %dma_start3A_174 = tpu.memref_slice %arg25[%add3A_104, %dma_start3A_173] : memref<10240x128xf32, #tpu.memory_space<vmem_shared>> -> memref<64x128xf32, #tpu.memory_space<vmem_shared>>
      tpu.enqueue_dma source(%arg21 : memref<64x128xf32, #tpu.memory_space<vmem>>) target(%dma_start3A_174 : memref<64x128xf32, #tpu.memory_space<vmem_shared>>) target_semaphore(%run_scoped3A : memref<!tpu.dma_semaphore, #tpu.memory_space<semaphore_mem>>)
      %dma_wait3A_175 = arith.constant 0 : i32
      %dma_wait3A_176 = tpu.memref_slice %arg25[%add3A_104, %dma_wait3A_175] : memref<10240x128xf32, #tpu.memory_space<vmem_shared>> -> memref<64x128xf32, #tpu.memory_space<vmem_shared>>
      %dma_wait3A_177 = arith.constant 0 : i32
      %dma_wait3A_178 = tpu.memref_slice %arg25[%add3A_104, %dma_wait3A_177] : memref<10240x128xf32, #tpu.memory_space<vmem_shared>> -> memref<64x128xf32, #tpu.memory_space<vmem_shared>>
      tpu.wait_dma2 semaphore(%run_scoped3A : memref<!tpu.dma_semaphore, #tpu.memory_space<semaphore_mem>>) src(%arg21 : memref<64x128xf32, #tpu.memory_space<vmem>>) dst(%dma_wait3A_178 : memref<64x128xf32, #tpu.memory_space<vmem_shared>>)
      tpu.yield
    }) : () -> ()
    %mul3A_105 = arith.constant 640 : i32
    %mul3A_106 = arith.muli %arg1, %mul3A_105 : i32
    %add3A_107 = arith.constant 192 : i32
    %add3A_108 = arith.addi %mul3A_106, %add3A_107 : i32
    "tpu.region"() ({
      %run_scoped3A = tpu.sem_alloc : memref<!tpu.dma_semaphore, #tpu.memory_space<semaphore_mem>>
      %dma_start3A = arith.constant 0 : i32
      %dma_start3A_172 = tpu.memref_slice %arg25[%add3A_108, %dma_start3A] : memref<10240x128xf32, #tpu.memory_space<vmem_shared>> -> memref<64x128xf32, #tpu.memory_space<vmem_shared>>
      %dma_start3A_173 = arith.constant 0 : i32
      %dma_start3A_174 = tpu.memref_slice %arg25[%add3A_108, %dma_start3A_173] : memref<10240x128xf32, #tpu.memory_space<vmem_shared>> -> memref<64x128xf32, #tpu.memory_space<vmem_shared>>
      tpu.enqueue_dma source(%arg22 : memref<64x128xf32, #tpu.memory_space<vmem>>) target(%dma_start3A_174 : memref<64x128xf32, #tpu.memory_space<vmem_shared>>) target_semaphore(%run_scoped3A : memref<!tpu.dma_semaphore, #tpu.memory_space<semaphore_mem>>)
      %dma_wait3A_175 = arith.constant 0 : i32
      %dma_wait3A_176 = tpu.memref_slice %arg25[%add3A_108, %dma_wait3A_175] : memref<10240x128xf32, #tpu.memory_space<vmem_shared>> -> memref<64x128xf32, #tpu.memory_space<vmem_shared>>
      %dma_wait3A_177 = arith.constant 0 : i32
      %dma_wait3A_178 = tpu.memref_slice %arg25[%add3A_108, %dma_wait3A_177] : memref<10240x128xf32, #tpu.memory_space<vmem_shared>> -> memref<64x128xf32, #tpu.memory_space<vmem_shared>>
      tpu.wait_dma2 semaphore(%run_scoped3A : memref<!tpu.dma_semaphore, #tpu.memory_space<semaphore_mem>>) src(%arg22 : memref<64x128xf32, #tpu.memory_space<vmem>>) dst(%dma_wait3A_178 : memref<64x128xf32, #tpu.memory_space<vmem_shared>>)
      tpu.yield
    }) : () -> ()
    %mul3A_109 = arith.constant 640 : i32
    %mul3A_110 = arith.muli %arg1, %mul3A_109 : i32
    %add3A_111 = arith.constant 256 : i32
    %add3A_112 = arith.addi %mul3A_110, %add3A_111 : i32
    "tpu.region"() ({
      %run_scoped3A = tpu.sem_alloc : memref<!tpu.dma_semaphore, #tpu.memory_space<semaphore_mem>>
      %dma_start3A = arith.constant 0 : i32
      %dma_start3A_172 = tpu.memref_slice %arg25[%add3A_112, %dma_start3A] : memref<10240x128xf32, #tpu.memory_space<vmem_shared>> -> memref<64x128xf32, #tpu.memory_space<vmem_shared>>
      %dma_start3A_173 = arith.constant 0 : i32
      %dma_start3A_174 = tpu.memref_slice %arg25[%add3A_112, %dma_start3A_173] : memref<10240x128xf32, #tpu.memory_space<vmem_shared>> -> memref<64x128xf32, #tpu.memory_space<vmem_shared>>
      tpu.enqueue_dma source(%arg21 : memref<64x128xf32, #tpu.memory_space<vmem>>) target(%dma_start3A_174 : memref<64x128xf32, #tpu.memory_space<vmem_shared>>) target_semaphore(%run_scoped3A : memref<!tpu.dma_semaphore, #tpu.memory_space<semaphore_mem>>)
      %dma_wait3A_175 = arith.constant 0 : i32
      %dma_wait3A_176 = tpu.memref_slice %arg25[%add3A_112, %dma_wait3A_175] : memref<10240x128xf32, #tpu.memory_space<vmem_shared>> -> memref<64x128xf32, #tpu.memory_space<vmem_shared>>
      %dma_wait3A_177 = arith.constant 0 : i32
      %dma_wait3A_178 = tpu.memref_slice %arg25[%add3A_112, %dma_wait3A_177] : memref<10240x128xf32, #tpu.memory_space<vmem_shared>> -> memref<64x128xf32, #tpu.memory_space<vmem_shared>>
      tpu.wait_dma2 semaphore(%run_scoped3A : memref<!tpu.dma_semaphore, #tpu.memory_space<semaphore_mem>>) src(%arg21 : memref<64x128xf32, #tpu.memory_space<vmem>>) dst(%dma_wait3A_178 : memref<64x128xf32, #tpu.memory_space<vmem_shared>>)
      tpu.yield
    }) : () -> ()
    %mul3A_113 = arith.constant 640 : i32
    %mul3A_114 = arith.muli %arg1, %mul3A_113 : i32
    %add3A_115 = arith.constant 320 : i32
    %add3A_116 = arith.addi %mul3A_114, %add3A_115 : i32
    "tpu.region"() ({
      %run_scoped3A = tpu.sem_alloc : memref<!tpu.dma_semaphore, #tpu.memory_space<semaphore_mem>>
      %dma_start3A = arith.constant 0 : i32
      %dma_start3A_172 = tpu.memref_slice %arg25[%add3A_116, %dma_start3A] : memref<10240x128xf32, #tpu.memory_space<vmem_shared>> -> memref<64x128xf32, #tpu.memory_space<vmem_shared>>
      %dma_start3A_173 = arith.constant 0 : i32
      %dma_start3A_174 = tpu.memref_slice %arg25[%add3A_116, %dma_start3A_173] : memref<10240x128xf32, #tpu.memory_space<vmem_shared>> -> memref<64x128xf32, #tpu.memory_space<vmem_shared>>
      tpu.enqueue_dma source(%arg22 : memref<64x128xf32, #tpu.memory_space<vmem>>) target(%dma_start3A_174 : memref<64x128xf32, #tpu.memory_space<vmem_shared>>) target_semaphore(%run_scoped3A : memref<!tpu.dma_semaphore, #tpu.memory_space<semaphore_mem>>)
      %dma_wait3A_175 = arith.constant 0 : i32
      %dma_wait3A_176 = tpu.memref_slice %arg25[%add3A_116, %dma_wait3A_175] : memref<10240x128xf32, #tpu.memory_space<vmem_shared>> -> memref<64x128xf32, #tpu.memory_space<vmem_shared>>
      %dma_wait3A_177 = arith.constant 0 : i32
      %dma_wait3A_178 = tpu.memref_slice %arg25[%add3A_116, %dma_wait3A_177] : memref<10240x128xf32, #tpu.memory_space<vmem_shared>> -> memref<64x128xf32, #tpu.memory_space<vmem_shared>>
      tpu.wait_dma2 semaphore(%run_scoped3A : memref<!tpu.dma_semaphore, #tpu.memory_space<semaphore_mem>>) src(%arg22 : memref<64x128xf32, #tpu.memory_space<vmem>>) dst(%dma_wait3A_178 : memref<64x128xf32, #tpu.memory_space<vmem_shared>>)
      tpu.yield
    }) : () -> ()
    %mul3A_117 = arith.constant 640 : i32
    %mul3A_118 = arith.muli %arg1, %mul3A_117 : i32
    %add3A_119 = arith.constant 384 : i32
    %add3A_120 = arith.addi %mul3A_118, %add3A_119 : i32
    "tpu.region"() ({
      %run_scoped3A = tpu.sem_alloc : memref<!tpu.dma_semaphore, #tpu.memory_space<semaphore_mem>>
      %dma_start3A = arith.constant 0 : i32
      %dma_start3A_172 = tpu.memref_slice %arg25[%add3A_120, %dma_start3A] : memref<10240x128xf32, #tpu.memory_space<vmem_shared>> -> memref<64x128xf32, #tpu.memory_space<vmem_shared>>
      %dma_start3A_173 = arith.constant 0 : i32
      %dma_start3A_174 = tpu.memref_slice %arg25[%add3A_120, %dma_start3A_173] : memref<10240x128xf32, #tpu.memory_space<vmem_shared>> -> memref<64x128xf32, #tpu.memory_space<vmem_shared>>
      tpu.enqueue_dma source(%arg21 : memref<64x128xf32, #tpu.memory_space<vmem>>) target(%dma_start3A_174 : memref<64x128xf32, #tpu.memory_space<vmem_shared>>) target_semaphore(%run_scoped3A : memref<!tpu.dma_semaphore, #tpu.memory_space<semaphore_mem>>)
      %dma_wait3A_175 = arith.constant 0 : i32
      %dma_wait3A_176 = tpu.memref_slice %arg25[%add3A_120, %dma_wait3A_175] : memref<10240x128xf32, #tpu.memory_space<vmem_shared>> -> memref<64x128xf32, #tpu.memory_space<vmem_shared>>
      %dma_wait3A_177 = arith.constant 0 : i32
      %dma_wait3A_178 = tpu.memref_slice %arg25[%add3A_120, %dma_wait3A_177] : memref<10240x128xf32, #tpu.memory_space<vmem_shared>> -> memref<64x128xf32, #tpu.memory_space<vmem_shared>>
      tpu.wait_dma2 semaphore(%run_scoped3A : memref<!tpu.dma_semaphore, #tpu.memory_space<semaphore_mem>>) src(%arg21 : memref<64x128xf32, #tpu.memory_space<vmem>>) dst(%dma_wait3A_178 : memref<64x128xf32, #tpu.memory_space<vmem_shared>>)
      tpu.yield
    }) : () -> ()
    %mul3A_121 = arith.constant 640 : i32
    %mul3A_122 = arith.muli %arg1, %mul3A_121 : i32
    %add3A_123 = arith.constant 448 : i32
    %add3A_124 = arith.addi %mul3A_122, %add3A_123 : i32
    "tpu.region"() ({
      %run_scoped3A = tpu.sem_alloc : memref<!tpu.dma_semaphore, #tpu.memory_space<semaphore_mem>>
      %dma_start3A = arith.constant 0 : i32
      %dma_start3A_172 = tpu.memref_slice %arg25[%add3A_124, %dma_start3A] : memref<10240x128xf32, #tpu.memory_space<vmem_shared>> -> memref<64x128xf32, #tpu.memory_space<vmem_shared>>
      %dma_start3A_173 = arith.constant 0 : i32
      %dma_start3A_174 = tpu.memref_slice %arg25[%add3A_124, %dma_start3A_173] : memref<10240x128xf32, #tpu.memory_space<vmem_shared>> -> memref<64x128xf32, #tpu.memory_space<vmem_shared>>
      tpu.enqueue_dma source(%arg22 : memref<64x128xf32, #tpu.memory_space<vmem>>) target(%dma_start3A_174 : memref<64x128xf32, #tpu.memory_space<vmem_shared>>) target_semaphore(%run_scoped3A : memref<!tpu.dma_semaphore, #tpu.memory_space<semaphore_mem>>)
      %dma_wait3A_175 = arith.constant 0 : i32
      %dma_wait3A_176 = tpu.memref_slice %arg25[%add3A_124, %dma_wait3A_175] : memref<10240x128xf32, #tpu.memory_space<vmem_shared>> -> memref<64x128xf32, #tpu.memory_space<vmem_shared>>
      %dma_wait3A_177 = arith.constant 0 : i32
      %dma_wait3A_178 = tpu.memref_slice %arg25[%add3A_124, %dma_wait3A_177] : memref<10240x128xf32, #tpu.memory_space<vmem_shared>> -> memref<64x128xf32, #tpu.memory_space<vmem_shared>>
      tpu.wait_dma2 semaphore(%run_scoped3A : memref<!tpu.dma_semaphore, #tpu.memory_space<semaphore_mem>>) src(%arg22 : memref<64x128xf32, #tpu.memory_space<vmem>>) dst(%dma_wait3A_178 : memref<64x128xf32, #tpu.memory_space<vmem_shared>>)
      tpu.yield
    }) : () -> ()
    %mul3A_125 = arith.constant 640 : i32
    %mul3A_126 = arith.muli %arg1, %mul3A_125 : i32
    %add3A_127 = arith.constant 512 : i32
    %add3A_128 = arith.addi %mul3A_126, %add3A_127 : i32
    "tpu.region"() ({
      %run_scoped3A = tpu.sem_alloc : memref<!tpu.dma_semaphore, #tpu.memory_space<semaphore_mem>>
      %dma_start3A = arith.constant 0 : i32
      %dma_start3A_172 = tpu.memref_slice %arg25[%add3A_128, %dma_start3A] : memref<10240x128xf32, #tpu.memory_space<vmem_shared>> -> memref<64x128xf32, #tpu.memory_space<vmem_shared>>
      %dma_start3A_173 = arith.constant 0 : i32
      %dma_start3A_174 = tpu.memref_slice %arg25[%add3A_128, %dma_start3A_173] : memref<10240x128xf32, #tpu.memory_space<vmem_shared>> -> memref<64x128xf32, #tpu.memory_space<vmem_shared>>
      tpu.enqueue_dma source(%arg21 : memref<64x128xf32, #tpu.memory_space<vmem>>) target(%dma_start3A_174 : memref<64x128xf32, #tpu.memory_space<vmem_shared>>) target_semaphore(%run_scoped3A : memref<!tpu.dma_semaphore, #tpu.memory_space<semaphore_mem>>)
      %dma_wait3A_175 = arith.constant 0 : i32
      %dma_wait3A_176 = tpu.memref_slice %arg25[%add3A_128, %dma_wait3A_175] : memref<10240x128xf32, #tpu.memory_space<vmem_shared>> -> memref<64x128xf32, #tpu.memory_space<vmem_shared>>
      %dma_wait3A_177 = arith.constant 0 : i32
      %dma_wait3A_178 = tpu.memref_slice %arg25[%add3A_128, %dma_wait3A_177] : memref<10240x128xf32, #tpu.memory_space<vmem_shared>> -> memref<64x128xf32, #tpu.memory_space<vmem_shared>>
      tpu.wait_dma2 semaphore(%run_scoped3A : memref<!tpu.dma_semaphore, #tpu.memory_space<semaphore_mem>>) src(%arg21 : memref<64x128xf32, #tpu.memory_space<vmem>>) dst(%dma_wait3A_178 : memref<64x128xf32, #tpu.memory_space<vmem_shared>>)
      tpu.yield
    }) : () -> ()
    %mul3A_129 = arith.constant 640 : i32
    %mul3A_130 = arith.muli %arg1, %mul3A_129 : i32
    %add3A_131 = arith.constant 576 : i32
    %add3A_132 = arith.addi %mul3A_130, %add3A_131 : i32
    "tpu.region"() ({
      %run_scoped3A = tpu.sem_alloc : memref<!tpu.dma_semaphore, #tpu.memory_space<semaphore_mem>>
      %dma_start3A = arith.constant 0 : i32
      %dma_start3A_172 = tpu.memref_slice %arg25[%add3A_132, %dma_start3A] : memref<10240x128xf32, #tpu.memory_space<vmem_shared>> -> memref<64x128xf32, #tpu.memory_space<vmem_shared>>
      %dma_start3A_173 = arith.constant 0 : i32
      %dma_start3A_174 = tpu.memref_slice %arg25[%add3A_132, %dma_start3A_173] : memref<10240x128xf32, #tpu.memory_space<vmem_shared>> -> memref<64x128xf32, #tpu.memory_space<vmem_shared>>
      tpu.enqueue_dma source(%arg22 : memref<64x128xf32, #tpu.memory_space<vmem>>) target(%dma_start3A_174 : memref<64x128xf32, #tpu.memory_space<vmem_shared>>) target_semaphore(%run_scoped3A : memref<!tpu.dma_semaphore, #tpu.memory_space<semaphore_mem>>)
      %dma_wait3A_175 = arith.constant 0 : i32
      %dma_wait3A_176 = tpu.memref_slice %arg25[%add3A_132, %dma_wait3A_175] : memref<10240x128xf32, #tpu.memory_space<vmem_shared>> -> memref<64x128xf32, #tpu.memory_space<vmem_shared>>
      %dma_wait3A_177 = arith.constant 0 : i32
      %dma_wait3A_178 = tpu.memref_slice %arg25[%add3A_132, %dma_wait3A_177] : memref<10240x128xf32, #tpu.memory_space<vmem_shared>> -> memref<64x128xf32, #tpu.memory_space<vmem_shared>>
      tpu.wait_dma2 semaphore(%run_scoped3A : memref<!tpu.dma_semaphore, #tpu.memory_space<semaphore_mem>>) src(%arg22 : memref<64x128xf32, #tpu.memory_space<vmem>>) dst(%dma_wait3A_178 : memref<64x128xf32, #tpu.memory_space<vmem_shared>>)
      tpu.yield
    }) : () -> ()
    %barrier3A = arith.constant 0 : index
    tpu.barrier barrier_id(%barrier3A)
    %mul3A_133 = arith.constant 20736 : i32
    %mul3A_134 = arith.muli %arg1, %mul3A_133 : i32
    %iota3A = tpu.iota {dimensions = array<i32: 0>} : vector<16xi32>
    %scan3A_135 = arith.constant 0 : i32
    %scan3A_136 = arith.constant 0 : i32
    %scan3A_137 = arith.constant 325 : i32
    %scan3A_138 = arith.addi %scan3A_136, %scan3A_137 : i32
    %scan3A_139 = arith.constant 1 : i32
    %scan3A_140 = scf.for %scan3A_172 = %scan3A_136 to %scan3A_138 step %scan3A_139 iter_args(%scan3A_173 = %scan3A_135) -> (i32)  : i32 {
      %jit3A = arith.constant 36 : i32
      %eq3A_174 = arith.constant 0 : i32
      %eq3A_175 = arith.cmpi eq, %jit3A, %eq3A_174 : i32
      %jit3A_176 = arith.constant 1 : i32
      %select_n3A = arith.select %eq3A_175, %jit3A_176, %jit3A : i32
      %rem3A = arith.remsi %scan3A_172, %select_n3A : i32
      %ne3A = arith.constant 0 : i32
      %ne3A_177 = arith.cmpi ne, %rem3A, %ne3A : i32
      %lt3A = arith.constant 0 : i32
      %lt3A_178 = arith.cmpi slt, %rem3A, %lt3A : i32
      %lt3A_179 = arith.constant 0 : i32
      %lt3A_180 = arith.cmpi slt, %select_n3A, %lt3A_179 : i32
      %ne3A_181 = arith.xori %lt3A_178, %lt3A_180 : i1
      %and3A = arith.andi %ne3A_181, %ne3A_177 : i1
      %add3A_182 = arith.addi %rem3A, %select_n3A : i32
      %select_n3A_183 = arith.select %and3A, %add3A_182, %rem3A : i32
      %eq3A_184 = arith.constant 0 : i32
      %eq3A_185 = arith.cmpi eq, %select_n3A_183, %eq3A_184 : i32
      %lt3A_186 = arith.constant 324 : i32
      %lt3A_187 = arith.cmpi slt, %scan3A_172, %lt3A_186 : i32
      %and3A_188 = arith.andi %eq3A_185, %lt3A_187 : i1
      %convert_element_type3A_189 = arith.extui %and3A_188 : i1 to i32
      %cond3A_190 = arith.constant 0 : i32
      %cond3A_191 = arith.cmpi ne, %convert_element_type3A_189, %cond3A_190 : i32
      scf.if %cond3A_191 {
        %jit3A_219 = arith.constant 36 : i32
        %div3A = arith.divsi %scan3A_172, %jit3A_219 : i32
        %sign3A = arith.constant 0 : i32
        %sign3A_220 = arith.cmpi sgt, %scan3A_172, %sign3A : i32
        %sign3A_221 = arith.extui %sign3A_220 : i1 to i32
        %sign3A_222 = arith.constant 0 : i32
        %sign3A_223 = arith.cmpi slt, %scan3A_172, %sign3A_222 : i32
        %sign3A_224 = arith.extui %sign3A_223 : i1 to i32
        %sign3A_225 = arith.subi %sign3A_221, %sign3A_224 : i32
        %sign3A_226 = arith.constant 0 : i32
        %sign3A_227 = arith.cmpi sgt, %jit3A_219, %sign3A_226 : i32
        %sign3A_228 = arith.extui %sign3A_227 : i1 to i32
        %sign3A_229 = arith.constant 0 : i32
        %sign3A_230 = arith.cmpi slt, %jit3A_219, %sign3A_229 : i32
        %sign3A_231 = arith.extui %sign3A_230 : i1 to i32
        %sign3A_232 = arith.subi %sign3A_228, %sign3A_231 : i32
        %ne3A_233 = arith.cmpi ne, %sign3A_225, %sign3A_232 : i32
        %rem3A_234 = arith.remsi %scan3A_172, %jit3A_219 : i32
        %ne3A_235 = arith.constant 0 : i32
        %ne3A_236 = arith.cmpi ne, %rem3A_234, %ne3A_235 : i32
        %and3A_237 = arith.andi %ne3A_233, %ne3A_236 : i1
        %sub3A = arith.constant 1 : i32
        %sub3A_238 = arith.subi %div3A, %sub3A : i32
        %select_n3A_239 = arith.select %and3A_237, %sub3A_238, %div3A : i32
        %mul3A_240 = arith.constant 2304 : i32
        %mul3A_241 = arith.muli %select_n3A_239, %mul3A_240 : i32
        %add3A_242 = arith.addi %mul3A_134, %mul3A_241 : i32
        "tpu.region"() ({
          %run_scoped3A = tpu.sem_alloc : memref<!tpu.dma_semaphore, #tpu.memory_space<semaphore_mem>>
          %dma_start3A = tpu.memref_slice %arg5[%add3A_242] : memref<331776xi32, #tpu.memory_space<hbm>> -> memref<2304xi32, #tpu.memory_space<hbm>>
          %dma_start3A_246 = tpu.memref_slice %arg5[%add3A_242] : memref<331776xi32, #tpu.memory_space<hbm>> -> memref<2304xi32, #tpu.memory_space<hbm>>
          tpu.enqueue_dma source(%dma_start3A_246 : memref<2304xi32, #tpu.memory_space<hbm>>) target(%arg13 : memref<2304xi32, #tpu.memory_space<vmem>>) target_semaphore(%run_scoped3A : memref<!tpu.dma_semaphore, #tpu.memory_space<semaphore_mem>>)
          %dma_wait3A_247 = tpu.memref_slice %arg5[%add3A_242] : memref<331776xi32, #tpu.memory_space<hbm>> -> memref<2304xi32, #tpu.memory_space<hbm>>
          %dma_wait3A_248 = tpu.memref_slice %arg5[%add3A_242] : memref<331776xi32, #tpu.memory_space<hbm>> -> memref<2304xi32, #tpu.memory_space<hbm>>
          tpu.wait_dma2 semaphore(%run_scoped3A : memref<!tpu.dma_semaphore, #tpu.memory_space<semaphore_mem>>) src(%dma_wait3A_248 : memref<2304xi32, #tpu.memory_space<hbm>>) dst(%arg13 : memref<2304xi32, #tpu.memory_space<vmem>>)
          tpu.yield
        }) : () -> ()
        %mul3A_243 = arith.constant 2304 : i32
        %mul3A_244 = arith.muli %select_n3A_239, %mul3A_243 : i32
        %add3A_245 = arith.addi %mul3A_134, %mul3A_244 : i32
        "tpu.region"() ({
          %run_scoped3A = tpu.sem_alloc : memref<!tpu.dma_semaphore, #tpu.memory_space<semaphore_mem>>
          %dma_start3A = tpu.memref_slice %arg6[%add3A_245] : memref<331776xi32, #tpu.memory_space<hbm>> -> memref<2304xi32, #tpu.memory_space<hbm>>
          %dma_start3A_246 = tpu.memref_slice %arg6[%add3A_245] : memref<331776xi32, #tpu.memory_space<hbm>> -> memref<2304xi32, #tpu.memory_space<hbm>>
          tpu.enqueue_dma source(%dma_start3A_246 : memref<2304xi32, #tpu.memory_space<hbm>>) target(%arg14 : memref<2304xi32, #tpu.memory_space<vmem>>) target_semaphore(%run_scoped3A : memref<!tpu.dma_semaphore, #tpu.memory_space<semaphore_mem>>)
          %dma_wait3A_247 = tpu.memref_slice %arg6[%add3A_245] : memref<331776xi32, #tpu.memory_space<hbm>> -> memref<2304xi32, #tpu.memory_space<hbm>>
          %dma_wait3A_248 = tpu.memref_slice %arg6[%add3A_245] : memref<331776xi32, #tpu.memory_space<hbm>> -> memref<2304xi32, #tpu.memory_space<hbm>>
          tpu.wait_dma2 semaphore(%run_scoped3A : memref<!tpu.dma_semaphore, #tpu.memory_space<semaphore_mem>>) src(%dma_wait3A_248 : memref<2304xi32, #tpu.memory_space<hbm>>) dst(%arg14 : memref<2304xi32, #tpu.memory_space<vmem>>)
          tpu.yield
        }) : () -> ()
      } else {
      }
      %jit3A_192 = arith.constant 2 : i32
      %eq3A_193 = arith.constant 0 : i32
      %eq3A_194 = arith.cmpi eq, %jit3A_192, %eq3A_193 : i32
      %jit3A_195 = arith.constant 1 : i32
      %select_n3A_196 = arith.select %eq3A_194, %jit3A_195, %jit3A_192 : i32
      %rem3A_197 = arith.remsi %scan3A_172, %select_n3A_196 : i32
      %ne3A_198 = arith.constant 0 : i32
      %ne3A_199 = arith.cmpi ne, %rem3A_197, %ne3A_198 : i32
      %lt3A_200 = arith.constant 0 : i32
      %lt3A_201 = arith.cmpi slt, %rem3A_197, %lt3A_200 : i32
      %lt3A_202 = arith.constant 0 : i32
      %lt3A_203 = arith.cmpi slt, %select_n3A_196, %lt3A_202 : i32
      %ne3A_204 = arith.xori %lt3A_201, %lt3A_203 : i1
      %and3A_205 = arith.andi %ne3A_204, %ne3A_199 : i1
      %add3A_206 = arith.addi %rem3A_197, %select_n3A_196 : i32
      %select_n3A_207 = arith.select %and3A_205, %add3A_206, %rem3A_197 : i32
      %eq3A_208 = arith.constant 0 : i32
      %eq3A_209 = arith.cmpi eq, %select_n3A_207, %eq3A_208 : i32
      %convert_element_type3A_210 = arith.extui %eq3A_209 : i1 to i32
      %cond3A_211 = arith.constant 0 : i32
      %cond3A_212 = arith.cmpi ne, %convert_element_type3A_210, %cond3A_211 : i32
      scf.if %cond3A_212 {
        %lt3A_219 = arith.constant 324 : i32
        %lt3A_220 = arith.cmpi slt, %scan3A_172, %lt3A_219 : i32
        %convert_element_type3A_221 = arith.extui %lt3A_220 : i1 to i32
        %cond3A_222 = arith.constant 0 : i32
        %cond3A_223 = arith.cmpi ne, %convert_element_type3A_221, %cond3A_222 : i32
        scf.if %cond3A_223 {
          %ge3A = arith.constant 2 : i32
          %ge3A_228 = arith.cmpi sge, %scan3A_172, %ge3A : i32
          %convert_element_type3A_229 = arith.extui %ge3A_228 : i1 to i32
          %cond3A_230 = arith.constant 0 : i32
          %cond3A_231 = arith.cmpi ne, %convert_element_type3A_229, %cond3A_230 : i32
          scf.if %cond3A_231 {
            %dma_wait3A_307 = arith.constant 0 : i32
            %dma_wait3A_308 = arith.constant 0 : i32
            %dma_wait3A_309 = tpu.memref_slice %arg25[%dma_wait3A_307, %dma_wait3A_308] : memref<10240x128xf32, #tpu.memory_space<vmem_shared>> -> memref<64x128xf32, #tpu.memory_space<vmem_shared>>
            %dma_wait3A_310 = arith.constant 0 : i32
            %dma_wait3A_311 = arith.constant 0 : i32
            %dma_wait3A_312 = tpu.memref_slice %arg25[%dma_wait3A_310, %dma_wait3A_311] : memref<10240x128xf32, #tpu.memory_space<vmem_shared>> -> memref<64x128xf32, #tpu.memory_space<vmem_shared>>
            tpu.wait_dma2 semaphore(%arg28 : memref<!tpu.dma_semaphore, #tpu.memory_space<semaphore_mem>>) src(%arg21 : memref<64x128xf32, #tpu.memory_space<vmem>>) dst(%dma_wait3A_312 : memref<64x128xf32, #tpu.memory_space<vmem_shared>>)
            %dma_wait3A_313 = arith.constant 0 : i32
            %dma_wait3A_314 = tpu.memref_slice %arg24[%dma_wait3A_313] : memref<10240xf32, #tpu.memory_space<vmem_shared>> -> memref<64xf32, #tpu.memory_space<vmem_shared>>
            %dma_wait3A_315 = arith.constant 0 : i32
            %dma_wait3A_316 = tpu.memref_slice %arg24[%dma_wait3A_315] : memref<10240xf32, #tpu.memory_space<vmem_shared>> -> memref<64xf32, #tpu.memory_space<vmem_shared>>
            tpu.wait_dma2 semaphore(%arg30 : memref<!tpu.dma_semaphore, #tpu.memory_space<semaphore_mem>>) src(%arg15 : memref<64xi32, #tpu.memory_space<vmem>>) dst(%dma_wait3A_316 : memref<64xf32, #tpu.memory_space<vmem_shared>>)
          } else {
          }
          %jit3A_232 = arith.constant 36 : i32
          %eq3A_233 = arith.constant 0 : i32
          %eq3A_234 = arith.cmpi eq, %jit3A_232, %eq3A_233 : i32
          %jit3A_235 = arith.constant 1 : i32
          %select_n3A_236 = arith.select %eq3A_234, %jit3A_235, %jit3A_232 : i32
          %rem3A_237 = arith.remsi %scan3A_172, %select_n3A_236 : i32
          %ne3A_238 = arith.constant 0 : i32
          %ne3A_239 = arith.cmpi ne, %rem3A_237, %ne3A_238 : i32
          %lt3A_240 = arith.constant 0 : i32
          %lt3A_241 = arith.cmpi slt, %rem3A_237, %lt3A_240 : i32
          %lt3A_242 = arith.constant 0 : i32
          %lt3A_243 = arith.cmpi slt, %select_n3A_236, %lt3A_242 : i32
          %ne3A_244 = arith.xori %lt3A_241, %lt3A_243 : i1
          %and3A_245 = arith.andi %ne3A_244, %ne3A_239 : i1
          %add3A_246 = arith.addi %rem3A_237, %select_n3A_236 : i32
          %select_n3A_247 = arith.select %and3A_245, %add3A_246, %rem3A_237 : i32
          %mul3A_248 = arith.constant 64 : i32
          %mul3A_249 = arith.muli %select_n3A_247, %mul3A_248 : i32
          %add3A_250 = arith.constant 0 : i32
          %add3A_251 = arith.addi %mul3A_249, %add3A_250 : i32
          %get3A = arith.index_cast %add3A_251 : i32 to index
          %get3A_252 = tpu.vector_load %arg13[%get3A] {strides = array<i32>} : memref<2304xi32, #tpu.memory_space<vmem>>, vector<16xi32>,
          %swap3A_253 = arith.constant 0 : index
          %swap3A_254 = tpu.vector_load %arg15[%swap3A_253] {strides = array<i32>} : memref<64xi32, #tpu.memory_space<vmem>>, vector<16xi32>,
          tpu.vector_store %arg15[%swap3A_253], %get3A_252 {strides = array<i32>} : memref<64xi32, #tpu.memory_space<vmem>>, vector<16xi32>,
          %add3A_255 = arith.constant 0 : i32
          %add3A_256 = arith.addi %mul3A_249, %add3A_255 : i32
          %get3A_257 = arith.index_cast %add3A_256 : i32 to index
          %get3A_258 = tpu.vector_load %arg14[%get3A_257] {strides = array<i32>} : memref<2304xi32, #tpu.memory_space<vmem>>, vector<16xi32>,
          %swap3A_259 = arith.constant 0 : index
          %swap3A_260 = tpu.vector_load %arg16[%swap3A_259] {strides = array<i32>} : memref<64xi32, #tpu.memory_space<vmem>>, vector<16xi32>,
          tpu.vector_store %arg16[%swap3A_259], %get3A_258 {strides = array<i32>} : memref<64xi32, #tpu.memory_space<vmem>>, vector<16xi32>,
          %add3A_261 = arith.constant 16 : i32
          %add3A_262 = arith.addi %mul3A_249, %add3A_261 : i32
          %get3A_263 = arith.index_cast %add3A_262 : i32 to index
          %get3A_264 = tpu.vector_load %arg13[%get3A_263] {strides = array<i32>} : memref<2304xi32, #tpu.memory_space<vmem>>, vector<16xi32>,
          %swap3A_265 = arith.constant 16 : index
          %swap3A_266 = tpu.vector_load %arg15[%swap3A_265] {strides = array<i32>} : memref<64xi32, #tpu.memory_space<vmem>>, vector<16xi32>,
          tpu.vector_store %arg15[%swap3A_265], %get3A_264 {strides = array<i32>} : memref<64xi32, #tpu.memory_space<vmem>>, vector<16xi32>,
          %add3A_267 = arith.constant 16 : i32
          %add3A_268 = arith.addi %mul3A_249, %add3A_267 : i32
          %get3A_269 = arith.index_cast %add3A_268 : i32 to index
          %get3A_270 = tpu.vector_load %arg14[%get3A_269] {strides = array<i32>} : memref<2304xi32, #tpu.memory_space<vmem>>, vector<16xi32>,
          %swap3A_271 = arith.constant 16 : index
          %swap3A_272 = tpu.vector_load %arg16[%swap3A_271] {strides = array<i32>} : memref<64xi32, #tpu.memory_space<vmem>>, vector<16xi32>,
          tpu.vector_store %arg16[%swap3A_271], %get3A_270 {strides = array<i32>} : memref<64xi32, #tpu.memory_space<vmem>>, vector<16xi32>,
          %add3A_273 = arith.constant 32 : i32
          %add3A_274 = arith.addi %mul3A_249, %add3A_273 : i32
          %get3A_275 = arith.index_cast %add3A_274 : i32 to index
          %get3A_276 = tpu.vector_load %arg13[%get3A_275] {strides = array<i32>} : memref<2304xi32, #tpu.memory_space<vmem>>, vector<16xi32>,
          %swap3A_277 = arith.constant 32 : index
          %swap3A_278 = tpu.vector_load %arg15[%swap3A_277] {strides = array<i32>} : memref<64xi32, #tpu.memory_space<vmem>>, vector<16xi32>,
          tpu.vector_store %arg15[%swap3A_277], %get3A_276 {strides = array<i32>} : memref<64xi32, #tpu.memory_space<vmem>>, vector<16xi32>,
          %add3A_279 = arith.constant 32 : i32
          %add3A_280 = arith.addi %mul3A_249, %add3A_279 : i32
          %get3A_281 = arith.index_cast %add3A_280 : i32 to index
          %get3A_282 = tpu.vector_load %arg14[%get3A_281] {strides = array<i32>} : memref<2304xi32, #tpu.memory_space<vmem>>, vector<16xi32>,
          %swap3A_283 = arith.constant 32 : index
          %swap3A_284 = tpu.vector_load %arg16[%swap3A_283] {strides = array<i32>} : memref<64xi32, #tpu.memory_space<vmem>>, vector<16xi32>,
          tpu.vector_store %arg16[%swap3A_283], %get3A_282 {strides = array<i32>} : memref<64xi32, #tpu.memory_space<vmem>>, vector<16xi32>,
          %add3A_285 = arith.constant 48 : i32
          %add3A_286 = arith.addi %mul3A_249, %add3A_285 : i32
          %get3A_287 = arith.index_cast %add3A_286 : i32 to index
          %get3A_288 = tpu.vector_load %arg13[%get3A_287] {strides = array<i32>} : memref<2304xi32, #tpu.memory_space<vmem>>, vector<16xi32>,
          %swap3A_289 = arith.constant 48 : index
          %swap3A_290 = tpu.vector_load %arg15[%swap3A_289] {strides = array<i32>} : memref<64xi32, #tpu.memory_space<vmem>>, vector<16xi32>,
          tpu.vector_store %arg15[%swap3A_289], %get3A_288 {strides = array<i32>} : memref<64xi32, #tpu.memory_space<vmem>>, vector<16xi32>,
          %add3A_291 = arith.constant 48 : i32
          %add3A_292 = arith.addi %mul3A_249, %add3A_291 : i32
          %get3A_293 = arith.index_cast %add3A_292 : i32 to index
          %get3A_294 = tpu.vector_load %arg14[%get3A_293] {strides = array<i32>} : memref<2304xi32, #tpu.memory_space<vmem>>, vector<16xi32>,
          %swap3A_295 = arith.constant 48 : index
          %swap3A_296 = tpu.vector_load %arg16[%swap3A_295] {strides = array<i32>} : memref<64xi32, #tpu.memory_space<vmem>>, vector<16xi32>,
          tpu.vector_store %arg16[%swap3A_295], %get3A_294 {strides = array<i32>} : memref<64xi32, #tpu.memory_space<vmem>>, vector<16xi32>,
          %eq3A_297 = arith.constant 0 : i32
          %eq3A_298 = arith.cmpi eq, %arg0, %eq3A_297 : i32
          %convert_element_type3A_299 = arith.extui %eq3A_298 : i1 to i32
          %cond3A_300 = arith.constant 0 : i32
          %cond3A_301 = arith.cmpi ne, %convert_element_type3A_299, %cond3A_300 : i32
          scf.if %cond3A_301 {
            %dma_start3A = arith.constant 0 : i32
            %dma_start3A_307 = arith.constant 0 : i32
            %dma_start3A_308 = tpu.memref_slice %arg3[%dma_start3A, %dma_start3A_307] : memref<10240x128xf32, #tpu.memory_space<hbm>> -> memref<10240x128xf32, #tpu.memory_space<hbm>>
            tpu.enqueue_indirect_dma source(%dma_start3A_308 : memref<10240x128xf32, #tpu.memory_space<hbm>>) target(%arg21 : memref<64x128xf32, #tpu.memory_space<vmem>>) offsets(%arg15 : memref<64xi32, #tpu.memory_space<vmem>>) semaphore(%arg26 : memref<!tpu.dma_semaphore, #tpu.memory_space<semaphore_mem>>)
          } else {
          }
          %eq3A_302 = arith.constant 1 : i32
          %eq3A_303 = arith.cmpi eq, %arg0, %eq3A_302 : i32
          %convert_element_type3A_304 = arith.extui %eq3A_303 : i1 to i32
          %cond3A_305 = arith.constant 0 : i32
          %cond3A_306 = arith.cmpi ne, %convert_element_type3A_304, %cond3A_305 : i32
          scf.if %cond3A_306 {
            %dma_start3A = arith.constant 0 : i32
            %dma_start3A_307 = arith.constant 0 : i32
            %dma_start3A_308 = tpu.memref_slice %arg4[%dma_start3A, %dma_start3A_307] : memref<10240x128xf32, #tpu.memory_space<hbm>> -> memref<10240x128xf32, #tpu.memory_space<hbm>>
            tpu.enqueue_indirect_dma source(%dma_start3A_308 : memref<10240x128xf32, #tpu.memory_space<hbm>>) target(%arg21 : memref<64x128xf32, #tpu.memory_space<vmem>>) offsets(%arg15 : memref<64xi32, #tpu.memory_space<vmem>>) semaphore(%arg26 : memref<!tpu.dma_semaphore, #tpu.memory_space<semaphore_mem>>)
          } else {
          }
        } else {
        }
        %gt3A = arith.constant 0 : i32
        %gt3A_224 = arith.cmpi sgt, %scan3A_172, %gt3A : i32
        %convert_element_type3A_225 = arith.extui %gt3A_224 : i1 to i32
        %cond3A_226 = arith.constant 0 : i32
        %cond3A_227 = arith.cmpi ne, %convert_element_type3A_225, %cond3A_226 : i32
        scf.if %cond3A_227 {
          %dma_wait3A_228 = arith.constant 0 : i32
          %dma_wait3A_229 = arith.constant 0 : i32
          %dma_wait3A_230 = tpu.memref_slice %arg3[%dma_wait3A_228, %dma_wait3A_229] : memref<10240x128xf32, #tpu.memory_space<hbm>> -> memref<64x128xf32, #tpu.memory_space<hbm>>
          %dma_wait3A_231 = arith.constant 0 : i32
          %dma_wait3A_232 = arith.constant 0 : i32
          %dma_wait3A_233 = tpu.memref_slice %arg3[%dma_wait3A_231, %dma_wait3A_232] : memref<10240x128xf32, #tpu.memory_space<hbm>> -> memref<64x128xf32, #tpu.memory_space<hbm>>
          tpu.wait_dma2 semaphore(%arg27 : memref<!tpu.dma_semaphore, #tpu.memory_space<semaphore_mem>>) src(%dma_wait3A_233 : memref<64x128xf32, #tpu.memory_space<hbm>>) dst(%arg22 : memref<64x128xf32, #tpu.memory_space<vmem>>)
          %get3A = arith.constant 0 : index
          %get3A_234 = tpu.vector_load %arg17[%get3A] {strides = array<i32>} : memref<64xi32, #tpu.memory_space<vmem>>, vector<16xi32>,
          %get3A_235 = arith.constant 0 : index
          %get3A_236 = tpu.vector_load %arg18[%get3A_235] {strides = array<i32>} : memref<64xi32, #tpu.memory_space<vmem>>, vector<16xi32>,
          %gather3A = tpu.vector_load_idx %arg11[%get3A_234] : memref<10240xf32, #tpu.memory_space<vmem>>[vector<16xi32>], vector<16xf32>,
          %gather3A_237 = tpu.vector_load_idx %arg12[%get3A_236] : memref<10240xf32, #tpu.memory_space<vmem>>[vector<16xi32>], vector<16xf32>,
          %add3A_238 = arith.addf %gather3A, %gather3A_237 : vector<16xf32>
          %ge3A = arith.constant 0.000000e+00 : f32
          %ge3A_239 = vector.broadcast %ge3A : f32 to vector<16xf32>
          %ge3A_240 = arith.cmpf oge, %add3A_238, %ge3A_239 : vector<16xf32>
          %mul3A_241 = arith.constant 2.000000e-01 : f32
          %mul3A_242 = vector.broadcast %mul3A_241 : f32 to vector<16xf32>
          %mul3A_243 = arith.mulf %mul3A_242, %add3A_238 : vector<16xf32>
          %select_n3A_244 = arith.select %ge3A_240, %add3A_238, %mul3A_243 : vector<16xi1>, vector<16xf32>
          %exp3A = math.exp %select_n3A_244 : vector<16xf32>
          %swap3A_245 = arith.constant 0 : index
          %swap3A_246 = tpu.vector_load %arg20[%swap3A_245] {strides = array<i32>} : memref<64xf32, #tpu.memory_space<vmem>>, vector<16xf32>,
          tpu.vector_store %arg20[%swap3A_245], %exp3A {strides = array<i32>} : memref<64xf32, #tpu.memory_space<vmem>>, vector<16xf32>,
          %get3A_247 = arith.constant 16 : index
          %get3A_248 = tpu.vector_load %arg17[%get3A_247] {strides = array<i32>} : memref<64xi32, #tpu.memory_space<vmem>>, vector<16xi32>,
          %get3A_249 = arith.constant 16 : index
          %get3A_250 = tpu.vector_load %arg18[%get3A_249] {strides = array<i32>} : memref<64xi32, #tpu.memory_space<vmem>>, vector<16xi32>,
          %gather3A_251 = tpu.vector_load_idx %arg11[%get3A_248] : memref<10240xf32, #tpu.memory_space<vmem>>[vector<16xi32>], vector<16xf32>,
          %gather3A_252 = tpu.vector_load_idx %arg12[%get3A_250] : memref<10240xf32, #tpu.memory_space<vmem>>[vector<16xi32>], vector<16xf32>,
          %add3A_253 = arith.addf %gather3A_251, %gather3A_252 : vector<16xf32>
          %ge3A_254 = arith.constant 0.000000e+00 : f32
          %ge3A_255 = vector.broadcast %ge3A_254 : f32 to vector<16xf32>
          %ge3A_256 = arith.cmpf oge, %add3A_253, %ge3A_255 : vector<16xf32>
          %mul3A_257 = arith.constant 2.000000e-01 : f32
          %mul3A_258 = vector.broadcast %mul3A_257 : f32 to vector<16xf32>
          %mul3A_259 = arith.mulf %mul3A_258, %add3A_253 : vector<16xf32>
          %select_n3A_260 = arith.select %ge3A_256, %add3A_253, %mul3A_259 : vector<16xi1>, vector<16xf32>
          %exp3A_261 = math.exp %select_n3A_260 : vector<16xf32>
          %swap3A_262 = arith.constant 16 : index
          %swap3A_263 = tpu.vector_load %arg20[%swap3A_262] {strides = array<i32>} : memref<64xf32, #tpu.memory_space<vmem>>, vector<16xf32>,
          tpu.vector_store %arg20[%swap3A_262], %exp3A_261 {strides = array<i32>} : memref<64xf32, #tpu.memory_space<vmem>>, vector<16xf32>,
          %get3A_264 = arith.constant 32 : index
          %get3A_265 = tpu.vector_load %arg17[%get3A_264] {strides = array<i32>} : memref<64xi32, #tpu.memory_space<vmem>>, vector<16xi32>,
          %get3A_266 = arith.constant 32 : index
          %get3A_267 = tpu.vector_load %arg18[%get3A_266] {strides = array<i32>} : memref<64xi32, #tpu.memory_space<vmem>>, vector<16xi32>,
          %gather3A_268 = tpu.vector_load_idx %arg11[%get3A_265] : memref<10240xf32, #tpu.memory_space<vmem>>[vector<16xi32>], vector<16xf32>,
          %gather3A_269 = tpu.vector_load_idx %arg12[%get3A_267] : memref<10240xf32, #tpu.memory_space<vmem>>[vector<16xi32>], vector<16xf32>,
          %add3A_270 = arith.addf %gather3A_268, %gather3A_269 : vector<16xf32>
          %ge3A_271 = arith.constant 0.000000e+00 : f32
          %ge3A_272 = vector.broadcast %ge3A_271 : f32 to vector<16xf32>
          %ge3A_273 = arith.cmpf oge, %add3A_270, %ge3A_272 : vector<16xf32>
          %mul3A_274 = arith.constant 2.000000e-01 : f32
          %mul3A_275 = vector.broadcast %mul3A_274 : f32 to vector<16xf32>
          %mul3A_276 = arith.mulf %mul3A_275, %add3A_270 : vector<16xf32>
          %select_n3A_277 = arith.select %ge3A_273, %add3A_270, %mul3A_276 : vector<16xi1>, vector<16xf32>
          %exp3A_278 = math.exp %select_n3A_277 : vector<16xf32>
          %swap3A_279 = arith.constant 32 : index
          %swap3A_280 = tpu.vector_load %arg20[%swap3A_279] {strides = array<i32>} : memref<64xf32, #tpu.memory_space<vmem>>, vector<16xf32>,
          tpu.vector_store %arg20[%swap3A_279], %exp3A_278 {strides = array<i32>} : memref<64xf32, #tpu.memory_space<vmem>>, vector<16xf32>,
          %get3A_281 = arith.constant 48 : index
          %get3A_282 = tpu.vector_load %arg17[%get3A_281] {strides = array<i32>} : memref<64xi32, #tpu.memory_space<vmem>>, vector<16xi32>,
          %get3A_283 = arith.constant 48 : index
          %get3A_284 = tpu.vector_load %arg18[%get3A_283] {strides = array<i32>} : memref<64xi32, #tpu.memory_space<vmem>>, vector<16xi32>,
          %gather3A_285 = tpu.vector_load_idx %arg11[%get3A_282] : memref<10240xf32, #tpu.memory_space<vmem>>[vector<16xi32>], vector<16xf32>,
          %gather3A_286 = tpu.vector_load_idx %arg12[%get3A_284] : memref<10240xf32, #tpu.memory_space<vmem>>[vector<16xi32>], vector<16xf32>,
          %add3A_287 = arith.addf %gather3A_285, %gather3A_286 : vector<16xf32>
          %ge3A_288 = arith.constant 0.000000e+00 : f32
          %ge3A_289 = vector.broadcast %ge3A_288 : f32 to vector<16xf32>
          %ge3A_290 = arith.cmpf oge, %add3A_287, %ge3A_289 : vector<16xf32>
          %mul3A_291 = arith.constant 2.000000e-01 : f32
          %mul3A_292 = vector.broadcast %mul3A_291 : f32 to vector<16xf32>
          %mul3A_293 = arith.mulf %mul3A_292, %add3A_287 : vector<16xf32>
          %select_n3A_294 = arith.select %ge3A_290, %add3A_287, %mul3A_293 : vector<16xi1>, vector<16xf32>
          %exp3A_295 = math.exp %select_n3A_294 : vector<16xf32>
          %swap3A_296 = arith.constant 48 : index
          %swap3A_297 = tpu.vector_load %arg20[%swap3A_296] {strides = array<i32>} : memref<64xf32, #tpu.memory_space<vmem>>, vector<16xf32>,
          tpu.vector_store %arg20[%swap3A_296], %exp3A_295 {strides = array<i32>} : memref<64xf32, #tpu.memory_space<vmem>>, vector<16xf32>,
          %dma_start3A = arith.constant 0 : i32
          %dma_start3A_298 = tpu.memref_slice %arg24[%dma_start3A] : memref<10240xf32, #tpu.memory_space<vmem_shared>> -> memref<10240xf32, #tpu.memory_space<vmem_shared>>
          tpu.enqueue_indirect_dma source(%arg20 : memref<64xf32, #tpu.memory_space<vmem>>) target(%dma_start3A_298 : memref<10240xf32, #tpu.memory_space<vmem_shared>>) offsets(%arg18 : memref<64xi32, #tpu.memory_space<vmem>>) semaphore(%arg31 : memref<!tpu.dma_semaphore, #tpu.memory_space<semaphore_mem>>) {add = true}
          %scan3A_299 = arith.constant 0 : i32
          %scan3A_300 = arith.constant 0 : i32
          %scan3A_301 = arith.constant 64 : i32
          %scan3A_302 = arith.addi %scan3A_300, %scan3A_301 : i32
          %scan3A_303 = arith.constant 1 : i32
          %scan3A_304 = scf.for %scan3A_309 = %scan3A_300 to %scan3A_302 step %scan3A_303 iter_args(%scan3A_310 = %scan3A_299) -> (i32)  : i32 {
            %mul3A_311 = arith.constant 0 : i32
            %mul3A_312 = vector.broadcast %mul3A_311 : i32 to vector<16xi32>
            %mul3A_313 = arith.muli %iota3A, %mul3A_312 : vector<16xi32>
            %add3A_314 = vector.broadcast %scan3A_309 : i32 to vector<16xi32>
            %add3A_315 = arith.addi %mul3A_313, %add3A_314 : vector<16xi32>
            %gather3A_316 = tpu.vector_load_idx %arg20[%add3A_315] : memref<64xf32, #tpu.memory_space<vmem>>[vector<16xi32>], vector<16xf32>,
            %get3A_317 = arith.index_cast %scan3A_309 : i32 to index
            %get3A_318 = arith.constant 0 : index
            %get3A_319 = tpu.vector_load %arg22[%get3A_317, %get3A_318] {strides = array<i32>} : memref<64x128xf32, #tpu.memory_space<vmem>>, vector<16xf32>,
            %mul3A_320 = arith.mulf %get3A_319, %gather3A_316 : vector<16xf32>
            %swap3A_321 = arith.index_cast %scan3A_309 : i32 to index
            %swap3A_322 = arith.constant 0 : index
            %swap3A_323 = tpu.vector_load %arg22[%swap3A_321, %swap3A_322] {strides = array<i32>} : memref<64x128xf32, #tpu.memory_space<vmem>>, vector<16xf32>,
            tpu.vector_store %arg22[%swap3A_321, %swap3A_322], %mul3A_320 {strides = array<i32>} : memref<64x128xf32, #tpu.memory_space<vmem>>, vector<16xf32>,
            %get3A_324 = arith.index_cast %scan3A_309 : i32 to index
            %get3A_325 = arith.constant 16 : index
            %get3A_326 = tpu.vector_load %arg22[%get3A_324, %get3A_325] {strides = array<i32>} : memref<64x128xf32, #tpu.memory_space<vmem>>, vector<16xf32>,
            %mul3A_327 = arith.mulf %get3A_326, %gather3A_316 : vector<16xf32>
            %swap3A_328 = arith.index_cast %scan3A_309 : i32 to index
            %swap3A_329 = arith.constant 16 : index
            %swap3A_330 = tpu.vector_load %arg22[%swap3A_328, %swap3A_329] {strides = array<i32>} : memref<64x128xf32, #tpu.memory_space<vmem>>, vector<16xf32>,
            tpu.vector_store %arg22[%swap3A_328, %swap3A_329], %mul3A_327 {strides = array<i32>} : memref<64x128xf32, #tpu.memory_space<vmem>>, vector<16xf32>,
            %get3A_331 = arith.index_cast %scan3A_309 : i32 to index
            %get3A_332 = arith.constant 32 : index
            %get3A_333 = tpu.vector_load %arg22[%get3A_331, %get3A_332] {strides = array<i32>} : memref<64x128xf32, #tpu.memory_space<vmem>>, vector<16xf32>,
            %mul3A_334 = arith.mulf %get3A_333, %gather3A_316 : vector<16xf32>
            %swap3A_335 = arith.index_cast %scan3A_309 : i32 to index
            %swap3A_336 = arith.constant 32 : index
            %swap3A_337 = tpu.vector_load %arg22[%swap3A_335, %swap3A_336] {strides = array<i32>} : memref<64x128xf32, #tpu.memory_space<vmem>>, vector<16xf32>,
            tpu.vector_store %arg22[%swap3A_335, %swap3A_336], %mul3A_334 {strides = array<i32>} : memref<64x128xf32, #tpu.memory_space<vmem>>, vector<16xf32>,
            %get3A_338 = arith.index_cast %scan3A_309 : i32 to index
            %get3A_339 = arith.constant 48 : index
            %get3A_340 = tpu.vector_load %arg22[%get3A_338, %get3A_339] {strides = array<i32>} : memref<64x128xf32, #tpu.memory_space<vmem>>, vector<16xf32>,
            %mul3A_341 = arith.mulf %get3A_340, %gather3A_316 : vector<16xf32>
            %swap3A_342 = arith.index_cast %scan3A_309 : i32 to index
            %swap3A_343 = arith.constant 48 : index
            %swap3A_344 = tpu.vector_load %arg22[%swap3A_342, %swap3A_343] {strides = array<i32>} : memref<64x128xf32, #tpu.memory_space<vmem>>, vector<16xf32>,
            tpu.vector_store %arg22[%swap3A_342, %swap3A_343], %mul3A_341 {strides = array<i32>} : memref<64x128xf32, #tpu.memory_space<vmem>>, vector<16xf32>,
            %get3A_345 = arith.index_cast %scan3A_309 : i32 to index
            %get3A_346 = arith.constant 64 : index
            %get3A_347 = tpu.vector_load %arg22[%get3A_345, %get3A_346] {strides = array<i32>} : memref<64x128xf32, #tpu.memory_space<vmem>>, vector<16xf32>,
            %mul3A_348 = arith.mulf %get3A_347, %gather3A_316 : vector<16xf32>
            %swap3A_349 = arith.index_cast %scan3A_309 : i32 to index
            %swap3A_350 = arith.constant 64 : index
            %swap3A_351 = tpu.vector_load %arg22[%swap3A_349, %swap3A_350] {strides = array<i32>} : memref<64x128xf32, #tpu.memory_space<vmem>>, vector<16xf32>,
            tpu.vector_store %arg22[%swap3A_349, %swap3A_350], %mul3A_348 {strides = array<i32>} : memref<64x128xf32, #tpu.memory_space<vmem>>, vector<16xf32>,
            %get3A_352 = arith.index_cast %scan3A_309 : i32 to index
            %get3A_353 = arith.constant 80 : index
            %get3A_354 = tpu.vector_load %arg22[%get3A_352, %get3A_353] {strides = array<i32>} : memref<64x128xf32, #tpu.memory_space<vmem>>, vector<16xf32>,
            %mul3A_355 = arith.mulf %get3A_354, %gather3A_316 : vector<16xf32>
            %swap3A_356 = arith.index_cast %scan3A_309 : i32 to index
            %swap3A_357 = arith.constant 80 : index
            %swap3A_358 = tpu.vector_load %arg22[%swap3A_356, %swap3A_357] {strides = array<i32>} : memref<64x128xf32, #tpu.memory_space<vmem>>, vector<16xf32>,
            tpu.vector_store %arg22[%swap3A_356, %swap3A_357], %mul3A_355 {strides = array<i32>} : memref<64x128xf32, #tpu.memory_space<vmem>>, vector<16xf32>,
            %get3A_359 = arith.index_cast %scan3A_309 : i32 to index
            %get3A_360 = arith.constant 96 : index
            %get3A_361 = tpu.vector_load %arg22[%get3A_359, %get3A_360] {strides = array<i32>} : memref<64x128xf32, #tpu.memory_space<vmem>>, vector<16xf32>,
            %mul3A_362 = arith.mulf %get3A_361, %gather3A_316 : vector<16xf32>
            %swap3A_363 = arith.index_cast %scan3A_309 : i32 to index
            %swap3A_364 = arith.constant 96 : index
            %swap3A_365 = tpu.vector_load %arg22[%swap3A_363, %swap3A_364] {strides = array<i32>} : memref<64x128xf32, #tpu.memory_space<vmem>>, vector<16xf32>,
            tpu.vector_store %arg22[%swap3A_363, %swap3A_364], %mul3A_362 {strides = array<i32>} : memref<64x128xf32, #tpu.memory_space<vmem>>, vector<16xf32>,
            %get3A_366 = arith.index_cast %scan3A_309 : i32 to index
            %get3A_367 = arith.constant 112 : index
            %get3A_368 = tpu.vector_load %arg22[%get3A_366, %get3A_367] {strides = array<i32>} : memref<64x128xf32, #tpu.memory_space<vmem>>, vector<16xf32>,
            %mul3A_369 = arith.mulf %get3A_368, %gather3A_316 : vector<16xf32>
            %swap3A_370 = arith.index_cast %scan3A_309 : i32 to index
            %swap3A_371 = arith.constant 112 : index
            %swap3A_372 = tpu.vector_load %arg22[%swap3A_370, %swap3A_371] {strides = array<i32>} : memref<64x128xf32, #tpu.memory_space<vmem>>, vector<16xf32>,
            tpu.vector_store %arg22[%swap3A_370, %swap3A_371], %mul3A_369 {strides = array<i32>} : memref<64x128xf32, #tpu.memory_space<vmem>>, vector<16xf32>,
            %scan3A_373 = arith.constant 0 : i32
            scf.yield %scan3A_373 : i32
          }
          %scan3A_305 = arith.constant 64 : i32
          %dma_start3A_306 = arith.constant 0 : i32
          %dma_start3A_307 = arith.constant 0 : i32
          %dma_start3A_308 = tpu.memref_slice %arg25[%dma_start3A_306, %dma_start3A_307] : memref<10240x128xf32, #tpu.memory_space<vmem_shared>> -> memref<10240x128xf32, #tpu.memory_space<vmem_shared>>
          tpu.enqueue_indirect_dma source(%arg22 : memref<64x128xf32, #tpu.memory_space<vmem>>) target(%dma_start3A_308 : memref<10240x128xf32, #tpu.memory_space<vmem_shared>>) offsets(%arg18 : memref<64xi32, #tpu.memory_space<vmem>>) semaphore(%arg29 : memref<!tpu.dma_semaphore, #tpu.memory_space<semaphore_mem>>) {add = true}
        } else {
        }
      } else {
      }
      %eq3A_213 = arith.constant 1 : i32
      %eq3A_214 = arith.cmpi eq, %select_n3A_207, %eq3A_213 : i32
      %convert_element_type3A_215 = arith.extui %eq3A_214 : i1 to i32
      %cond3A_216 = arith.constant 0 : i32
      %cond3A_217 = arith.cmpi ne, %convert_element_type3A_215, %cond3A_216 : i32
      scf.if %cond3A_217 {
        %lt3A_219 = arith.constant 324 : i32
        %lt3A_220 = arith.cmpi slt, %scan3A_172, %lt3A_219 : i32
        %convert_element_type3A_221 = arith.extui %lt3A_220 : i1 to i32
        %cond3A_222 = arith.constant 0 : i32
        %cond3A_223 = arith.cmpi ne, %convert_element_type3A_221, %cond3A_222 : i32
        scf.if %cond3A_223 {
          %ge3A_305 = arith.constant 2 : i32
          %ge3A_306 = arith.cmpi sge, %scan3A_172, %ge3A_305 : i32
          %convert_element_type3A_307 = arith.extui %ge3A_306 : i1 to i32
          %cond3A_308 = arith.constant 0 : i32
          %cond3A_309 = arith.cmpi ne, %convert_element_type3A_307, %cond3A_308 : i32
          scf.if %cond3A_309 {
            %dma_wait3A_386 = arith.constant 0 : i32
            %dma_wait3A_387 = arith.constant 0 : i32
            %dma_wait3A_388 = tpu.memref_slice %arg25[%dma_wait3A_386, %dma_wait3A_387] : memref<10240x128xf32, #tpu.memory_space<vmem_shared>> -> memref<64x128xf32, #tpu.memory_space<vmem_shared>>
            %dma_wait3A_389 = arith.constant 0 : i32
            %dma_wait3A_390 = arith.constant 0 : i32
            %dma_wait3A_391 = tpu.memref_slice %arg25[%dma_wait3A_389, %dma_wait3A_390] : memref<10240x128xf32, #tpu.memory_space<vmem_shared>> -> memref<64x128xf32, #tpu.memory_space<vmem_shared>>
            tpu.wait_dma2 semaphore(%arg29 : memref<!tpu.dma_semaphore, #tpu.memory_space<semaphore_mem>>) src(%arg22 : memref<64x128xf32, #tpu.memory_space<vmem>>) dst(%dma_wait3A_391 : memref<64x128xf32, #tpu.memory_space<vmem_shared>>)
            %dma_wait3A_392 = arith.constant 0 : i32
            %dma_wait3A_393 = tpu.memref_slice %arg24[%dma_wait3A_392] : memref<10240xf32, #tpu.memory_space<vmem_shared>> -> memref<64xf32, #tpu.memory_space<vmem_shared>>
            %dma_wait3A_394 = arith.constant 0 : i32
            %dma_wait3A_395 = tpu.memref_slice %arg24[%dma_wait3A_394] : memref<10240xf32, #tpu.memory_space<vmem_shared>> -> memref<64xf32, #tpu.memory_space<vmem_shared>>
            tpu.wait_dma2 semaphore(%arg31 : memref<!tpu.dma_semaphore, #tpu.memory_space<semaphore_mem>>) src(%arg17 : memref<64xi32, #tpu.memory_space<vmem>>) dst(%dma_wait3A_395 : memref<64xf32, #tpu.memory_space<vmem_shared>>)
          } else {
          }
          %jit3A_310 = arith.constant 36 : i32
          %eq3A_311 = arith.constant 0 : i32
          %eq3A_312 = arith.cmpi eq, %jit3A_310, %eq3A_311 : i32
          %jit3A_313 = arith.constant 1 : i32
          %select_n3A_314 = arith.select %eq3A_312, %jit3A_313, %jit3A_310 : i32
          %rem3A_315 = arith.remsi %scan3A_172, %select_n3A_314 : i32
          %ne3A_316 = arith.constant 0 : i32
          %ne3A_317 = arith.cmpi ne, %rem3A_315, %ne3A_316 : i32
          %lt3A_318 = arith.constant 0 : i32
          %lt3A_319 = arith.cmpi slt, %rem3A_315, %lt3A_318 : i32
          %lt3A_320 = arith.constant 0 : i32
          %lt3A_321 = arith.cmpi slt, %select_n3A_314, %lt3A_320 : i32
          %ne3A_322 = arith.xori %lt3A_319, %lt3A_321 : i1
          %and3A_323 = arith.andi %ne3A_322, %ne3A_317 : i1
          %add3A_324 = arith.addi %rem3A_315, %select_n3A_314 : i32
          %select_n3A_325 = arith.select %and3A_323, %add3A_324, %rem3A_315 : i32
          %mul3A_326 = arith.constant 64 : i32
          %mul3A_327 = arith.muli %select_n3A_325, %mul3A_326 : i32
          %add3A_328 = arith.constant 0 : i32
          %add3A_329 = arith.addi %mul3A_327, %add3A_328 : i32
          %get3A_330 = arith.index_cast %add3A_329 : i32 to index
          %get3A_331 = tpu.vector_load %arg13[%get3A_330] {strides = array<i32>} : memref<2304xi32, #tpu.memory_space<vmem>>, vector<16xi32>,
          %swap3A_332 = arith.constant 0 : index
          %swap3A_333 = tpu.vector_load %arg17[%swap3A_332] {strides = array<i32>} : memref<64xi32, #tpu.memory_space<vmem>>, vector<16xi32>,
          tpu.vector_store %arg17[%swap3A_332], %get3A_331 {strides = array<i32>} : memref<64xi32, #tpu.memory_space<vmem>>, vector<16xi32>,
          %add3A_334 = arith.constant 0 : i32
          %add3A_335 = arith.addi %mul3A_327, %add3A_334 : i32
          %get3A_336 = arith.index_cast %add3A_335 : i32 to index
          %get3A_337 = tpu.vector_load %arg14[%get3A_336] {strides = array<i32>} : memref<2304xi32, #tpu.memory_space<vmem>>, vector<16xi32>,
          %swap3A_338 = arith.constant 0 : index
          %swap3A_339 = tpu.vector_load %arg18[%swap3A_338] {strides = array<i32>} : memref<64xi32, #tpu.memory_space<vmem>>, vector<16xi32>,
          tpu.vector_store %arg18[%swap3A_338], %get3A_337 {strides = array<i32>} : memref<64xi32, #tpu.memory_space<vmem>>, vector<16xi32>,
          %add3A_340 = arith.constant 16 : i32
          %add3A_341 = arith.addi %mul3A_327, %add3A_340 : i32
          %get3A_342 = arith.index_cast %add3A_341 : i32 to index
          %get3A_343 = tpu.vector_load %arg13[%get3A_342] {strides = array<i32>} : memref<2304xi32, #tpu.memory_space<vmem>>, vector<16xi32>,
          %swap3A_344 = arith.constant 16 : index
          %swap3A_345 = tpu.vector_load %arg17[%swap3A_344] {strides = array<i32>} : memref<64xi32, #tpu.memory_space<vmem>>, vector<16xi32>,
          tpu.vector_store %arg17[%swap3A_344], %get3A_343 {strides = array<i32>} : memref<64xi32, #tpu.memory_space<vmem>>, vector<16xi32>,
          %add3A_346 = arith.constant 16 : i32
          %add3A_347 = arith.addi %mul3A_327, %add3A_346 : i32
          %get3A_348 = arith.index_cast %add3A_347 : i32 to index
          %get3A_349 = tpu.vector_load %arg14[%get3A_348] {strides = array<i32>} : memref<2304xi32, #tpu.memory_space<vmem>>, vector<16xi32>,
          %swap3A_350 = arith.constant 16 : index
          %swap3A_351 = tpu.vector_load %arg18[%swap3A_350] {strides = array<i32>} : memref<64xi32, #tpu.memory_space<vmem>>, vector<16xi32>,
          tpu.vector_store %arg18[%swap3A_350], %get3A_349 {strides = array<i32>} : memref<64xi32, #tpu.memory_space<vmem>>, vector<16xi32>,
          %add3A_352 = arith.constant 32 : i32
          %add3A_353 = arith.addi %mul3A_327, %add3A_352 : i32
          %get3A_354 = arith.index_cast %add3A_353 : i32 to index
          %get3A_355 = tpu.vector_load %arg13[%get3A_354] {strides = array<i32>} : memref<2304xi32, #tpu.memory_space<vmem>>, vector<16xi32>,
          %swap3A_356 = arith.constant 32 : index
          %swap3A_357 = tpu.vector_load %arg17[%swap3A_356] {strides = array<i32>} : memref<64xi32, #tpu.memory_space<vmem>>, vector<16xi32>,
          tpu.vector_store %arg17[%swap3A_356], %get3A_355 {strides = array<i32>} : memref<64xi32, #tpu.memory_space<vmem>>, vector<16xi32>,
          %add3A_358 = arith.constant 32 : i32
          %add3A_359 = arith.addi %mul3A_327, %add3A_358 : i32
          %get3A_360 = arith.index_cast %add3A_359 : i32 to index
          %get3A_361 = tpu.vector_load %arg14[%get3A_360] {strides = array<i32>} : memref<2304xi32, #tpu.memory_space<vmem>>, vector<16xi32>,
          %swap3A_362 = arith.constant 32 : index
          %swap3A_363 = tpu.vector_load %arg18[%swap3A_362] {strides = array<i32>} : memref<64xi32, #tpu.memory_space<vmem>>, vector<16xi32>,
          tpu.vector_store %arg18[%swap3A_362], %get3A_361 {strides = array<i32>} : memref<64xi32, #tpu.memory_space<vmem>>, vector<16xi32>,
          %add3A_364 = arith.constant 48 : i32
          %add3A_365 = arith.addi %mul3A_327, %add3A_364 : i32
          %get3A_366 = arith.index_cast %add3A_365 : i32 to index
          %get3A_367 = tpu.vector_load %arg13[%get3A_366] {strides = array<i32>} : memref<2304xi32, #tpu.memory_space<vmem>>, vector<16xi32>,
          %swap3A_368 = arith.constant 48 : index
          %swap3A_369 = tpu.vector_load %arg17[%swap3A_368] {strides = array<i32>} : memref<64xi32, #tpu.memory_space<vmem>>, vector<16xi32>,
          tpu.vector_store %arg17[%swap3A_368], %get3A_367 {strides = array<i32>} : memref<64xi32, #tpu.memory_space<vmem>>, vector<16xi32>,
          %add3A_370 = arith.constant 48 : i32
          %add3A_371 = arith.addi %mul3A_327, %add3A_370 : i32
          %get3A_372 = arith.index_cast %add3A_371 : i32 to index
          %get3A_373 = tpu.vector_load %arg14[%get3A_372] {strides = array<i32>} : memref<2304xi32, #tpu.memory_space<vmem>>, vector<16xi32>,
          %swap3A_374 = arith.constant 48 : index
          %swap3A_375 = tpu.vector_load %arg18[%swap3A_374] {strides = array<i32>} : memref<64xi32, #tpu.memory_space<vmem>>, vector<16xi32>,
          tpu.vector_store %arg18[%swap3A_374], %get3A_373 {strides = array<i32>} : memref<64xi32, #tpu.memory_space<vmem>>, vector<16xi32>,
          %eq3A_376 = arith.constant 0 : i32
          %eq3A_377 = arith.cmpi eq, %arg0, %eq3A_376 : i32
          %convert_element_type3A_378 = arith.extui %eq3A_377 : i1 to i32
          %cond3A_379 = arith.constant 0 : i32
          %cond3A_380 = arith.cmpi ne, %convert_element_type3A_378, %cond3A_379 : i32
          scf.if %cond3A_380 {
            %dma_start3A_386 = arith.constant 0 : i32
            %dma_start3A_387 = arith.constant 0 : i32
            %dma_start3A_388 = tpu.memref_slice %arg3[%dma_start3A_386, %dma_start3A_387] : memref<10240x128xf32, #tpu.memory_space<hbm>> -> memref<10240x128xf32, #tpu.memory_space<hbm>>
            tpu.enqueue_indirect_dma source(%dma_start3A_388 : memref<10240x128xf32, #tpu.memory_space<hbm>>) target(%arg22 : memref<64x128xf32, #tpu.memory_space<vmem>>) offsets(%arg17 : memref<64xi32, #tpu.memory_space<vmem>>) semaphore(%arg27 : memref<!tpu.dma_semaphore, #tpu.memory_space<semaphore_mem>>)
          } else {
          }
          %eq3A_381 = arith.constant 1 : i32
          %eq3A_382 = arith.cmpi eq, %arg0, %eq3A_381 : i32
          %convert_element_type3A_383 = arith.extui %eq3A_382 : i1 to i32
          %cond3A_384 = arith.constant 0 : i32
          %cond3A_385 = arith.cmpi ne, %convert_element_type3A_383, %cond3A_384 : i32
          scf.if %cond3A_385 {
            %dma_start3A_386 = arith.constant 0 : i32
            %dma_start3A_387 = arith.constant 0 : i32
            %dma_start3A_388 = tpu.memref_slice %arg4[%dma_start3A_386, %dma_start3A_387] : memref<10240x128xf32, #tpu.memory_space<hbm>> -> memref<10240x128xf32, #tpu.memory_space<hbm>>
            tpu.enqueue_indirect_dma source(%dma_start3A_388 : memref<10240x128xf32, #tpu.memory_space<hbm>>) target(%arg22 : memref<64x128xf32, #tpu.memory_space<vmem>>) offsets(%arg17 : memref<64xi32, #tpu.memory_space<vmem>>) semaphore(%arg27 : memref<!tpu.dma_semaphore, #tpu.memory_space<semaphore_mem>>)
          } else {
          }
        } else {
        }
        %dma_wait3A_224 = arith.constant 0 : i32
        %dma_wait3A_225 = arith.constant 0 : i32
        %dma_wait3A_226 = tpu.memref_slice %arg3[%dma_wait3A_224, %dma_wait3A_225] : memref<10240x128xf32, #tpu.memory_space<hbm>> -> memref<64x128xf32, #tpu.memory_space<hbm>>
        %dma_wait3A_227 = arith.constant 0 : i32
        %dma_wait3A_228 = arith.constant 0 : i32
        %dma_wait3A_229 = tpu.memref_slice %arg3[%dma_wait3A_227, %dma_wait3A_228] : memref<10240x128xf32, #tpu.memory_space<hbm>> -> memref<64x128xf32, #tpu.memory_space<hbm>>
        tpu.wait_dma2 semaphore(%arg26 : memref<!tpu.dma_semaphore, #tpu.memory_space<semaphore_mem>>) src(%dma_wait3A_229 : memref<64x128xf32, #tpu.memory_space<hbm>>) dst(%arg21 : memref<64x128xf32, #tpu.memory_space<vmem>>)
        %get3A = arith.constant 0 : index
        %get3A_230 = tpu.vector_load %arg15[%get3A] {strides = array<i32>} : memref<64xi32, #tpu.memory_space<vmem>>, vector<16xi32>,
        %get3A_231 = arith.constant 0 : index
        %get3A_232 = tpu.vector_load %arg16[%get3A_231] {strides = array<i32>} : memref<64xi32, #tpu.memory_space<vmem>>, vector<16xi32>,
        %gather3A = tpu.vector_load_idx %arg11[%get3A_230] : memref<10240xf32, #tpu.memory_space<vmem>>[vector<16xi32>], vector<16xf32>,
        %gather3A_233 = tpu.vector_load_idx %arg12[%get3A_232] : memref<10240xf32, #tpu.memory_space<vmem>>[vector<16xi32>], vector<16xf32>,
        %add3A_234 = arith.addf %gather3A, %gather3A_233 : vector<16xf32>
        %ge3A = arith.constant 0.000000e+00 : f32
        %ge3A_235 = vector.broadcast %ge3A : f32 to vector<16xf32>
        %ge3A_236 = arith.cmpf oge, %add3A_234, %ge3A_235 : vector<16xf32>
        %mul3A_237 = arith.constant 2.000000e-01 : f32
        %mul3A_238 = vector.broadcast %mul3A_237 : f32 to vector<16xf32>
        %mul3A_239 = arith.mulf %mul3A_238, %add3A_234 : vector<16xf32>
        %select_n3A_240 = arith.select %ge3A_236, %add3A_234, %mul3A_239 : vector<16xi1>, vector<16xf32>
        %exp3A = math.exp %select_n3A_240 : vector<16xf32>
        %swap3A_241 = arith.constant 0 : index
        %swap3A_242 = tpu.vector_load %arg19[%swap3A_241] {strides = array<i32>} : memref<64xf32, #tpu.memory_space<vmem>>, vector<16xf32>,
        tpu.vector_store %arg19[%swap3A_241], %exp3A {strides = array<i32>} : memref<64xf32, #tpu.memory_space<vmem>>, vector<16xf32>,
        %get3A_243 = arith.constant 16 : index
        %get3A_244 = tpu.vector_load %arg15[%get3A_243] {strides = array<i32>} : memref<64xi32, #tpu.memory_space<vmem>>, vector<16xi32>,
        %get3A_245 = arith.constant 16 : index
        %get3A_246 = tpu.vector_load %arg16[%get3A_245] {strides = array<i32>} : memref<64xi32, #tpu.memory_space<vmem>>, vector<16xi32>,
        %gather3A_247 = tpu.vector_load_idx %arg11[%get3A_244] : memref<10240xf32, #tpu.memory_space<vmem>>[vector<16xi32>], vector<16xf32>,
        %gather3A_248 = tpu.vector_load_idx %arg12[%get3A_246] : memref<10240xf32, #tpu.memory_space<vmem>>[vector<16xi32>], vector<16xf32>,
        %add3A_249 = arith.addf %gather3A_247, %gather3A_248 : vector<16xf32>
        %ge3A_250 = arith.constant 0.000000e+00 : f32
        %ge3A_251 = vector.broadcast %ge3A_250 : f32 to vector<16xf32>
        %ge3A_252 = arith.cmpf oge, %add3A_249, %ge3A_251 : vector<16xf32>
        %mul3A_253 = arith.constant 2.000000e-01 : f32
        %mul3A_254 = vector.broadcast %mul3A_253 : f32 to vector<16xf32>
        %mul3A_255 = arith.mulf %mul3A_254, %add3A_249 : vector<16xf32>
        %select_n3A_256 = arith.select %ge3A_252, %add3A_249, %mul3A_255 : vector<16xi1>, vector<16xf32>
        %exp3A_257 = math.exp %select_n3A_256 : vector<16xf32>
        %swap3A_258 = arith.constant 16 : index
        %swap3A_259 = tpu.vector_load %arg19[%swap3A_258] {strides = array<i32>} : memref<64xf32, #tpu.memory_space<vmem>>, vector<16xf32>,
        tpu.vector_store %arg19[%swap3A_258], %exp3A_257 {strides = array<i32>} : memref<64xf32, #tpu.memory_space<vmem>>, vector<16xf32>,
        %get3A_260 = arith.constant 32 : index
        %get3A_261 = tpu.vector_load %arg15[%get3A_260] {strides = array<i32>} : memref<64xi32, #tpu.memory_space<vmem>>, vector<16xi32>,
        %get3A_262 = arith.constant 32 : index
        %get3A_263 = tpu.vector_load %arg16[%get3A_262] {strides = array<i32>} : memref<64xi32, #tpu.memory_space<vmem>>, vector<16xi32>,
        %gather3A_264 = tpu.vector_load_idx %arg11[%get3A_261] : memref<10240xf32, #tpu.memory_space<vmem>>[vector<16xi32>], vector<16xf32>,
        %gather3A_265 = tpu.vector_load_idx %arg12[%get3A_263] : memref<10240xf32, #tpu.memory_space<vmem>>[vector<16xi32>], vector<16xf32>,
        %add3A_266 = arith.addf %gather3A_264, %gather3A_265 : vector<16xf32>
        %ge3A_267 = arith.constant 0.000000e+00 : f32
        %ge3A_268 = vector.broadcast %ge3A_267 : f32 to vector<16xf32>
        %ge3A_269 = arith.cmpf oge, %add3A_266, %ge3A_268 : vector<16xf32>
        %mul3A_270 = arith.constant 2.000000e-01 : f32
        %mul3A_271 = vector.broadcast %mul3A_270 : f32 to vector<16xf32>
        %mul3A_272 = arith.mulf %mul3A_271, %add3A_266 : vector<16xf32>
        %select_n3A_273 = arith.select %ge3A_269, %add3A_266, %mul3A_272 : vector<16xi1>, vector<16xf32>
        %exp3A_274 = math.exp %select_n3A_273 : vector<16xf32>
        %swap3A_275 = arith.constant 32 : index
        %swap3A_276 = tpu.vector_load %arg19[%swap3A_275] {strides = array<i32>} : memref<64xf32, #tpu.memory_space<vmem>>, vector<16xf32>,
        tpu.vector_store %arg19[%swap3A_275], %exp3A_274 {strides = array<i32>} : memref<64xf32, #tpu.memory_space<vmem>>, vector<16xf32>,
        %get3A_277 = arith.constant 48 : index
        %get3A_278 = tpu.vector_load %arg15[%get3A_277] {strides = array<i32>} : memref<64xi32, #tpu.memory_space<vmem>>, vector<16xi32>,
        %get3A_279 = arith.constant 48 : index
        %get3A_280 = tpu.vector_load %arg16[%get3A_279] {strides = array<i32>} : memref<64xi32, #tpu.memory_space<vmem>>, vector<16xi32>,
        %gather3A_281 = tpu.vector_load_idx %arg11[%get3A_278] : memref<10240xf32, #tpu.memory_space<vmem>>[vector<16xi32>], vector<16xf32>,
        %gather3A_282 = tpu.vector_load_idx %arg12[%get3A_280] : memref<10240xf32, #tpu.memory_space<vmem>>[vector<16xi32>], vector<16xf32>,
        %add3A_283 = arith.addf %gather3A_281, %gather3A_282 : vector<16xf32>
        %ge3A_284 = arith.constant 0.000000e+00 : f32
        %ge3A_285 = vector.broadcast %ge3A_284 : f32 to vector<16xf32>
        %ge3A_286 = arith.cmpf oge, %add3A_283, %ge3A_285 : vector<16xf32>
        %mul3A_287 = arith.constant 2.000000e-01 : f32
        %mul3A_288 = vector.broadcast %mul3A_287 : f32 to vector<16xf32>
        %mul3A_289 = arith.mulf %mul3A_288, %add3A_283 : vector<16xf32>
        %select_n3A_290 = arith.select %ge3A_286, %add3A_283, %mul3A_289 : vector<16xi1>, vector<16xf32>
        %exp3A_291 = math.exp %select_n3A_290 : vector<16xf32>
        %swap3A_292 = arith.constant 48 : index
        %swap3A_293 = tpu.vector_load %arg19[%swap3A_292] {strides = array<i32>} : memref<64xf32, #tpu.memory_space<vmem>>, vector<16xf32>,
        tpu.vector_store %arg19[%swap3A_292], %exp3A_291 {strides = array<i32>} : memref<64xf32, #tpu.memory_space<vmem>>, vector<16xf32>,
        %dma_start3A = arith.constant 0 : i32
        %dma_start3A_294 = tpu.memref_slice %arg24[%dma_start3A] : memref<10240xf32, #tpu.memory_space<vmem_shared>> -> memref<10240xf32, #tpu.memory_space<vmem_shared>>
        tpu.enqueue_indirect_dma source(%arg19 : memref<64xf32, #tpu.memory_space<vmem>>) target(%dma_start3A_294 : memref<10240xf32, #tpu.memory_space<vmem_shared>>) offsets(%arg16 : memref<64xi32, #tpu.memory_space<vmem>>) semaphore(%arg30 : memref<!tpu.dma_semaphore, #tpu.memory_space<semaphore_mem>>) {add = true}
        %scan3A_295 = arith.constant 0 : i32
        %scan3A_296 = arith.constant 0 : i32
        %scan3A_297 = arith.constant 64 : i32
        %scan3A_298 = arith.addi %scan3A_296, %scan3A_297 : i32
        %scan3A_299 = arith.constant 1 : i32
        %scan3A_300 = scf.for %scan3A_305 = %scan3A_296 to %scan3A_298 step %scan3A_299 iter_args(%scan3A_306 = %scan3A_295) -> (i32)  : i32 {
          %mul3A_307 = arith.constant 0 : i32
          %mul3A_308 = vector.broadcast %mul3A_307 : i32 to vector<16xi32>
          %mul3A_309 = arith.muli %iota3A, %mul3A_308 : vector<16xi32>
          %add3A_310 = vector.broadcast %scan3A_305 : i32 to vector<16xi32>
          %add3A_311 = arith.addi %mul3A_309, %add3A_310 : vector<16xi32>
          %gather3A_312 = tpu.vector_load_idx %arg19[%add3A_311] : memref<64xf32, #tpu.memory_space<vmem>>[vector<16xi32>], vector<16xf32>,
          %get3A_313 = arith.index_cast %scan3A_305 : i32 to index
          %get3A_314 = arith.constant 0 : index
          %get3A_315 = tpu.vector_load %arg21[%get3A_313, %get3A_314] {strides = array<i32>} : memref<64x128xf32, #tpu.memory_space<vmem>>, vector<16xf32>,
          %mul3A_316 = arith.mulf %get3A_315, %gather3A_312 : vector<16xf32>
          %swap3A_317 = arith.index_cast %scan3A_305 : i32 to index
          %swap3A_318 = arith.constant 0 : index
          %swap3A_319 = tpu.vector_load %arg21[%swap3A_317, %swap3A_318] {strides = array<i32>} : memref<64x128xf32, #tpu.memory_space<vmem>>, vector<16xf32>,
          tpu.vector_store %arg21[%swap3A_317, %swap3A_318], %mul3A_316 {strides = array<i32>} : memref<64x128xf32, #tpu.memory_space<vmem>>, vector<16xf32>,
          %get3A_320 = arith.index_cast %scan3A_305 : i32 to index
          %get3A_321 = arith.constant 16 : index
          %get3A_322 = tpu.vector_load %arg21[%get3A_320, %get3A_321] {strides = array<i32>} : memref<64x128xf32, #tpu.memory_space<vmem>>, vector<16xf32>,
          %mul3A_323 = arith.mulf %get3A_322, %gather3A_312 : vector<16xf32>
          %swap3A_324 = arith.index_cast %scan3A_305 : i32 to index
          %swap3A_325 = arith.constant 16 : index
          %swap3A_326 = tpu.vector_load %arg21[%swap3A_324, %swap3A_325] {strides = array<i32>} : memref<64x128xf32, #tpu.memory_space<vmem>>, vector<16xf32>,
          tpu.vector_store %arg21[%swap3A_324, %swap3A_325], %mul3A_323 {strides = array<i32>} : memref<64x128xf32, #tpu.memory_space<vmem>>, vector<16xf32>,
          %get3A_327 = arith.index_cast %scan3A_305 : i32 to index
          %get3A_328 = arith.constant 32 : index
          %get3A_329 = tpu.vector_load %arg21[%get3A_327, %get3A_328] {strides = array<i32>} : memref<64x128xf32, #tpu.memory_space<vmem>>, vector<16xf32>,
          %mul3A_330 = arith.mulf %get3A_329, %gather3A_312 : vector<16xf32>
          %swap3A_331 = arith.index_cast %scan3A_305 : i32 to index
          %swap3A_332 = arith.constant 32 : index
          %swap3A_333 = tpu.vector_load %arg21[%swap3A_331, %swap3A_332] {strides = array<i32>} : memref<64x128xf32, #tpu.memory_space<vmem>>, vector<16xf32>,
          tpu.vector_store %arg21[%swap3A_331, %swap3A_332], %mul3A_330 {strides = array<i32>} : memref<64x128xf32, #tpu.memory_space<vmem>>, vector<16xf32>,
          %get3A_334 = arith.index_cast %scan3A_305 : i32 to index
          %get3A_335 = arith.constant 48 : index
          %get3A_336 = tpu.vector_load %arg21[%get3A_334, %get3A_335] {strides = array<i32>} : memref<64x128xf32, #tpu.memory_space<vmem>>, vector<16xf32>,
          %mul3A_337 = arith.mulf %get3A_336, %gather3A_312 : vector<16xf32>
          %swap3A_338 = arith.index_cast %scan3A_305 : i32 to index
          %swap3A_339 = arith.constant 48 : index
          %swap3A_340 = tpu.vector_load %arg21[%swap3A_338, %swap3A_339] {strides = array<i32>} : memref<64x128xf32, #tpu.memory_space<vmem>>, vector<16xf32>,
          tpu.vector_store %arg21[%swap3A_338, %swap3A_339], %mul3A_337 {strides = array<i32>} : memref<64x128xf32, #tpu.memory_space<vmem>>, vector<16xf32>,
          %get3A_341 = arith.index_cast %scan3A_305 : i32 to index
          %get3A_342 = arith.constant 64 : index
          %get3A_343 = tpu.vector_load %arg21[%get3A_341, %get3A_342] {strides = array<i32>} : memref<64x128xf32, #tpu.memory_space<vmem>>, vector<16xf32>,
          %mul3A_344 = arith.mulf %get3A_343, %gather3A_312 : vector<16xf32>
          %swap3A_345 = arith.index_cast %scan3A_305 : i32 to index
          %swap3A_346 = arith.constant 64 : index
          %swap3A_347 = tpu.vector_load %arg21[%swap3A_345, %swap3A_346] {strides = array<i32>} : memref<64x128xf32, #tpu.memory_space<vmem>>, vector<16xf32>,
          tpu.vector_store %arg21[%swap3A_345, %swap3A_346], %mul3A_344 {strides = array<i32>} : memref<64x128xf32, #tpu.memory_space<vmem>>, vector<16xf32>,
          %get3A_348 = arith.index_cast %scan3A_305 : i32 to index
          %get3A_349 = arith.constant 80 : index
          %get3A_350 = tpu.vector_load %arg21[%get3A_348, %get3A_349] {strides = array<i32>} : memref<64x128xf32, #tpu.memory_space<vmem>>, vector<16xf32>,
          %mul3A_351 = arith.mulf %get3A_350, %gather3A_312 : vector<16xf32>
          %swap3A_352 = arith.index_cast %scan3A_305 : i32 to index
          %swap3A_353 = arith.constant 80 : index
          %swap3A_354 = tpu.vector_load %arg21[%swap3A_352, %swap3A_353] {strides = array<i32>} : memref<64x128xf32, #tpu.memory_space<vmem>>, vector<16xf32>,
          tpu.vector_store %arg21[%swap3A_352, %swap3A_353], %mul3A_351 {strides = array<i32>} : memref<64x128xf32, #tpu.memory_space<vmem>>, vector<16xf32>,
          %get3A_355 = arith.index_cast %scan3A_305 : i32 to index
          %get3A_356 = arith.constant 96 : index
          %get3A_357 = tpu.vector_load %arg21[%get3A_355, %get3A_356] {strides = array<i32>} : memref<64x128xf32, #tpu.memory_space<vmem>>, vector<16xf32>,
          %mul3A_358 = arith.mulf %get3A_357, %gather3A_312 : vector<16xf32>
          %swap3A_359 = arith.index_cast %scan3A_305 : i32 to index
          %swap3A_360 = arith.constant 96 : index
          %swap3A_361 = tpu.vector_load %arg21[%swap3A_359, %swap3A_360] {strides = array<i32>} : memref<64x128xf32, #tpu.memory_space<vmem>>, vector<16xf32>,
          tpu.vector_store %arg21[%swap3A_359, %swap3A_360], %mul3A_358 {strides = array<i32>} : memref<64x128xf32, #tpu.memory_space<vmem>>, vector<16xf32>,
          %get3A_362 = arith.index_cast %scan3A_305 : i32 to index
          %get3A_363 = arith.constant 112 : index
          %get3A_364 = tpu.vector_load %arg21[%get3A_362, %get3A_363] {strides = array<i32>} : memref<64x128xf32, #tpu.memory_space<vmem>>, vector<16xf32>,
          %mul3A_365 = arith.mulf %get3A_364, %gather3A_312 : vector<16xf32>
          %swap3A_366 = arith.index_cast %scan3A_305 : i32 to index
          %swap3A_367 = arith.constant 112 : index
          %swap3A_368 = tpu.vector_load %arg21[%swap3A_366, %swap3A_367] {strides = array<i32>} : memref<64x128xf32, #tpu.memory_space<vmem>>, vector<16xf32>,
          tpu.vector_store %arg21[%swap3A_366, %swap3A_367], %mul3A_365 {strides = array<i32>} : memref<64x128xf32, #tpu.memory_space<vmem>>, vector<16xf32>,
          %scan3A_369 = arith.constant 0 : i32
          scf.yield %scan3A_369 : i32
        }
        %scan3A_301 = arith.constant 64 : i32
        %dma_start3A_302 = arith.constant 0 : i32
        %dma_start3A_303 = arith.constant 0 : i32
        %dma_start3A_304 = tpu.memref_slice %arg25[%dma_start3A_302, %dma_start3A_303] : memref<10240x128xf32, #tpu.memory_space<vmem_shared>> -> memref<10240x128xf32, #tpu.memory_space<vmem_shared>>
        tpu.enqueue_indirect_dma source(%arg21 : memref<64x128xf32, #tpu.memory_space<vmem>>) target(%dma_start3A_304 : memref<10240x128xf32, #tpu.memory_space<vmem_shared>>) offsets(%arg16 : memref<64xi32, #tpu.memory_space<vmem>>) semaphore(%arg28 : memref<!tpu.dma_semaphore, #tpu.memory_space<semaphore_mem>>) {add = true}
      } else {
      }
      %scan3A_218 = arith.constant 0 : i32
      scf.yield %scan3A_218 : i32
    }
    %scan3A_141 = arith.constant 325 : i32
    %dma_wait3A = arith.constant 0 : i32
    %dma_wait3A_142 = arith.constant 0 : i32
    %dma_wait3A_143 = tpu.memref_slice %arg25[%dma_wait3A, %dma_wait3A_142] : memref<10240x128xf32, #tpu.memory_space<vmem_shared>> -> memref<64x128xf32, #tpu.memory_space<vmem_shared>>
    %dma_wait3A_144 = arith.constant 0 : i32
    %dma_wait3A_145 = arith.constant 0 : i32
    %dma_wait3A_146 = tpu.memref_slice %arg25[%dma_wait3A_144, %dma_wait3A_145] : memref<10240x128xf32, #tpu.memory_space<vmem_shared>> -> memref<64x128xf32, #tpu.memory_space<vmem_shared>>
    tpu.wait_dma2 semaphore(%arg28 : memref<!tpu.dma_semaphore, #tpu.memory_space<semaphore_mem>>) src(%arg21 : memref<64x128xf32, #tpu.memory_space<vmem>>) dst(%dma_wait3A_146 : memref<64x128xf32, #tpu.memory_space<vmem_shared>>)
    %dma_wait3A_147 = arith.constant 0 : i32
    %dma_wait3A_148 = arith.constant 0 : i32
    %dma_wait3A_149 = tpu.memref_slice %arg25[%dma_wait3A_147, %dma_wait3A_148] : memref<10240x128xf32, #tpu.memory_space<vmem_shared>> -> memref<64x128xf32, #tpu.memory_space<vmem_shared>>
    %dma_wait3A_150 = arith.constant 0 : i32
    %dma_wait3A_151 = arith.constant 0 : i32
    %dma_wait3A_152 = tpu.memref_slice %arg25[%dma_wait3A_150, %dma_wait3A_151] : memref<10240x128xf32, #tpu.memory_space<vmem_shared>> -> memref<64x128xf32, #tpu.memory_space<vmem_shared>>
    tpu.wait_dma2 semaphore(%arg29 : memref<!tpu.dma_semaphore, #tpu.memory_space<semaphore_mem>>) src(%arg22 : memref<64x128xf32, #tpu.memory_space<vmem>>) dst(%dma_wait3A_152 : memref<64x128xf32, #tpu.memory_space<vmem_shared>>)
    %dma_wait3A_153 = arith.constant 0 : i32
    %dma_wait3A_154 = tpu.memref_slice %arg24[%dma_wait3A_153] : memref<10240xf32, #tpu.memory_space<vmem_shared>> -> memref<64xf32, #tpu.memory_space<vmem_shared>>
    %dma_wait3A_155 = arith.constant 0 : i32
    %dma_wait3A_156 = tpu.memref_slice %arg24[%dma_wait3A_155] : memref<10240xf32, #tpu.memory_space<vmem_shared>> -> memref<64xf32, #tpu.memory_space<vmem_shared>>
    tpu.wait_dma2 semaphore(%arg30 : memref<!tpu.dma_semaphore, #tpu.memory_space<semaphore_mem>>) src(%arg15 : memref<64xi32, #tpu.memory_space<vmem>>) dst(%dma_wait3A_156 : memref<64xf32, #tpu.memory_space<vmem_shared>>)
    %dma_wait3A_157 = arith.constant 0 : i32
    %dma_wait3A_158 = tpu.memref_slice %arg24[%dma_wait3A_157] : memref<10240xf32, #tpu.memory_space<vmem_shared>> -> memref<64xf32, #tpu.memory_space<vmem_shared>>
    %dma_wait3A_159 = arith.constant 0 : i32
    %dma_wait3A_160 = tpu.memref_slice %arg24[%dma_wait3A_159] : memref<10240xf32, #tpu.memory_space<vmem_shared>> -> memref<64xf32, #tpu.memory_space<vmem_shared>>
    tpu.wait_dma2 semaphore(%arg31 : memref<!tpu.dma_semaphore, #tpu.memory_space<semaphore_mem>>) src(%arg17 : memref<64xi32, #tpu.memory_space<vmem>>) dst(%dma_wait3A_160 : memref<64xf32, #tpu.memory_space<vmem_shared>>)
    %barrier3A_161 = arith.constant 0 : index
    tpu.barrier barrier_id(%barrier3A_161)
    %eq3A_162 = arith.constant 0 : i32
    %eq3A_163 = arith.cmpi eq, %arg0, %eq3A_162 : i32
    %convert_element_type3A_164 = arith.extui %eq3A_163 : i1 to i32
    %cond3A_165 = arith.constant 0 : i32
    %cond3A_166 = arith.cmpi ne, %convert_element_type3A_164, %cond3A_165 : i32
    scf.if %cond3A_166 {
      %mul3A_172 = arith.constant 640 : i32
      %mul3A_173 = arith.muli %arg1, %mul3A_172 : i32
      %mul3A_174 = arith.constant 640 : i32
      %mul3A_175 = arith.muli %arg1, %mul3A_174 : i32
      "tpu.region"() ({
        %run_scoped3A = tpu.sem_alloc : memref<!tpu.dma_semaphore, #tpu.memory_space<semaphore_mem>>
        %dma_start3A = tpu.memref_slice %arg9[%mul3A_175] : memref<10240xf32, #tpu.memory_space<hbm>> -> memref<640xf32, #tpu.memory_space<hbm>>
        %dma_start3A_196 = tpu.memref_slice %arg24[%mul3A_173] : memref<10240xf32, #tpu.memory_space<vmem_shared>> -> memref<640xf32, #tpu.memory_space<vmem_shared>>
        tpu.enqueue_dma source(%dma_start3A_196 : memref<640xf32, #tpu.memory_space<vmem_shared>>) target(%dma_start3A : memref<640xf32, #tpu.memory_space<hbm>>) target_semaphore(%run_scoped3A : memref<!tpu.dma_semaphore, #tpu.memory_space<semaphore_mem>>)
        %dma_wait3A_197 = tpu.memref_slice %arg9[%mul3A_175] : memref<10240xf32, #tpu.memory_space<hbm>> -> memref<640xf32, #tpu.memory_space<hbm>>
        %dma_wait3A_198 = tpu.memref_slice %arg24[%mul3A_173] : memref<10240xf32, #tpu.memory_space<vmem_shared>> -> memref<640xf32, #tpu.memory_space<vmem_shared>>
        tpu.wait_dma2 semaphore(%run_scoped3A : memref<!tpu.dma_semaphore, #tpu.memory_space<semaphore_mem>>) src(%dma_wait3A_198 : memref<640xf32, #tpu.memory_space<vmem_shared>>) dst(%dma_wait3A_197 : memref<640xf32, #tpu.memory_space<hbm>>)
        tpu.yield
      }) : () -> ()
      %mul3A_176 = arith.constant 640 : i32
      %mul3A_177 = arith.muli %arg1, %mul3A_176 : i32
      %add3A_178 = arith.constant 0 : i32
      %add3A_179 = arith.addi %mul3A_177, %add3A_178 : i32
      "tpu.region"() ({
        %run_scoped3A = tpu.sem_alloc : memref<!tpu.dma_semaphore, #tpu.memory_space<semaphore_mem>>
        %dma_start3A = arith.constant 0 : i32
        %dma_start3A_196 = tpu.memref_slice %arg7[%add3A_179, %dma_start3A] : memref<10240x128xf32, #tpu.memory_space<hbm>> -> memref<128x128xf32, #tpu.memory_space<hbm>>
        %dma_start3A_197 = arith.constant 0 : i32
        %dma_start3A_198 = tpu.memref_slice %arg25[%add3A_179, %dma_start3A_197] : memref<10240x128xf32, #tpu.memory_space<vmem_shared>> -> memref<128x128xf32, #tpu.memory_space<vmem_shared>>
        tpu.enqueue_dma source(%dma_start3A_198 : memref<128x128xf32, #tpu.memory_space<vmem_shared>>) target(%dma_start3A_196 : memref<128x128xf32, #tpu.memory_space<hbm>>) target_semaphore(%run_scoped3A : memref<!tpu.dma_semaphore, #tpu.memory_space<semaphore_mem>>)
        %dma_wait3A_199 = arith.constant 0 : i32
        %dma_wait3A_200 = tpu.memref_slice %arg7[%add3A_179, %dma_wait3A_199] : memref<10240x128xf32, #tpu.memory_space<hbm>> -> memref<128x128xf32, #tpu.memory_space<hbm>>
        %dma_wait3A_201 = arith.constant 0 : i32
        %dma_wait3A_202 = tpu.memref_slice %arg25[%add3A_179, %dma_wait3A_201] : memref<10240x128xf32, #tpu.memory_space<vmem_shared>> -> memref<128x128xf32, #tpu.memory_space<vmem_shared>>
        tpu.wait_dma2 semaphore(%run_scoped3A : memref<!tpu.dma_semaphore, #tpu.memory_space<semaphore_mem>>) src(%dma_wait3A_202 : memref<128x128xf32, #tpu.memory_space<vmem_shared>>) dst(%dma_wait3A_200 : memref<128x128xf32, #tpu.memory_space<hbm>>)
        tpu.yield
      }) : () -> ()
      %mul3A_180 = arith.constant 640 : i32
      %mul3A_181 = arith.muli %arg1, %mul3A_180 : i32
      %add3A_182 = arith.constant 128 : i32
      %add3A_183 = arith.addi %mul3A_181, %add3A_182 : i32
      "tpu.region"() ({
        %run_scoped3A = tpu.sem_alloc : memref<!tpu.dma_semaphore, #tpu.memory_space<semaphore_mem>>
        %dma_start3A = arith.constant 0 : i32
        %dma_start3A_196 = tpu.memref_slice %arg7[%add3A_183, %dma_start3A] : memref<10240x128xf32, #tpu.memory_space<hbm>> -> memref<128x128xf32, #tpu.memory_space<hbm>>
        %dma_start3A_197 = arith.constant 0 : i32
        %dma_start3A_198 = tpu.memref_slice %arg25[%add3A_183, %dma_start3A_197] : memref<10240x128xf32, #tpu.memory_space<vmem_shared>> -> memref<128x128xf32, #tpu.memory_space<vmem_shared>>
        tpu.enqueue_dma source(%dma_start3A_198 : memref<128x128xf32, #tpu.memory_space<vmem_shared>>) target(%dma_start3A_196 : memref<128x128xf32, #tpu.memory_space<hbm>>) target_semaphore(%run_scoped3A : memref<!tpu.dma_semaphore, #tpu.memory_space<semaphore_mem>>)
        %dma_wait3A_199 = arith.constant 0 : i32
        %dma_wait3A_200 = tpu.memref_slice %arg7[%add3A_183, %dma_wait3A_199] : memref<10240x128xf32, #tpu.memory_space<hbm>> -> memref<128x128xf32, #tpu.memory_space<hbm>>
        %dma_wait3A_201 = arith.constant 0 : i32
        %dma_wait3A_202 = tpu.memref_slice %arg25[%add3A_183, %dma_wait3A_201] : memref<10240x128xf32, #tpu.memory_space<vmem_shared>> -> memref<128x128xf32, #tpu.memory_space<vmem_shared>>
        tpu.wait_dma2 semaphore(%run_scoped3A : memref<!tpu.dma_semaphore, #tpu.memory_space<semaphore_mem>>) src(%dma_wait3A_202 : memref<128x128xf32, #tpu.memory_space<vmem_shared>>) dst(%dma_wait3A_200 : memref<128x128xf32, #tpu.memory_space<hbm>>)
        tpu.yield
      }) : () -> ()
      %mul3A_184 = arith.constant 640 : i32
      %mul3A_185 = arith.muli %arg1, %mul3A_184 : i32
      %add3A_186 = arith.constant 256 : i32
      %add3A_187 = arith.addi %mul3A_185, %add3A_186 : i32
      "tpu.region"() ({
        %run_scoped3A = tpu.sem_alloc : memref<!tpu.dma_semaphore, #tpu.memory_space<semaphore_mem>>
        %dma_start3A = arith.constant 0 : i32
        %dma_start3A_196 = tpu.memref_slice %arg7[%add3A_187, %dma_start3A] : memref<10240x128xf32, #tpu.memory_space<hbm>> -> memref<128x128xf32, #tpu.memory_space<hbm>>
        %dma_start3A_197 = arith.constant 0 : i32
        %dma_start3A_198 = tpu.memref_slice %arg25[%add3A_187, %dma_start3A_197] : memref<10240x128xf32, #tpu.memory_space<vmem_shared>> -> memref<128x128xf32, #tpu.memory_space<vmem_shared>>
        tpu.enqueue_dma source(%dma_start3A_198 : memref<128x128xf32, #tpu.memory_space<vmem_shared>>) target(%dma_start3A_196 : memref<128x128xf32, #tpu.memory_space<hbm>>) target_semaphore(%run_scoped3A : memref<!tpu.dma_semaphore, #tpu.memory_space<semaphore_mem>>)
        %dma_wait3A_199 = arith.constant 0 : i32
        %dma_wait3A_200 = tpu.memref_slice %arg7[%add3A_187, %dma_wait3A_199] : memref<10240x128xf32, #tpu.memory_space<hbm>> -> memref<128x128xf32, #tpu.memory_space<hbm>>
        %dma_wait3A_201 = arith.constant 0 : i32
        %dma_wait3A_202 = tpu.memref_slice %arg25[%add3A_187, %dma_wait3A_201] : memref<10240x128xf32, #tpu.memory_space<vmem_shared>> -> memref<128x128xf32, #tpu.memory_space<vmem_shared>>
        tpu.wait_dma2 semaphore(%run_scoped3A : memref<!tpu.dma_semaphore, #tpu.memory_space<semaphore_mem>>) src(%dma_wait3A_202 : memref<128x128xf32, #tpu.memory_space<vmem_shared>>) dst(%dma_wait3A_200 : memref<128x128xf32, #tpu.memory_space<hbm>>)
        tpu.yield
      }) : () -> ()
      %mul3A_188 = arith.constant 640 : i32
      %mul3A_189 = arith.muli %arg1, %mul3A_188 : i32
      %add3A_190 = arith.constant 384 : i32
      %add3A_191 = arith.addi %mul3A_189, %add3A_190 : i32
      "tpu.region"() ({
        %run_scoped3A = tpu.sem_alloc : memref<!tpu.dma_semaphore, #tpu.memory_space<semaphore_mem>>
        %dma_start3A = arith.constant 0 : i32
        %dma_start3A_196 = tpu.memref_slice %arg7[%add3A_191, %dma_start3A] : memref<10240x128xf32, #tpu.memory_space<hbm>> -> memref<128x128xf32, #tpu.memory_space<hbm>>
        %dma_start3A_197 = arith.constant 0 : i32
        %dma_start3A_198 = tpu.memref_slice %arg25[%add3A_191, %dma_start3A_197] : memref<10240x128xf32, #tpu.memory_space<vmem_shared>> -> memref<128x128xf32, #tpu.memory_space<vmem_shared>>
        tpu.enqueue_dma source(%dma_start3A_198 : memref<128x128xf32, #tpu.memory_space<vmem_shared>>) target(%dma_start3A_196 : memref<128x128xf32, #tpu.memory_space<hbm>>) target_semaphore(%run_scoped3A : memref<!tpu.dma_semaphore, #tpu.memory_space<semaphore_mem>>)
        %dma_wait3A_199 = arith.constant 0 : i32
        %dma_wait3A_200 = tpu.memref_slice %arg7[%add3A_191, %dma_wait3A_199] : memref<10240x128xf32, #tpu.memory_space<hbm>> -> memref<128x128xf32, #tpu.memory_space<hbm>>
        %dma_wait3A_201 = arith.constant 0 : i32
        %dma_wait3A_202 = tpu.memref_slice %arg25[%add3A_191, %dma_wait3A_201] : memref<10240x128xf32, #tpu.memory_space<vmem_shared>> -> memref<128x128xf32, #tpu.memory_space<vmem_shared>>
        tpu.wait_dma2 semaphore(%run_scoped3A : memref<!tpu.dma_semaphore, #tpu.memory_space<semaphore_mem>>) src(%dma_wait3A_202 : memref<128x128xf32, #tpu.memory_space<vmem_shared>>) dst(%dma_wait3A_200 : memref<128x128xf32, #tpu.memory_space<hbm>>)
        tpu.yield
      }) : () -> ()
      %mul3A_192 = arith.constant 640 : i32
      %mul3A_193 = arith.muli %arg1, %mul3A_192 : i32
      %add3A_194 = arith.constant 512 : i32
      %add3A_195 = arith.addi %mul3A_193, %add3A_194 : i32
      "tpu.region"() ({
        %run_scoped3A = tpu.sem_alloc : memref<!tpu.dma_semaphore, #tpu.memory_space<semaphore_mem>>
        %dma_start3A = arith.constant 0 : i32
        %dma_start3A_196 = tpu.memref_slice %arg7[%add3A_195, %dma_start3A] : memref<10240x128xf32, #tpu.memory_space<hbm>> -> memref<128x128xf32, #tpu.memory_space<hbm>>
        %dma_start3A_197 = arith.constant 0 : i32
        %dma_start3A_198 = tpu.memref_slice %arg25[%add3A_195, %dma_start3A_197] : memref<10240x128xf32, #tpu.memory_space<vmem_shared>> -> memref<128x128xf32, #tpu.memory_space<vmem_shared>>
        tpu.enqueue_dma source(%dma_start3A_198 : memref<128x128xf32, #tpu.memory_space<vmem_shared>>) target(%dma_start3A_196 : memref<128x128xf32, #tpu.memory_space<hbm>>) target_semaphore(%run_scoped3A : memref<!tpu.dma_semaphore, #tpu.memory_space<semaphore_mem>>)
        %dma_wait3A_199 = arith.constant 0 : i32
        %dma_wait3A_200 = tpu.memref_slice %arg7[%add3A_195, %dma_wait3A_199] : memref<10240x128xf32, #tpu.memory_space<hbm>> -> memref<128x128xf32, #tpu.memory_space<hbm>>
        %dma_wait3A_201 = arith.constant 0 : i32
        %dma_wait3A_202 = tpu.memref_slice %arg25[%add3A_195, %dma_wait3A_201] : memref<10240x128xf32, #tpu.memory_space<vmem_shared>> -> memref<128x128xf32, #tpu.memory_space<vmem_shared>>
        tpu.wait_dma2 semaphore(%run_scoped3A : memref<!tpu.dma_semaphore, #tpu.memory_space<semaphore_mem>>) src(%dma_wait3A_202 : memref<128x128xf32, #tpu.memory_space<vmem_shared>>) dst(%dma_wait3A_200 : memref<128x128xf32, #tpu.memory_space<hbm>>)
        tpu.yield
      }) : () -> ()
    } else {
    }
    %eq3A_167 = arith.constant 1 : i32
    %eq3A_168 = arith.cmpi eq, %arg0, %eq3A_167 : i32
    %convert_element_type3A_169 = arith.extui %eq3A_168 : i1 to i32
    %cond3A_170 = arith.constant 0 : i32
    %cond3A_171 = arith.cmpi ne, %convert_element_type3A_169, %cond3A_170 : i32
    scf.if %cond3A_171 {
      %mul3A_172 = arith.constant 640 : i32
      %mul3A_173 = arith.muli %arg1, %mul3A_172 : i32
      %mul3A_174 = arith.constant 640 : i32
      %mul3A_175 = arith.muli %arg1, %mul3A_174 : i32
      "tpu.region"() ({
        %run_scoped3A = tpu.sem_alloc : memref<!tpu.dma_semaphore, #tpu.memory_space<semaphore_mem>>
        %dma_start3A = tpu.memref_slice %arg10[%mul3A_175] : memref<10240xf32, #tpu.memory_space<hbm>> -> memref<640xf32, #tpu.memory_space<hbm>>
        %dma_start3A_196 = tpu.memref_slice %arg24[%mul3A_173] : memref<10240xf32, #tpu.memory_space<vmem_shared>> -> memref<640xf32, #tpu.memory_space<vmem_shared>>
        tpu.enqueue_dma source(%dma_start3A_196 : memref<640xf32, #tpu.memory_space<vmem_shared>>) target(%dma_start3A : memref<640xf32, #tpu.memory_space<hbm>>) target_semaphore(%run_scoped3A : memref<!tpu.dma_semaphore, #tpu.memory_space<semaphore_mem>>)
        %dma_wait3A_197 = tpu.memref_slice %arg10[%mul3A_175] : memref<10240xf32, #tpu.memory_space<hbm>> -> memref<640xf32, #tpu.memory_space<hbm>>
        %dma_wait3A_198 = tpu.memref_slice %arg24[%mul3A_173] : memref<10240xf32, #tpu.memory_space<vmem_shared>> -> memref<640xf32, #tpu.memory_space<vmem_shared>>
        tpu.wait_dma2 semaphore(%run_scoped3A : memref<!tpu.dma_semaphore, #tpu.memory_space<semaphore_mem>>) src(%dma_wait3A_198 : memref<640xf32, #tpu.memory_space<vmem_shared>>) dst(%dma_wait3A_197 : memref<640xf32, #tpu.memory_space<hbm>>)
        tpu.yield
      }) : () -> ()
      %mul3A_176 = arith.constant 640 : i32
      %mul3A_177 = arith.muli %arg1, %mul3A_176 : i32
      %add3A_178 = arith.constant 0 : i32
      %add3A_179 = arith.addi %mul3A_177, %add3A_178 : i32
      "tpu.region"() ({
        %run_scoped3A = tpu.sem_alloc : memref<!tpu.dma_semaphore, #tpu.memory_space<semaphore_mem>>
        %dma_start3A = arith.constant 0 : i32
        %dma_start3A_196 = tpu.memref_slice %arg8[%add3A_179, %dma_start3A] : memref<10240x128xf32, #tpu.memory_space<hbm>> -> memref<128x128xf32, #tpu.memory_space<hbm>>
        %dma_start3A_197 = arith.constant 0 : i32
        %dma_start3A_198 = tpu.memref_slice %arg25[%add3A_179, %dma_start3A_197] : memref<10240x128xf32, #tpu.memory_space<vmem_shared>> -> memref<128x128xf32, #tpu.memory_space<vmem_shared>>
        tpu.enqueue_dma source(%dma_start3A_198 : memref<128x128xf32, #tpu.memory_space<vmem_shared>>) target(%dma_start3A_196 : memref<128x128xf32, #tpu.memory_space<hbm>>) target_semaphore(%run_scoped3A : memref<!tpu.dma_semaphore, #tpu.memory_space<semaphore_mem>>)
        %dma_wait3A_199 = arith.constant 0 : i32
        %dma_wait3A_200 = tpu.memref_slice %arg8[%add3A_179, %dma_wait3A_199] : memref<10240x128xf32, #tpu.memory_space<hbm>> -> memref<128x128xf32, #tpu.memory_space<hbm>>
        %dma_wait3A_201 = arith.constant 0 : i32
        %dma_wait3A_202 = tpu.memref_slice %arg25[%add3A_179, %dma_wait3A_201] : memref<10240x128xf32, #tpu.memory_space<vmem_shared>> -> memref<128x128xf32, #tpu.memory_space<vmem_shared>>
        tpu.wait_dma2 semaphore(%run_scoped3A : memref<!tpu.dma_semaphore, #tpu.memory_space<semaphore_mem>>) src(%dma_wait3A_202 : memref<128x128xf32, #tpu.memory_space<vmem_shared>>) dst(%dma_wait3A_200 : memref<128x128xf32, #tpu.memory_space<hbm>>)
        tpu.yield
      }) : () -> ()
      %mul3A_180 = arith.constant 640 : i32
      %mul3A_181 = arith.muli %arg1, %mul3A_180 : i32
      %add3A_182 = arith.constant 128 : i32
      %add3A_183 = arith.addi %mul3A_181, %add3A_182 : i32
      "tpu.region"() ({
        %run_scoped3A = tpu.sem_alloc : memref<!tpu.dma_semaphore, #tpu.memory_space<semaphore_mem>>
        %dma_start3A = arith.constant 0 : i32
        %dma_start3A_196 = tpu.memref_slice %arg8[%add3A_183, %dma_start3A] : memref<10240x128xf32, #tpu.memory_space<hbm>> -> memref<128x128xf32, #tpu.memory_space<hbm>>
        %dma_start3A_197 = arith.constant 0 : i32
        %dma_start3A_198 = tpu.memref_slice %arg25[%add3A_183, %dma_start3A_197] : memref<10240x128xf32, #tpu.memory_space<vmem_shared>> -> memref<128x128xf32, #tpu.memory_space<vmem_shared>>
        tpu.enqueue_dma source(%dma_start3A_198 : memref<128x128xf32, #tpu.memory_space<vmem_shared>>) target(%dma_start3A_196 : memref<128x128xf32, #tpu.memory_space<hbm>>) target_semaphore(%run_scoped3A : memref<!tpu.dma_semaphore, #tpu.memory_space<semaphore_mem>>)
        %dma_wait3A_199 = arith.constant 0 : i32
        %dma_wait3A_200 = tpu.memref_slice %arg8[%add3A_183, %dma_wait3A_199] : memref<10240x128xf32, #tpu.memory_space<hbm>> -> memref<128x128xf32, #tpu.memory_space<hbm>>
        %dma_wait3A_201 = arith.constant 0 : i32
        %dma_wait3A_202 = tpu.memref_slice %arg25[%add3A_183, %dma_wait3A_201] : memref<10240x128xf32, #tpu.memory_space<vmem_shared>> -> memref<128x128xf32, #tpu.memory_space<vmem_shared>>
        tpu.wait_dma2 semaphore(%run_scoped3A : memref<!tpu.dma_semaphore, #tpu.memory_space<semaphore_mem>>) src(%dma_wait3A_202 : memref<128x128xf32, #tpu.memory_space<vmem_shared>>) dst(%dma_wait3A_200 : memref<128x128xf32, #tpu.memory_space<hbm>>)
        tpu.yield
      }) : () -> ()
      %mul3A_184 = arith.constant 640 : i32
      %mul3A_185 = arith.muli %arg1, %mul3A_184 : i32
      %add3A_186 = arith.constant 256 : i32
      %add3A_187 = arith.addi %mul3A_185, %add3A_186 : i32
      "tpu.region"() ({
        %run_scoped3A = tpu.sem_alloc : memref<!tpu.dma_semaphore, #tpu.memory_space<semaphore_mem>>
        %dma_start3A = arith.constant 0 : i32
        %dma_start3A_196 = tpu.memref_slice %arg8[%add3A_187, %dma_start3A] : memref<10240x128xf32, #tpu.memory_space<hbm>> -> memref<128x128xf32, #tpu.memory_space<hbm>>
        %dma_start3A_197 = arith.constant 0 : i32
        %dma_start3A_198 = tpu.memref_slice %arg25[%add3A_187, %dma_start3A_197] : memref<10240x128xf32, #tpu.memory_space<vmem_shared>> -> memref<128x128xf32, #tpu.memory_space<vmem_shared>>
        tpu.enqueue_dma source(%dma_start3A_198 : memref<128x128xf32, #tpu.memory_space<vmem_shared>>) target(%dma_start3A_196 : memref<128x128xf32, #tpu.memory_space<hbm>>) target_semaphore(%run_scoped3A : memref<!tpu.dma_semaphore, #tpu.memory_space<semaphore_mem>>)
        %dma_wait3A_199 = arith.constant 0 : i32
        %dma_wait3A_200 = tpu.memref_slice %arg8[%add3A_187, %dma_wait3A_199] : memref<10240x128xf32, #tpu.memory_space<hbm>> -> memref<128x128xf32, #tpu.memory_space<hbm>>
        %dma_wait3A_201 = arith.constant 0 : i32
        %dma_wait3A_202 = tpu.memref_slice %arg25[%add3A_187, %dma_wait3A_201] : memref<10240x128xf32, #tpu.memory_space<vmem_shared>> -> memref<128x128xf32, #tpu.memory_space<vmem_shared>>
        tpu.wait_dma2 semaphore(%run_scoped3A : memref<!tpu.dma_semaphore, #tpu.memory_space<semaphore_mem>>) src(%dma_wait3A_202 : memref<128x128xf32, #tpu.memory_space<vmem_shared>>) dst(%dma_wait3A_200 : memref<128x128xf32, #tpu.memory_space<hbm>>)
        tpu.yield
      }) : () -> ()
      %mul3A_188 = arith.constant 640 : i32
      %mul3A_189 = arith.muli %arg1, %mul3A_188 : i32
      %add3A_190 = arith.constant 384 : i32
      %add3A_191 = arith.addi %mul3A_189, %add3A_190 : i32
      "tpu.region"() ({
        %run_scoped3A = tpu.sem_alloc : memref<!tpu.dma_semaphore, #tpu.memory_space<semaphore_mem>>
        %dma_start3A = arith.constant 0 : i32
        %dma_start3A_196 = tpu.memref_slice %arg8[%add3A_191, %dma_start3A] : memref<10240x128xf32, #tpu.memory_space<hbm>> -> memref<128x128xf32, #tpu.memory_space<hbm>>
        %dma_start3A_197 = arith.constant 0 : i32
        %dma_start3A_198 = tpu.memref_slice %arg25[%add3A_191, %dma_start3A_197] : memref<10240x128xf32, #tpu.memory_space<vmem_shared>> -> memref<128x128xf32, #tpu.memory_space<vmem_shared>>
        tpu.enqueue_dma source(%dma_start3A_198 : memref<128x128xf32, #tpu.memory_space<vmem_shared>>) target(%dma_start3A_196 : memref<128x128xf32, #tpu.memory_space<hbm>>) target_semaphore(%run_scoped3A : memref<!tpu.dma_semaphore, #tpu.memory_space<semaphore_mem>>)
        %dma_wait3A_199 = arith.constant 0 : i32
        %dma_wait3A_200 = tpu.memref_slice %arg8[%add3A_191, %dma_wait3A_199] : memref<10240x128xf32, #tpu.memory_space<hbm>> -> memref<128x128xf32, #tpu.memory_space<hbm>>
        %dma_wait3A_201 = arith.constant 0 : i32
        %dma_wait3A_202 = tpu.memref_slice %arg25[%add3A_191, %dma_wait3A_201] : memref<10240x128xf32, #tpu.memory_space<vmem_shared>> -> memref<128x128xf32, #tpu.memory_space<vmem_shared>>
        tpu.wait_dma2 semaphore(%run_scoped3A : memref<!tpu.dma_semaphore, #tpu.memory_space<semaphore_mem>>) src(%dma_wait3A_202 : memref<128x128xf32, #tpu.memory_space<vmem_shared>>) dst(%dma_wait3A_200 : memref<128x128xf32, #tpu.memory_space<hbm>>)
        tpu.yield
      }) : () -> ()
      %mul3A_192 = arith.constant 640 : i32
      %mul3A_193 = arith.muli %arg1, %mul3A_192 : i32
      %add3A_194 = arith.constant 512 : i32
      %add3A_195 = arith.addi %mul3A_193, %add3A_194 : i32
      "tpu.region"() ({
        %run_scoped3A = tpu.sem_alloc : memref<!tpu.dma_semaphore, #tpu.memory_space<semaphore_mem>>
        %dma_start3A = arith.constant 0 : i32
        %dma_start3A_196 = tpu.memref_slice %arg8[%add3A_195, %dma_start3A] : memref<10240x128xf32, #tpu.memory_space<hbm>> -> memref<128x128xf32, #tpu.memory_space<hbm>>
        %dma_start3A_197 = arith.constant 0 : i32
        %dma_start3A_198 = tpu.memref_slice %arg25[%add3A_195, %dma_start3A_197] : memref<10240x128xf32, #tpu.memory_space<vmem_shared>> -> memref<128x128xf32, #tpu.memory_space<vmem_shared>>
        tpu.enqueue_dma source(%dma_start3A_198 : memref<128x128xf32, #tpu.memory_space<vmem_shared>>) target(%dma_start3A_196 : memref<128x128xf32, #tpu.memory_space<hbm>>) target_semaphore(%run_scoped3A : memref<!tpu.dma_semaphore, #tpu.memory_space<semaphore_mem>>)
        %dma_wait3A_199 = arith.constant 0 : i32
        %dma_wait3A_200 = tpu.memref_slice %arg8[%add3A_195, %dma_wait3A_199] : memref<10240x128xf32, #tpu.memory_space<hbm>> -> memref<128x128xf32, #tpu.memory_space<hbm>>
        %dma_wait3A_201 = arith.constant 0 : i32
        %dma_wait3A_202 = tpu.memref_slice %arg25[%add3A_195, %dma_wait3A_201] : memref<10240x128xf32, #tpu.memory_space<vmem_shared>> -> memref<128x128xf32, #tpu.memory_space<vmem_shared>>
        tpu.wait_dma2 semaphore(%run_scoped3A : memref<!tpu.dma_semaphore, #tpu.memory_space<semaphore_mem>>) src(%dma_wait3A_202 : memref<128x128xf32, #tpu.memory_space<vmem_shared>>) dst(%dma_wait3A_200 : memref<128x128xf32, #tpu.memory_space<hbm>>)
        tpu.yield
      }) : () -> ()
    } else {
    }
    return
  }
}

#map = affine_map<(d0, d1) -> (0, 0)>
#map1 = affine_map<(d0, d1) -> (0)>
module attributes {stable_mosaic.version = 14 : i64} {
  func.func @_sc_d_body(%arg0: i32, %arg1: i32, %arg2: memref<32x10240xf32, #tpu.memory_space<hbm>>, %arg3: memref<32x10240xf32, #tpu.memory_space<hbm>>, %arg4: memref<327680xi32, #tpu.memory_space<hbm>>, %arg5: memref<327680xi32, #tpu.memory_space<hbm>>, %arg6: memref<32xf32, #tpu.memory_space<hbm>>, %arg7: memref<16xf32, #tpu.memory_space<hbm>>, %arg8: memref<2560x128xf32, #tpu.memory_space<hbm>>, %arg9: memref<4x10240xf32, #tpu.memory_space<vmem>>, %arg10: memref<4x10240xf32, #tpu.memory_space<vmem>>, %arg11: memref<4096xi32, #tpu.memory_space<vmem>>, %arg12: memref<4096xi32, #tpu.memory_space<vmem>>, %arg13: memref<4096xi32, #tpu.memory_space<vmem>>, %arg14: memref<4096xi32, #tpu.memory_space<vmem>>, %arg15: memref<16x128xf32, #tpu.memory_space<vmem>>, %arg16: memref<16xi32, #tpu.memory_space<vmem>>, %arg17: memref<32xf32, #tpu.memory_space<vmem>>, %arg18: memref<16xf32, #tpu.memory_space<vmem>>, %arg19: memref<2560x128xf32, #tpu.memory_space<vmem_shared>>, %arg20: memref<!tpu.dma_semaphore, #tpu.memory_space<semaphore_mem>>, %arg21: memref<!tpu.dma_semaphore, #tpu.memory_space<semaphore_mem>>, %arg22: memref<!tpu.dma_semaphore, #tpu.memory_space<semaphore_mem>>) attributes {dimension_semantics = [#tpu.dimension_semantics<core_parallel>, #tpu.dimension_semantics<subcore_parallel>], iteration_bounds = array<i64: 2, 16>, scalar_prefetch = 0 : i64, scratch_operands = 14 : i64, tpu.core_type = #tpu.core_type<sc_vector_subcore>, window_params = [{transform_indices = #map}, {transform_indices = #map}, {transform_indices = #map1}, {transform_indices = #map1}, {transform_indices = #map1}, {transform_indices = #map1}, {transform_indices = #map}]} {
    %jit3A = arith.constant 8 : i32
    %eq3A = arith.constant 0 : i32
    %eq3A_0 = arith.cmpi eq, %jit3A, %eq3A : i32
    %jit3A_1 = arith.constant 1 : i32
    %select_n3A = arith.select %eq3A_0, %jit3A_1, %jit3A : i32
    %rem3A = arith.remsi %arg1, %select_n3A : i32
    %ne3A = arith.constant 0 : i32
    %ne3A_2 = arith.cmpi ne, %rem3A, %ne3A : i32
    %lt3A = arith.constant 0 : i32
    %lt3A_3 = arith.cmpi slt, %rem3A, %lt3A : i32
    %lt3A_4 = arith.constant 0 : i32
    %lt3A_5 = arith.cmpi slt, %select_n3A, %lt3A_4 : i32
    %ne3A_6 = arith.xori %lt3A_3, %lt3A_5 : i1
    %and3A = arith.andi %ne3A_6, %ne3A_2 : i1
    %add3A = arith.addi %rem3A, %select_n3A : i32
    %select_n3A_7 = arith.select %and3A, %add3A, %rem3A : i32
    %jit3A_8 = arith.constant 8 : i32
    %div3A = arith.divsi %arg1, %jit3A_8 : i32
    %sign3A = arith.constant 0 : i32
    %sign3A_9 = arith.cmpi sgt, %arg1, %sign3A : i32
    %sign3A_10 = arith.extui %sign3A_9 : i1 to i32
    %sign3A_11 = arith.constant 0 : i32
    %sign3A_12 = arith.cmpi slt, %arg1, %sign3A_11 : i32
    %sign3A_13 = arith.extui %sign3A_12 : i1 to i32
    %sign3A_14 = arith.subi %sign3A_10, %sign3A_13 : i32
    %sign3A_15 = arith.constant 0 : i32
    %sign3A_16 = arith.cmpi sgt, %jit3A_8, %sign3A_15 : i32
    %sign3A_17 = arith.extui %sign3A_16 : i1 to i32
    %sign3A_18 = arith.constant 0 : i32
    %sign3A_19 = arith.cmpi slt, %jit3A_8, %sign3A_18 : i32
    %sign3A_20 = arith.extui %sign3A_19 : i1 to i32
    %sign3A_21 = arith.subi %sign3A_17, %sign3A_20 : i32
    %ne3A_22 = arith.cmpi ne, %sign3A_14, %sign3A_21 : i32
    %rem3A_23 = arith.remsi %arg1, %jit3A_8 : i32
    %ne3A_24 = arith.constant 0 : i32
    %ne3A_25 = arith.cmpi ne, %rem3A_23, %ne3A_24 : i32
    %and3A_26 = arith.andi %ne3A_22, %ne3A_25 : i1
    %sub3A = arith.constant 1 : i32
    %sub3A_27 = arith.subi %div3A, %sub3A : i32
    %select_n3A_28 = arith.select %and3A_26, %sub3A_27, %div3A : i32
    %mul3A = arith.constant 2 : i32
    %mul3A_29 = arith.muli %select_n3A_28, %mul3A : i32
    %add3A_30 = arith.addi %mul3A_29, %arg0 : i32
    %mul3A_31 = arith.constant 81920 : i32
    %mul3A_32 = arith.muli %add3A_30, %mul3A_31 : i32
    %iota3A = tpu.iota {dimensions = array<i32: 0>} : vector<16xi32>
    %broadcast_in_dim3A = arith.constant 0.000000e+00 : f32
    %broadcast_in_dim3A_33 = vector.broadcast %broadcast_in_dim3A : f32 to vector<16xf32>
    %mul3A_34 = arith.constant 4 : i32
    %mul3A_35 = arith.muli %select_n3A_7, %mul3A_34 : i32
    "tpu.region"() ({
      %run_scoped3A = tpu.sem_alloc : memref<!tpu.dma_semaphore, #tpu.memory_space<semaphore_mem>>
      %dma_start3A = arith.constant 0 : i32
      %dma_start3A_239 = tpu.memref_slice %arg2[%mul3A_35, %dma_start3A] : memref<32x10240xf32, #tpu.memory_space<hbm>> -> memref<4x10240xf32, #tpu.memory_space<hbm>>
      %dma_start3A_240 = arith.constant 0 : i32
      %dma_start3A_241 = tpu.memref_slice %arg2[%mul3A_35, %dma_start3A_240] : memref<32x10240xf32, #tpu.memory_space<hbm>> -> memref<4x10240xf32, #tpu.memory_space<hbm>>
      tpu.enqueue_dma source(%dma_start3A_241 : memref<4x10240xf32, #tpu.memory_space<hbm>>) target(%arg9 : memref<4x10240xf32, #tpu.memory_space<vmem>>) target_semaphore(%run_scoped3A : memref<!tpu.dma_semaphore, #tpu.memory_space<semaphore_mem>>)
      %dma_wait3A = arith.constant 0 : i32
      %dma_wait3A_242 = tpu.memref_slice %arg2[%mul3A_35, %dma_wait3A] : memref<32x10240xf32, #tpu.memory_space<hbm>> -> memref<4x10240xf32, #tpu.memory_space<hbm>>
      %dma_wait3A_243 = arith.constant 0 : i32
      %dma_wait3A_244 = tpu.memref_slice %arg2[%mul3A_35, %dma_wait3A_243] : memref<32x10240xf32, #tpu.memory_space<hbm>> -> memref<4x10240xf32, #tpu.memory_space<hbm>>
      tpu.wait_dma2 semaphore(%run_scoped3A : memref<!tpu.dma_semaphore, #tpu.memory_space<semaphore_mem>>) src(%dma_wait3A_244 : memref<4x10240xf32, #tpu.memory_space<hbm>>) dst(%arg9 : memref<4x10240xf32, #tpu.memory_space<vmem>>)
      tpu.yield
    }) : () -> ()
    %mul3A_36 = arith.constant 4 : i32
    %mul3A_37 = arith.muli %select_n3A_7, %mul3A_36 : i32
    "tpu.region"() ({
      %run_scoped3A = tpu.sem_alloc : memref<!tpu.dma_semaphore, #tpu.memory_space<semaphore_mem>>
      %dma_start3A = arith.constant 0 : i32
      %dma_start3A_239 = tpu.memref_slice %arg3[%mul3A_37, %dma_start3A] : memref<32x10240xf32, #tpu.memory_space<hbm>> -> memref<4x10240xf32, #tpu.memory_space<hbm>>
      %dma_start3A_240 = arith.constant 0 : i32
      %dma_start3A_241 = tpu.memref_slice %arg3[%mul3A_37, %dma_start3A_240] : memref<32x10240xf32, #tpu.memory_space<hbm>> -> memref<4x10240xf32, #tpu.memory_space<hbm>>
      tpu.enqueue_dma source(%dma_start3A_241 : memref<4x10240xf32, #tpu.memory_space<hbm>>) target(%arg10 : memref<4x10240xf32, #tpu.memory_space<vmem>>) target_semaphore(%run_scoped3A : memref<!tpu.dma_semaphore, #tpu.memory_space<semaphore_mem>>)
      %dma_wait3A = arith.constant 0 : i32
      %dma_wait3A_242 = tpu.memref_slice %arg3[%mul3A_37, %dma_wait3A] : memref<32x10240xf32, #tpu.memory_space<hbm>> -> memref<4x10240xf32, #tpu.memory_space<hbm>>
      %dma_wait3A_243 = arith.constant 0 : i32
      %dma_wait3A_244 = tpu.memref_slice %arg3[%mul3A_37, %dma_wait3A_243] : memref<32x10240xf32, #tpu.memory_space<hbm>> -> memref<4x10240xf32, #tpu.memory_space<hbm>>
      tpu.wait_dma2 semaphore(%run_scoped3A : memref<!tpu.dma_semaphore, #tpu.memory_space<semaphore_mem>>) src(%dma_wait3A_244 : memref<4x10240xf32, #tpu.memory_space<hbm>>) dst(%arg10 : memref<4x10240xf32, #tpu.memory_space<vmem>>)
      tpu.yield
    }) : () -> ()
    "tpu.region"() ({
      %run_scoped3A = tpu.sem_alloc : memref<!tpu.dma_semaphore, #tpu.memory_space<semaphore_mem>>
      tpu.enqueue_dma source(%arg6 : memref<32xf32, #tpu.memory_space<hbm>>) target(%arg17 : memref<32xf32, #tpu.memory_space<vmem>>) target_semaphore(%run_scoped3A : memref<!tpu.dma_semaphore, #tpu.memory_space<semaphore_mem>>)
      tpu.wait_dma2 semaphore(%run_scoped3A : memref<!tpu.dma_semaphore, #tpu.memory_space<semaphore_mem>>) src(%arg6 : memref<32xf32, #tpu.memory_space<hbm>>) dst(%arg17 : memref<32xf32, #tpu.memory_space<vmem>>)
      tpu.yield
    }) : () -> ()
    "tpu.region"() ({
      %run_scoped3A = tpu.sem_alloc : memref<!tpu.dma_semaphore, #tpu.memory_space<semaphore_mem>>
      tpu.enqueue_dma source(%arg7 : memref<16xf32, #tpu.memory_space<hbm>>) target(%arg18 : memref<16xf32, #tpu.memory_space<vmem>>) target_semaphore(%run_scoped3A : memref<!tpu.dma_semaphore, #tpu.memory_space<semaphore_mem>>)
      tpu.wait_dma2 semaphore(%run_scoped3A : memref<!tpu.dma_semaphore, #tpu.memory_space<semaphore_mem>>) src(%arg7 : memref<16xf32, #tpu.memory_space<hbm>>) dst(%arg18 : memref<16xf32, #tpu.memory_space<vmem>>)
      tpu.yield
    }) : () -> ()
    %scan3A = arith.constant 0 : i32
    %scan3A_38 = arith.constant 0 : i32
    %scan3A_39 = arith.constant 16 : i32
    %scan3A_40 = arith.addi %scan3A_38, %scan3A_39 : i32
    %scan3A_41 = arith.constant 1 : i32
    %scan3A_42 = scf.for %scan3A_239 = %scan3A_38 to %scan3A_40 step %scan3A_41 iter_args(%scan3A_240 = %scan3A) -> (i32)  : i32 {
      %swap3A = arith.index_cast %scan3A_239 : i32 to index
      %swap3A_241 = arith.constant 0 : index
      %swap3A_242 = tpu.vector_load %arg15[%swap3A, %swap3A_241] {strides = array<i32>} : memref<16x128xf32, #tpu.memory_space<vmem>>, vector<16xf32>,
      tpu.vector_store %arg15[%swap3A, %swap3A_241], %broadcast_in_dim3A_33 {strides = array<i32>} : memref<16x128xf32, #tpu.memory_space<vmem>>, vector<16xf32>,
      %swap3A_243 = arith.index_cast %scan3A_239 : i32 to index
      %swap3A_244 = arith.constant 16 : index
      %swap3A_245 = tpu.vector_load %arg15[%swap3A_243, %swap3A_244] {strides = array<i32>} : memref<16x128xf32, #tpu.memory_space<vmem>>, vector<16xf32>,
      tpu.vector_store %arg15[%swap3A_243, %swap3A_244], %broadcast_in_dim3A_33 {strides = array<i32>} : memref<16x128xf32, #tpu.memory_space<vmem>>, vector<16xf32>,
      %swap3A_246 = arith.index_cast %scan3A_239 : i32 to index
      %swap3A_247 = arith.constant 32 : index
      %swap3A_248 = tpu.vector_load %arg15[%swap3A_246, %swap3A_247] {strides = array<i32>} : memref<16x128xf32, #tpu.memory_space<vmem>>, vector<16xf32>,
      tpu.vector_store %arg15[%swap3A_246, %swap3A_247], %broadcast_in_dim3A_33 {strides = array<i32>} : memref<16x128xf32, #tpu.memory_space<vmem>>, vector<16xf32>,
      %swap3A_249 = arith.index_cast %scan3A_239 : i32 to index
      %swap3A_250 = arith.constant 48 : index
      %swap3A_251 = tpu.vector_load %arg15[%swap3A_249, %swap3A_250] {strides = array<i32>} : memref<16x128xf32, #tpu.memory_space<vmem>>, vector<16xf32>,
      tpu.vector_store %arg15[%swap3A_249, %swap3A_250], %broadcast_in_dim3A_33 {strides = array<i32>} : memref<16x128xf32, #tpu.memory_space<vmem>>, vector<16xf32>,
      %swap3A_252 = arith.index_cast %scan3A_239 : i32 to index
      %swap3A_253 = arith.constant 64 : index
      %swap3A_254 = tpu.vector_load %arg15[%swap3A_252, %swap3A_253] {strides = array<i32>} : memref<16x128xf32, #tpu.memory_space<vmem>>, vector<16xf32>,
      tpu.vector_store %arg15[%swap3A_252, %swap3A_253], %broadcast_in_dim3A_33 {strides = array<i32>} : memref<16x128xf32, #tpu.memory_space<vmem>>, vector<16xf32>,
      %swap3A_255 = arith.index_cast %scan3A_239 : i32 to index
      %swap3A_256 = arith.constant 80 : index
      %swap3A_257 = tpu.vector_load %arg15[%swap3A_255, %swap3A_256] {strides = array<i32>} : memref<16x128xf32, #tpu.memory_space<vmem>>, vector<16xf32>,
      tpu.vector_store %arg15[%swap3A_255, %swap3A_256], %broadcast_in_dim3A_33 {strides = array<i32>} : memref<16x128xf32, #tpu.memory_space<vmem>>, vector<16xf32>,
      %swap3A_258 = arith.index_cast %scan3A_239 : i32 to index
      %swap3A_259 = arith.constant 96 : index
      %swap3A_260 = tpu.vector_load %arg15[%swap3A_258, %swap3A_259] {strides = array<i32>} : memref<16x128xf32, #tpu.memory_space<vmem>>, vector<16xf32>,
      tpu.vector_store %arg15[%swap3A_258, %swap3A_259], %broadcast_in_dim3A_33 {strides = array<i32>} : memref<16x128xf32, #tpu.memory_space<vmem>>, vector<16xf32>,
      %swap3A_261 = arith.index_cast %scan3A_239 : i32 to index
      %swap3A_262 = arith.constant 112 : index
      %swap3A_263 = tpu.vector_load %arg15[%swap3A_261, %swap3A_262] {strides = array<i32>} : memref<16x128xf32, #tpu.memory_space<vmem>>, vector<16xf32>,
      tpu.vector_store %arg15[%swap3A_261, %swap3A_262], %broadcast_in_dim3A_33 {strides = array<i32>} : memref<16x128xf32, #tpu.memory_space<vmem>>, vector<16xf32>,
      %scan3A_264 = arith.constant 0 : i32
      scf.yield %scan3A_264 : i32
    }
    %scan3A_43 = arith.constant 16 : i32
    %mul3A_44 = arith.constant 160 : i32
    %mul3A_45 = arith.muli %arg1, %mul3A_44 : i32
    %add3A_46 = arith.constant 0 : i32
    %add3A_47 = arith.addi %mul3A_45, %add3A_46 : i32
    "tpu.region"() ({
      %run_scoped3A = tpu.sem_alloc : memref<!tpu.dma_semaphore, #tpu.memory_space<semaphore_mem>>
      %dma_start3A = arith.constant 0 : i32
      %dma_start3A_239 = tpu.memref_slice %arg19[%add3A_47, %dma_start3A] : memref<2560x128xf32, #tpu.memory_space<vmem_shared>> -> memref<16x128xf32, #tpu.memory_space<vmem_shared>>
      %dma_start3A_240 = arith.constant 0 : i32
      %dma_start3A_241 = tpu.memref_slice %arg19[%add3A_47, %dma_start3A_240] : memref<2560x128xf32, #tpu.memory_space<vmem_shared>> -> memref<16x128xf32, #tpu.memory_space<vmem_shared>>
      tpu.enqueue_dma source(%arg15 : memref<16x128xf32, #tpu.memory_space<vmem>>) target(%dma_start3A_241 : memref<16x128xf32, #tpu.memory_space<vmem_shared>>) target_semaphore(%run_scoped3A : memref<!tpu.dma_semaphore, #tpu.memory_space<semaphore_mem>>)
      %dma_wait3A = arith.constant 0 : i32
      %dma_wait3A_242 = tpu.memref_slice %arg19[%add3A_47, %dma_wait3A] : memref<2560x128xf32, #tpu.memory_space<vmem_shared>> -> memref<16x128xf32, #tpu.memory_space<vmem_shared>>
      %dma_wait3A_243 = arith.constant 0 : i32
      %dma_wait3A_244 = tpu.memref_slice %arg19[%add3A_47, %dma_wait3A_243] : memref<2560x128xf32, #tpu.memory_space<vmem_shared>> -> memref<16x128xf32, #tpu.memory_space<vmem_shared>>
      tpu.wait_dma2 semaphore(%run_scoped3A : memref<!tpu.dma_semaphore, #tpu.memory_space<semaphore_mem>>) src(%arg15 : memref<16x128xf32, #tpu.memory_space<vmem>>) dst(%dma_wait3A_244 : memref<16x128xf32, #tpu.memory_space<vmem_shared>>)
      tpu.yield
    }) : () -> ()
    %mul3A_48 = arith.constant 160 : i32
    %mul3A_49 = arith.muli %arg1, %mul3A_48 : i32
    %add3A_50 = arith.constant 16 : i32
    %add3A_51 = arith.addi %mul3A_49, %add3A_50 : i32
    "tpu.region"() ({
      %run_scoped3A = tpu.sem_alloc : memref<!tpu.dma_semaphore, #tpu.memory_space<semaphore_mem>>
      %dma_start3A = arith.constant 0 : i32
      %dma_start3A_239 = tpu.memref_slice %arg19[%add3A_51, %dma_start3A] : memref<2560x128xf32, #tpu.memory_space<vmem_shared>> -> memref<16x128xf32, #tpu.memory_space<vmem_shared>>
      %dma_start3A_240 = arith.constant 0 : i32
      %dma_start3A_241 = tpu.memref_slice %arg19[%add3A_51, %dma_start3A_240] : memref<2560x128xf32, #tpu.memory_space<vmem_shared>> -> memref<16x128xf32, #tpu.memory_space<vmem_shared>>
      tpu.enqueue_dma source(%arg15 : memref<16x128xf32, #tpu.memory_space<vmem>>) target(%dma_start3A_241 : memref<16x128xf32, #tpu.memory_space<vmem_shared>>) target_semaphore(%run_scoped3A : memref<!tpu.dma_semaphore, #tpu.memory_space<semaphore_mem>>)
      %dma_wait3A = arith.constant 0 : i32
      %dma_wait3A_242 = tpu.memref_slice %arg19[%add3A_51, %dma_wait3A] : memref<2560x128xf32, #tpu.memory_space<vmem_shared>> -> memref<16x128xf32, #tpu.memory_space<vmem_shared>>
      %dma_wait3A_243 = arith.constant 0 : i32
      %dma_wait3A_244 = tpu.memref_slice %arg19[%add3A_51, %dma_wait3A_243] : memref<2560x128xf32, #tpu.memory_space<vmem_shared>> -> memref<16x128xf32, #tpu.memory_space<vmem_shared>>
      tpu.wait_dma2 semaphore(%run_scoped3A : memref<!tpu.dma_semaphore, #tpu.memory_space<semaphore_mem>>) src(%arg15 : memref<16x128xf32, #tpu.memory_space<vmem>>) dst(%dma_wait3A_244 : memref<16x128xf32, #tpu.memory_space<vmem_shared>>)
      tpu.yield
    }) : () -> ()
    %mul3A_52 = arith.constant 160 : i32
    %mul3A_53 = arith.muli %arg1, %mul3A_52 : i32
    %add3A_54 = arith.constant 32 : i32
    %add3A_55 = arith.addi %mul3A_53, %add3A_54 : i32
    "tpu.region"() ({
      %run_scoped3A = tpu.sem_alloc : memref<!tpu.dma_semaphore, #tpu.memory_space<semaphore_mem>>
      %dma_start3A = arith.constant 0 : i32
      %dma_start3A_239 = tpu.memref_slice %arg19[%add3A_55, %dma_start3A] : memref<2560x128xf32, #tpu.memory_space<vmem_shared>> -> memref<16x128xf32, #tpu.memory_space<vmem_shared>>
      %dma_start3A_240 = arith.constant 0 : i32
      %dma_start3A_241 = tpu.memref_slice %arg19[%add3A_55, %dma_start3A_240] : memref<2560x128xf32, #tpu.memory_space<vmem_shared>> -> memref<16x128xf32, #tpu.memory_space<vmem_shared>>
      tpu.enqueue_dma source(%arg15 : memref<16x128xf32, #tpu.memory_space<vmem>>) target(%dma_start3A_241 : memref<16x128xf32, #tpu.memory_space<vmem_shared>>) target_semaphore(%run_scoped3A : memref<!tpu.dma_semaphore, #tpu.memory_space<semaphore_mem>>)
      %dma_wait3A = arith.constant 0 : i32
      %dma_wait3A_242 = tpu.memref_slice %arg19[%add3A_55, %dma_wait3A] : memref<2560x128xf32, #tpu.memory_space<vmem_shared>> -> memref<16x128xf32, #tpu.memory_space<vmem_shared>>
      %dma_wait3A_243 = arith.constant 0 : i32
      %dma_wait3A_244 = tpu.memref_slice %arg19[%add3A_55, %dma_wait3A_243] : memref<2560x128xf32, #tpu.memory_space<vmem_shared>> -> memref<16x128xf32, #tpu.memory_space<vmem_shared>>
      tpu.wait_dma2 semaphore(%run_scoped3A : memref<!tpu.dma_semaphore, #tpu.memory_space<semaphore_mem>>) src(%arg15 : memref<16x128xf32, #tpu.memory_space<vmem>>) dst(%dma_wait3A_244 : memref<16x128xf32, #tpu.memory_space<vmem_shared>>)
      tpu.yield
    }) : () -> ()
    %mul3A_56 = arith.constant 160 : i32
    %mul3A_57 = arith.muli %arg1, %mul3A_56 : i32
    %add3A_58 = arith.constant 48 : i32
    %add3A_59 = arith.addi %mul3A_57, %add3A_58 : i32
    "tpu.region"() ({
      %run_scoped3A = tpu.sem_alloc : memref<!tpu.dma_semaphore, #tpu.memory_space<semaphore_mem>>
      %dma_start3A = arith.constant 0 : i32
      %dma_start3A_239 = tpu.memref_slice %arg19[%add3A_59, %dma_start3A] : memref<2560x128xf32, #tpu.memory_space<vmem_shared>> -> memref<16x128xf32, #tpu.memory_space<vmem_shared>>
      %dma_start3A_240 = arith.constant 0 : i32
      %dma_start3A_241 = tpu.memref_slice %arg19[%add3A_59, %dma_start3A_240] : memref<2560x128xf32, #tpu.memory_space<vmem_shared>> -> memref<16x128xf32, #tpu.memory_space<vmem_shared>>
      tpu.enqueue_dma source(%arg15 : memref<16x128xf32, #tpu.memory_space<vmem>>) target(%dma_start3A_241 : memref<16x128xf32, #tpu.memory_space<vmem_shared>>) target_semaphore(%run_scoped3A : memref<!tpu.dma_semaphore, #tpu.memory_space<semaphore_mem>>)
      %dma_wait3A = arith.constant 0 : i32
      %dma_wait3A_242 = tpu.memref_slice %arg19[%add3A_59, %dma_wait3A] : memref<2560x128xf32, #tpu.memory_space<vmem_shared>> -> memref<16x128xf32, #tpu.memory_space<vmem_shared>>
      %dma_wait3A_243 = arith.constant 0 : i32
      %dma_wait3A_244 = tpu.memref_slice %arg19[%add3A_59, %dma_wait3A_243] : memref<2560x128xf32, #tpu.memory_space<vmem_shared>> -> memref<16x128xf32, #tpu.memory_space<vmem_shared>>
      tpu.wait_dma2 semaphore(%run_scoped3A : memref<!tpu.dma_semaphore, #tpu.memory_space<semaphore_mem>>) src(%arg15 : memref<16x128xf32, #tpu.memory_space<vmem>>) dst(%dma_wait3A_244 : memref<16x128xf32, #tpu.memory_space<vmem_shared>>)
      tpu.yield
    }) : () -> ()
    %mul3A_60 = arith.constant 160 : i32
    %mul3A_61 = arith.muli %arg1, %mul3A_60 : i32
    %add3A_62 = arith.constant 64 : i32
    %add3A_63 = arith.addi %mul3A_61, %add3A_62 : i32
    "tpu.region"() ({
      %run_scoped3A = tpu.sem_alloc : memref<!tpu.dma_semaphore, #tpu.memory_space<semaphore_mem>>
      %dma_start3A = arith.constant 0 : i32
      %dma_start3A_239 = tpu.memref_slice %arg19[%add3A_63, %dma_start3A] : memref<2560x128xf32, #tpu.memory_space<vmem_shared>> -> memref<16x128xf32, #tpu.memory_space<vmem_shared>>
      %dma_start3A_240 = arith.constant 0 : i32
      %dma_start3A_241 = tpu.memref_slice %arg19[%add3A_63, %dma_start3A_240] : memref<2560x128xf32, #tpu.memory_space<vmem_shared>> -> memref<16x128xf32, #tpu.memory_space<vmem_shared>>
      tpu.enqueue_dma source(%arg15 : memref<16x128xf32, #tpu.memory_space<vmem>>) target(%dma_start3A_241 : memref<16x128xf32, #tpu.memory_space<vmem_shared>>) target_semaphore(%run_scoped3A : memref<!tpu.dma_semaphore, #tpu.memory_space<semaphore_mem>>)
      %dma_wait3A = arith.constant 0 : i32
      %dma_wait3A_242 = tpu.memref_slice %arg19[%add3A_63, %dma_wait3A] : memref<2560x128xf32, #tpu.memory_space<vmem_shared>> -> memref<16x128xf32, #tpu.memory_space<vmem_shared>>
      %dma_wait3A_243 = arith.constant 0 : i32
      %dma_wait3A_244 = tpu.memref_slice %arg19[%add3A_63, %dma_wait3A_243] : memref<2560x128xf32, #tpu.memory_space<vmem_shared>> -> memref<16x128xf32, #tpu.memory_space<vmem_shared>>
      tpu.wait_dma2 semaphore(%run_scoped3A : memref<!tpu.dma_semaphore, #tpu.memory_space<semaphore_mem>>) src(%arg15 : memref<16x128xf32, #tpu.memory_space<vmem>>) dst(%dma_wait3A_244 : memref<16x128xf32, #tpu.memory_space<vmem_shared>>)
      tpu.yield
    }) : () -> ()
    %mul3A_64 = arith.constant 160 : i32
    %mul3A_65 = arith.muli %arg1, %mul3A_64 : i32
    %add3A_66 = arith.constant 80 : i32
    %add3A_67 = arith.addi %mul3A_65, %add3A_66 : i32
    "tpu.region"() ({
      %run_scoped3A = tpu.sem_alloc : memref<!tpu.dma_semaphore, #tpu.memory_space<semaphore_mem>>
      %dma_start3A = arith.constant 0 : i32
      %dma_start3A_239 = tpu.memref_slice %arg19[%add3A_67, %dma_start3A] : memref<2560x128xf32, #tpu.memory_space<vmem_shared>> -> memref<16x128xf32, #tpu.memory_space<vmem_shared>>
      %dma_start3A_240 = arith.constant 0 : i32
      %dma_start3A_241 = tpu.memref_slice %arg19[%add3A_67, %dma_start3A_240] : memref<2560x128xf32, #tpu.memory_space<vmem_shared>> -> memref<16x128xf32, #tpu.memory_space<vmem_shared>>
      tpu.enqueue_dma source(%arg15 : memref<16x128xf32, #tpu.memory_space<vmem>>) target(%dma_start3A_241 : memref<16x128xf32, #tpu.memory_space<vmem_shared>>) target_semaphore(%run_scoped3A : memref<!tpu.dma_semaphore, #tpu.memory_space<semaphore_mem>>)
      %dma_wait3A = arith.constant 0 : i32
      %dma_wait3A_242 = tpu.memref_slice %arg19[%add3A_67, %dma_wait3A] : memref<2560x128xf32, #tpu.memory_space<vmem_shared>> -> memref<16x128xf32, #tpu.memory_space<vmem_shared>>
      %dma_wait3A_243 = arith.constant 0 : i32
      %dma_wait3A_244 = tpu.memref_slice %arg19[%add3A_67, %dma_wait3A_243] : memref<2560x128xf32, #tpu.memory_space<vmem_shared>> -> memref<16x128xf32, #tpu.memory_space<vmem_shared>>
      tpu.wait_dma2 semaphore(%run_scoped3A : memref<!tpu.dma_semaphore, #tpu.memory_space<semaphore_mem>>) src(%arg15 : memref<16x128xf32, #tpu.memory_space<vmem>>) dst(%dma_wait3A_244 : memref<16x128xf32, #tpu.memory_space<vmem_shared>>)
      tpu.yield
    }) : () -> ()
    %mul3A_68 = arith.constant 160 : i32
    %mul3A_69 = arith.muli %arg1, %mul3A_68 : i32
    %add3A_70 = arith.constant 96 : i32
    %add3A_71 = arith.addi %mul3A_69, %add3A_70 : i32
    "tpu.region"() ({
      %run_scoped3A = tpu.sem_alloc : memref<!tpu.dma_semaphore, #tpu.memory_space<semaphore_mem>>
      %dma_start3A = arith.constant 0 : i32
      %dma_start3A_239 = tpu.memref_slice %arg19[%add3A_71, %dma_start3A] : memref<2560x128xf32, #tpu.memory_space<vmem_shared>> -> memref<16x128xf32, #tpu.memory_space<vmem_shared>>
      %dma_start3A_240 = arith.constant 0 : i32
      %dma_start3A_241 = tpu.memref_slice %arg19[%add3A_71, %dma_start3A_240] : memref<2560x128xf32, #tpu.memory_space<vmem_shared>> -> memref<16x128xf32, #tpu.memory_space<vmem_shared>>
      tpu.enqueue_dma source(%arg15 : memref<16x128xf32, #tpu.memory_space<vmem>>) target(%dma_start3A_241 : memref<16x128xf32, #tpu.memory_space<vmem_shared>>) target_semaphore(%run_scoped3A : memref<!tpu.dma_semaphore, #tpu.memory_space<semaphore_mem>>)
      %dma_wait3A = arith.constant 0 : i32
      %dma_wait3A_242 = tpu.memref_slice %arg19[%add3A_71, %dma_wait3A] : memref<2560x128xf32, #tpu.memory_space<vmem_shared>> -> memref<16x128xf32, #tpu.memory_space<vmem_shared>>
      %dma_wait3A_243 = arith.constant 0 : i32
      %dma_wait3A_244 = tpu.memref_slice %arg19[%add3A_71, %dma_wait3A_243] : memref<2560x128xf32, #tpu.memory_space<vmem_shared>> -> memref<16x128xf32, #tpu.memory_space<vmem_shared>>
      tpu.wait_dma2 semaphore(%run_scoped3A : memref<!tpu.dma_semaphore, #tpu.memory_space<semaphore_mem>>) src(%arg15 : memref<16x128xf32, #tpu.memory_space<vmem>>) dst(%dma_wait3A_244 : memref<16x128xf32, #tpu.memory_space<vmem_shared>>)
      tpu.yield
    }) : () -> ()
    %mul3A_72 = arith.constant 160 : i32
    %mul3A_73 = arith.muli %arg1, %mul3A_72 : i32
    %add3A_74 = arith.constant 112 : i32
    %add3A_75 = arith.addi %mul3A_73, %add3A_74 : i32
    "tpu.region"() ({
      %run_scoped3A = tpu.sem_alloc : memref<!tpu.dma_semaphore, #tpu.memory_space<semaphore_mem>>
      %dma_start3A = arith.constant 0 : i32
      %dma_start3A_239 = tpu.memref_slice %arg19[%add3A_75, %dma_start3A] : memref<2560x128xf32, #tpu.memory_space<vmem_shared>> -> memref<16x128xf32, #tpu.memory_space<vmem_shared>>
      %dma_start3A_240 = arith.constant 0 : i32
      %dma_start3A_241 = tpu.memref_slice %arg19[%add3A_75, %dma_start3A_240] : memref<2560x128xf32, #tpu.memory_space<vmem_shared>> -> memref<16x128xf32, #tpu.memory_space<vmem_shared>>
      tpu.enqueue_dma source(%arg15 : memref<16x128xf32, #tpu.memory_space<vmem>>) target(%dma_start3A_241 : memref<16x128xf32, #tpu.memory_space<vmem_shared>>) target_semaphore(%run_scoped3A : memref<!tpu.dma_semaphore, #tpu.memory_space<semaphore_mem>>)
      %dma_wait3A = arith.constant 0 : i32
      %dma_wait3A_242 = tpu.memref_slice %arg19[%add3A_75, %dma_wait3A] : memref<2560x128xf32, #tpu.memory_space<vmem_shared>> -> memref<16x128xf32, #tpu.memory_space<vmem_shared>>
      %dma_wait3A_243 = arith.constant 0 : i32
      %dma_wait3A_244 = tpu.memref_slice %arg19[%add3A_75, %dma_wait3A_243] : memref<2560x128xf32, #tpu.memory_space<vmem_shared>> -> memref<16x128xf32, #tpu.memory_space<vmem_shared>>
      tpu.wait_dma2 semaphore(%run_scoped3A : memref<!tpu.dma_semaphore, #tpu.memory_space<semaphore_mem>>) src(%arg15 : memref<16x128xf32, #tpu.memory_space<vmem>>) dst(%dma_wait3A_244 : memref<16x128xf32, #tpu.memory_space<vmem_shared>>)
      tpu.yield
    }) : () -> ()
    %mul3A_76 = arith.constant 160 : i32
    %mul3A_77 = arith.muli %arg1, %mul3A_76 : i32
    %add3A_78 = arith.constant 128 : i32
    %add3A_79 = arith.addi %mul3A_77, %add3A_78 : i32
    "tpu.region"() ({
      %run_scoped3A = tpu.sem_alloc : memref<!tpu.dma_semaphore, #tpu.memory_space<semaphore_mem>>
      %dma_start3A = arith.constant 0 : i32
      %dma_start3A_239 = tpu.memref_slice %arg19[%add3A_79, %dma_start3A] : memref<2560x128xf32, #tpu.memory_space<vmem_shared>> -> memref<16x128xf32, #tpu.memory_space<vmem_shared>>
      %dma_start3A_240 = arith.constant 0 : i32
      %dma_start3A_241 = tpu.memref_slice %arg19[%add3A_79, %dma_start3A_240] : memref<2560x128xf32, #tpu.memory_space<vmem_shared>> -> memref<16x128xf32, #tpu.memory_space<vmem_shared>>
      tpu.enqueue_dma source(%arg15 : memref<16x128xf32, #tpu.memory_space<vmem>>) target(%dma_start3A_241 : memref<16x128xf32, #tpu.memory_space<vmem_shared>>) target_semaphore(%run_scoped3A : memref<!tpu.dma_semaphore, #tpu.memory_space<semaphore_mem>>)
      %dma_wait3A = arith.constant 0 : i32
      %dma_wait3A_242 = tpu.memref_slice %arg19[%add3A_79, %dma_wait3A] : memref<2560x128xf32, #tpu.memory_space<vmem_shared>> -> memref<16x128xf32, #tpu.memory_space<vmem_shared>>
      %dma_wait3A_243 = arith.constant 0 : i32
      %dma_wait3A_244 = tpu.memref_slice %arg19[%add3A_79, %dma_wait3A_243] : memref<2560x128xf32, #tpu.memory_space<vmem_shared>> -> memref<16x128xf32, #tpu.memory_space<vmem_shared>>
      tpu.wait_dma2 semaphore(%run_scoped3A : memref<!tpu.dma_semaphore, #tpu.memory_space<semaphore_mem>>) src(%arg15 : memref<16x128xf32, #tpu.memory_space<vmem>>) dst(%dma_wait3A_244 : memref<16x128xf32, #tpu.memory_space<vmem_shared>>)
      tpu.yield
    }) : () -> ()
    %mul3A_80 = arith.constant 160 : i32
    %mul3A_81 = arith.muli %arg1, %mul3A_80 : i32
    %add3A_82 = arith.constant 144 : i32
    %add3A_83 = arith.addi %mul3A_81, %add3A_82 : i32
    "tpu.region"() ({
      %run_scoped3A = tpu.sem_alloc : memref<!tpu.dma_semaphore, #tpu.memory_space<semaphore_mem>>
      %dma_start3A = arith.constant 0 : i32
      %dma_start3A_239 = tpu.memref_slice %arg19[%add3A_83, %dma_start3A] : memref<2560x128xf32, #tpu.memory_space<vmem_shared>> -> memref<16x128xf32, #tpu.memory_space<vmem_shared>>
      %dma_start3A_240 = arith.constant 0 : i32
      %dma_start3A_241 = tpu.memref_slice %arg19[%add3A_83, %dma_start3A_240] : memref<2560x128xf32, #tpu.memory_space<vmem_shared>> -> memref<16x128xf32, #tpu.memory_space<vmem_shared>>
      tpu.enqueue_dma source(%arg15 : memref<16x128xf32, #tpu.memory_space<vmem>>) target(%dma_start3A_241 : memref<16x128xf32, #tpu.memory_space<vmem_shared>>) target_semaphore(%run_scoped3A : memref<!tpu.dma_semaphore, #tpu.memory_space<semaphore_mem>>)
      %dma_wait3A = arith.constant 0 : i32
      %dma_wait3A_242 = tpu.memref_slice %arg19[%add3A_83, %dma_wait3A] : memref<2560x128xf32, #tpu.memory_space<vmem_shared>> -> memref<16x128xf32, #tpu.memory_space<vmem_shared>>
      %dma_wait3A_243 = arith.constant 0 : i32
      %dma_wait3A_244 = tpu.memref_slice %arg19[%add3A_83, %dma_wait3A_243] : memref<2560x128xf32, #tpu.memory_space<vmem_shared>> -> memref<16x128xf32, #tpu.memory_space<vmem_shared>>
      tpu.wait_dma2 semaphore(%run_scoped3A : memref<!tpu.dma_semaphore, #tpu.memory_space<semaphore_mem>>) src(%arg15 : memref<16x128xf32, #tpu.memory_space<vmem>>) dst(%dma_wait3A_244 : memref<16x128xf32, #tpu.memory_space<vmem_shared>>)
      tpu.yield
    }) : () -> ()
    %barrier3A = arith.constant 0 : index
    tpu.barrier barrier_id(%barrier3A)
    %mul3A_84 = arith.constant 0 : i32
    %mul3A_85 = vector.broadcast %mul3A_84 : i32 to vector<16xi32>
    %mul3A_86 = arith.muli %iota3A, %mul3A_85 : vector<16xi32>
    %mul3A_87 = arith.constant 4 : i32
    %mul3A_88 = arith.muli %select_n3A_7, %mul3A_87 : i32
    %add3A_89 = arith.constant 0 : i32
    %add3A_90 = arith.addi %mul3A_88, %add3A_89 : i32
    %add3A_91 = vector.broadcast %add3A_90 : i32 to vector<16xi32>
    %add3A_92 = arith.addi %mul3A_86, %add3A_91 : vector<16xi32>
    %gather3A = tpu.vector_load_idx %arg17[%add3A_92] : memref<32xf32, #tpu.memory_space<vmem>>[vector<16xi32>], vector<16xf32>,
    %mul3A_93 = arith.constant 0 : i32
    %mul3A_94 = vector.broadcast %mul3A_93 : i32 to vector<16xi32>
    %mul3A_95 = arith.muli %iota3A, %mul3A_94 : vector<16xi32>
    %mul3A_96 = arith.constant 4 : i32
    %mul3A_97 = arith.muli %select_n3A_7, %mul3A_96 : i32
    %add3A_98 = arith.constant 1 : i32
    %add3A_99 = arith.addi %mul3A_97, %add3A_98 : i32
    %add3A_100 = vector.broadcast %add3A_99 : i32 to vector<16xi32>
    %add3A_101 = arith.addi %mul3A_95, %add3A_100 : vector<16xi32>
    %gather3A_102 = tpu.vector_load_idx %arg17[%add3A_101] : memref<32xf32, #tpu.memory_space<vmem>>[vector<16xi32>], vector<16xf32>,
    %mul3A_103 = arith.constant 0 : i32
    %mul3A_104 = vector.broadcast %mul3A_103 : i32 to vector<16xi32>
    %mul3A_105 = arith.muli %iota3A, %mul3A_104 : vector<16xi32>
    %mul3A_106 = arith.constant 4 : i32
    %mul3A_107 = arith.muli %select_n3A_7, %mul3A_106 : i32
    %add3A_108 = arith.constant 2 : i32
    %add3A_109 = arith.addi %mul3A_107, %add3A_108 : i32
    %add3A_110 = vector.broadcast %add3A_109 : i32 to vector<16xi32>
    %add3A_111 = arith.addi %mul3A_105, %add3A_110 : vector<16xi32>
    %gather3A_112 = tpu.vector_load_idx %arg17[%add3A_111] : memref<32xf32, #tpu.memory_space<vmem>>[vector<16xi32>], vector<16xf32>,
    %mul3A_113 = arith.constant 0 : i32
    %mul3A_114 = vector.broadcast %mul3A_113 : i32 to vector<16xi32>
    %mul3A_115 = arith.muli %iota3A, %mul3A_114 : vector<16xi32>
    %mul3A_116 = arith.constant 4 : i32
    %mul3A_117 = arith.muli %select_n3A_7, %mul3A_116 : i32
    %add3A_118 = arith.constant 3 : i32
    %add3A_119 = arith.addi %mul3A_117, %add3A_118 : i32
    %add3A_120 = vector.broadcast %add3A_119 : i32 to vector<16xi32>
    %add3A_121 = arith.addi %mul3A_115, %add3A_120 : vector<16xi32>
    %gather3A_122 = tpu.vector_load_idx %arg17[%add3A_121] : memref<32xf32, #tpu.memory_space<vmem>>[vector<16xi32>], vector<16xf32>,
    %get3A = arith.constant 0 : index
    %get3A_123 = tpu.vector_load %arg18[%get3A] {strides = array<i32>} : memref<16xf32, #tpu.memory_space<vmem>>, vector<16xf32>,
    %eq3A_124 = arith.constant 0 : i32
    %eq3A_125 = arith.cmpi eq, %select_n3A_7, %eq3A_124 : i32
    %jit3A_126 = arith.constant 1.000000e+00 : f32
    %jit3A_127 = arith.constant 0.000000e+00 : f32
    %select_n3A_128 = arith.select %eq3A_125, %jit3A_126, %jit3A_127 : f32
    %mul3A_129 = vector.broadcast %select_n3A_128 : f32 to vector<16xf32>
    %mul3A_130 = arith.mulf %get3A_123, %mul3A_129 : vector<16xf32>
    %scan3A_131 = arith.constant 0 : i32
    %scan3A_132 = arith.constant 0 : i32
    %scan3A_133 = arith.constant 21 : i32
    %scan3A_134 = arith.addi %scan3A_132, %scan3A_133 : i32
    %scan3A_135 = arith.constant 1 : i32
    %scan3A_136 = scf.for %scan3A_239 = %scan3A_132 to %scan3A_134 step %scan3A_135 iter_args(%scan3A_240 = %scan3A_131) -> (i32)  : i32 {
      %jit3A_241 = arith.constant 2 : i32
      %eq3A_242 = arith.constant 0 : i32
      %eq3A_243 = arith.cmpi eq, %jit3A_241, %eq3A_242 : i32
      %jit3A_244 = arith.constant 1 : i32
      %select_n3A_245 = arith.select %eq3A_243, %jit3A_244, %jit3A_241 : i32
      %rem3A_246 = arith.remsi %scan3A_239, %select_n3A_245 : i32
      %ne3A_247 = arith.constant 0 : i32
      %ne3A_248 = arith.cmpi ne, %rem3A_246, %ne3A_247 : i32
      %lt3A_249 = arith.constant 0 : i32
      %lt3A_250 = arith.cmpi slt, %rem3A_246, %lt3A_249 : i32
      %lt3A_251 = arith.constant 0 : i32
      %lt3A_252 = arith.cmpi slt, %select_n3A_245, %lt3A_251 : i32
      %ne3A_253 = arith.xori %lt3A_250, %lt3A_252 : i1
      %and3A_254 = arith.andi %ne3A_253, %ne3A_248 : i1
      %add3A_255 = arith.addi %rem3A_246, %select_n3A_245 : i32
      %select_n3A_256 = arith.select %and3A_254, %add3A_255, %rem3A_246 : i32
      %eq3A_257 = arith.constant 0 : i32
      %eq3A_258 = arith.cmpi eq, %select_n3A_256, %eq3A_257 : i32
      %convert_element_type3A = arith.extui %eq3A_258 : i1 to i32
      %cond3A = arith.constant 0 : i32
      %cond3A_259 = arith.cmpi ne, %convert_element_type3A, %cond3A : i32
      scf.if %cond3A_259 {
        %lt3A_266 = arith.constant 20 : i32
        %lt3A_267 = arith.cmpi slt, %scan3A_239, %lt3A_266 : i32
        %convert_element_type3A_268 = arith.extui %lt3A_267 : i1 to i32
        %cond3A_269 = arith.constant 0 : i32
        %cond3A_270 = arith.cmpi ne, %convert_element_type3A_268, %cond3A_269 : i32
        scf.if %cond3A_270 {
          %mul3A_275 = arith.constant 4096 : i32
          %mul3A_276 = arith.muli %scan3A_239, %mul3A_275 : i32
          %add3A_277 = arith.addi %mul3A_32, %mul3A_276 : i32
          %dma_start3A = tpu.memref_slice %arg4[%add3A_277] : memref<327680xi32, #tpu.memory_space<hbm>> -> memref<4096xi32, #tpu.memory_space<hbm>>
          %dma_start3A_278 = tpu.memref_slice %arg4[%add3A_277] : memref<327680xi32, #tpu.memory_space<hbm>> -> memref<4096xi32, #tpu.memory_space<hbm>>
          tpu.enqueue_dma source(%dma_start3A_278 : memref<4096xi32, #tpu.memory_space<hbm>>) target(%arg11 : memref<4096xi32, #tpu.memory_space<vmem>>) target_semaphore(%arg21 : memref<!tpu.dma_semaphore, #tpu.memory_space<semaphore_mem>>)
          %mul3A_279 = arith.constant 4096 : i32
          %mul3A_280 = arith.muli %scan3A_239, %mul3A_279 : i32
          %add3A_281 = arith.addi %mul3A_32, %mul3A_280 : i32
          %dma_start3A_282 = tpu.memref_slice %arg5[%add3A_281] : memref<327680xi32, #tpu.memory_space<hbm>> -> memref<4096xi32, #tpu.memory_space<hbm>>
          %dma_start3A_283 = tpu.memref_slice %arg5[%add3A_281] : memref<327680xi32, #tpu.memory_space<hbm>> -> memref<4096xi32, #tpu.memory_space<hbm>>
          tpu.enqueue_dma source(%dma_start3A_283 : memref<4096xi32, #tpu.memory_space<hbm>>) target(%arg12 : memref<4096xi32, #tpu.memory_space<vmem>>) target_semaphore(%arg21 : memref<!tpu.dma_semaphore, #tpu.memory_space<semaphore_mem>>)
        } else {
        }
        %gt3A = arith.constant 0 : i32
        %gt3A_271 = arith.cmpi sgt, %scan3A_239, %gt3A : i32
        %convert_element_type3A_272 = arith.extui %gt3A_271 : i1 to i32
        %cond3A_273 = arith.constant 0 : i32
        %cond3A_274 = arith.cmpi ne, %convert_element_type3A_272, %cond3A_273 : i32
        scf.if %cond3A_274 {
          %sub3A_275 = arith.constant 1 : i32
          %sub3A_276 = arith.subi %scan3A_239, %sub3A_275 : i32
          %dma_wait3A = arith.constant 0 : i32
          %dma_wait3A_277 = tpu.memref_slice %arg4[%dma_wait3A] : memref<327680xi32, #tpu.memory_space<hbm>> -> memref<4096xi32, #tpu.memory_space<hbm>>
          %dma_wait3A_278 = arith.constant 0 : i32
          %dma_wait3A_279 = tpu.memref_slice %arg4[%dma_wait3A_278] : memref<327680xi32, #tpu.memory_space<hbm>> -> memref<4096xi32, #tpu.memory_space<hbm>>
          tpu.wait_dma2 semaphore(%arg22 : memref<!tpu.dma_semaphore, #tpu.memory_space<semaphore_mem>>) src(%dma_wait3A_279 : memref<4096xi32, #tpu.memory_space<hbm>>) dst(%arg13 : memref<4096xi32, #tpu.memory_space<vmem>>)
          %dma_wait3A_280 = arith.constant 0 : i32
          %dma_wait3A_281 = tpu.memref_slice %arg4[%dma_wait3A_280] : memref<327680xi32, #tpu.memory_space<hbm>> -> memref<4096xi32, #tpu.memory_space<hbm>>
          %dma_wait3A_282 = arith.constant 0 : i32
          %dma_wait3A_283 = tpu.memref_slice %arg4[%dma_wait3A_282] : memref<327680xi32, #tpu.memory_space<hbm>> -> memref<4096xi32, #tpu.memory_space<hbm>>
          tpu.wait_dma2 semaphore(%arg22 : memref<!tpu.dma_semaphore, #tpu.memory_space<semaphore_mem>>) src(%dma_wait3A_283 : memref<4096xi32, #tpu.memory_space<hbm>>) dst(%arg14 : memref<4096xi32, #tpu.memory_space<vmem>>)
          %scan3A_284 = arith.constant 0 : i32
          %scan3A_285 = arith.constant 0 : i32
          %scan3A_286 = arith.constant 2 : i32
          %scan3A_287 = arith.addi %scan3A_285, %scan3A_286 : i32
          %scan3A_288 = arith.constant 1 : i32
          %scan3A_289 = scf.for %scan3A_291 = %scan3A_285 to %scan3A_287 step %scan3A_288 iter_args(%scan3A_292 = %scan3A_284) -> (i32)  : i32 {
            %mul3A_293 = arith.constant 2048 : i32
            %mul3A_294 = arith.muli %scan3A_291, %mul3A_293 : i32
            %scan3A_295 = arith.constant 0 : i32
            %scan3A_296 = arith.constant 0 : i32
            %scan3A_297 = arith.constant 128 : i32
            %scan3A_298 = arith.addi %scan3A_296, %scan3A_297 : i32
            %scan3A_299 = arith.constant 1 : i32
            %scan3A_300 = scf.for %scan3A_314 = %scan3A_296 to %scan3A_298 step %scan3A_299 iter_args(%scan3A_315 = %scan3A_295) -> (i32)  : i32 {
              %mul3A_316 = arith.constant 16 : i32
              %mul3A_317 = arith.muli %mul3A_316, %scan3A_314 : i32
              %add3A_318 = arith.addi %mul3A_294, %mul3A_317 : i32
              %get3A_319 = arith.index_cast %add3A_318 : i32 to index
              %get3A_320 = tpu.vector_load %arg13[%get3A_319] {strides = array<i32>} : memref<4096xi32, #tpu.memory_space<vmem>>, vector<16xi32>,
              %mul3A_321 = arith.constant 16 : i32
              %mul3A_322 = arith.muli %mul3A_321, %scan3A_314 : i32
              %add3A_323 = arith.addi %mul3A_294, %mul3A_322 : i32
              %get3A_324 = arith.index_cast %add3A_323 : i32 to index
              %get3A_325 = tpu.vector_load %arg14[%get3A_324] {strides = array<i32>} : memref<4096xi32, #tpu.memory_space<vmem>>, vector<16xi32>,
              %broadcast_in_dim3A_326 = arith.constant 0 : i32
              %broadcast_in_dim3A_327 = vector.broadcast %broadcast_in_dim3A_326 : i32 to vector<16xi32>
              %gather3A_328 = tpu.vector_load_idx %arg9[%broadcast_in_dim3A_327, %get3A_320] : memref<4x10240xf32, #tpu.memory_space<vmem>>[vector<16xi32>, vector<16xi32>], vector<16xf32>,
              %gather3A_329 = tpu.vector_load_idx %arg10[%broadcast_in_dim3A_327, %get3A_325] : memref<4x10240xf32, #tpu.memory_space<vmem>>[vector<16xi32>, vector<16xi32>], vector<16xf32>,
              %add3A_330 = arith.addf %gather3A_328, %gather3A_329 : vector<16xf32>
              %max3A = arith.constant 0.000000e+00 : f32
              %max3A_331 = vector.broadcast %max3A : f32 to vector<16xf32>
              %max3A_332 = arith.maximumf %add3A_330, %max3A_331 : vector<16xf32>
              %mul3A_333 = arith.mulf %max3A_332, %gather3A : vector<16xf32>
              %add3A_334 = arith.addf %mul3A_130, %mul3A_333 : vector<16xf32>
              %broadcast_in_dim3A_335 = arith.constant 1 : i32
              %broadcast_in_dim3A_336 = vector.broadcast %broadcast_in_dim3A_335 : i32 to vector<16xi32>
              %gather3A_337 = tpu.vector_load_idx %arg9[%broadcast_in_dim3A_336, %get3A_320] : memref<4x10240xf32, #tpu.memory_space<vmem>>[vector<16xi32>, vector<16xi32>], vector<16xf32>,
              %gather3A_338 = tpu.vector_load_idx %arg10[%broadcast_in_dim3A_336, %get3A_325] : memref<4x10240xf32, #tpu.memory_space<vmem>>[vector<16xi32>, vector<16xi32>], vector<16xf32>,
              %add3A_339 = arith.addf %gather3A_337, %gather3A_338 : vector<16xf32>
              %max3A_340 = arith.constant 0.000000e+00 : f32
              %max3A_341 = vector.broadcast %max3A_340 : f32 to vector<16xf32>
              %max3A_342 = arith.maximumf %add3A_339, %max3A_341 : vector<16xf32>
              %mul3A_343 = arith.mulf %max3A_342, %gather3A_102 : vector<16xf32>
              %add3A_344 = arith.addf %add3A_334, %mul3A_343 : vector<16xf32>
              %broadcast_in_dim3A_345 = arith.constant 2 : i32
              %broadcast_in_dim3A_346 = vector.broadcast %broadcast_in_dim3A_345 : i32 to vector<16xi32>
              %gather3A_347 = tpu.vector_load_idx %arg9[%broadcast_in_dim3A_346, %get3A_320] : memref<4x10240xf32, #tpu.memory_space<vmem>>[vector<16xi32>, vector<16xi32>], vector<16xf32>,
              %gather3A_348 = tpu.vector_load_idx %arg10[%broadcast_in_dim3A_346, %get3A_325] : memref<4x10240xf32, #tpu.memory_space<vmem>>[vector<16xi32>, vector<16xi32>], vector<16xf32>,
              %add3A_349 = arith.addf %gather3A_347, %gather3A_348 : vector<16xf32>
              %max3A_350 = arith.constant 0.000000e+00 : f32
              %max3A_351 = vector.broadcast %max3A_350 : f32 to vector<16xf32>
              %max3A_352 = arith.maximumf %add3A_349, %max3A_351 : vector<16xf32>
              %mul3A_353 = arith.mulf %max3A_352, %gather3A_112 : vector<16xf32>
              %add3A_354 = arith.addf %add3A_344, %mul3A_353 : vector<16xf32>
              %broadcast_in_dim3A_355 = arith.constant 3 : i32
              %broadcast_in_dim3A_356 = vector.broadcast %broadcast_in_dim3A_355 : i32 to vector<16xi32>
              %gather3A_357 = tpu.vector_load_idx %arg9[%broadcast_in_dim3A_356, %get3A_320] : memref<4x10240xf32, #tpu.memory_space<vmem>>[vector<16xi32>, vector<16xi32>], vector<16xf32>,
              %gather3A_358 = tpu.vector_load_idx %arg10[%broadcast_in_dim3A_356, %get3A_325] : memref<4x10240xf32, #tpu.memory_space<vmem>>[vector<16xi32>, vector<16xi32>], vector<16xf32>,
              %add3A_359 = arith.addf %gather3A_357, %gather3A_358 : vector<16xf32>
              %max3A_360 = arith.constant 0.000000e+00 : f32
              %max3A_361 = vector.broadcast %max3A_360 : f32 to vector<16xf32>
              %max3A_362 = arith.maximumf %add3A_359, %max3A_361 : vector<16xf32>
              %mul3A_363 = arith.mulf %max3A_362, %gather3A_122 : vector<16xf32>
              %add3A_364 = arith.addf %add3A_354, %mul3A_363 : vector<16xf32>
              %shift_right_arithmetic3A = arith.constant 3 : i32
              %shift_right_arithmetic3A_365 = arith.shrsi %scan3A_314, %shift_right_arithmetic3A : i32
              %and3A_366 = arith.constant 7 : i32
              %and3A_367 = arith.andi %scan3A_314, %and3A_366 : i32
              %mul3A_368 = arith.constant 16 : i32
              %mul3A_369 = arith.muli %and3A_367, %mul3A_368 : i32
              %swap3A_370 = arith.index_cast %shift_right_arithmetic3A_365 : i32 to index
              %swap3A_371 = arith.index_cast %mul3A_369 : i32 to index
              %swap3A_372 = tpu.vector_load %arg15[%swap3A_370, %swap3A_371] {strides = array<i32>} : memref<16x128xf32, #tpu.memory_space<vmem>>, vector<16xf32>,
              tpu.vector_store %arg15[%swap3A_370, %swap3A_371], %add3A_364 {strides = array<i32>} : memref<16x128xf32, #tpu.memory_space<vmem>>, vector<16xf32>,
              %scan3A_373 = arith.constant 0 : i32
              scf.yield %scan3A_373 : i32
            }
            %scan3A_301 = arith.constant 128 : i32
            %mul3A_302 = arith.constant 640 : i32
            %mul3A_303 = arith.muli %add3A_30, %mul3A_302 : i32
            %mul3A_304 = arith.constant 2 : i32
            %mul3A_305 = arith.muli %sub3A_276, %mul3A_304 : i32
            %add3A_306 = arith.addi %mul3A_305, %scan3A_291 : i32
            %mul3A_307 = arith.constant 16 : i32
            %mul3A_308 = arith.muli %add3A_306, %mul3A_307 : i32
            %add3A_309 = arith.addi %mul3A_303, %mul3A_308 : i32
            %add3A_310 = vector.broadcast %add3A_309 : i32 to vector<16xi32>
            %add3A_311 = arith.addi %iota3A, %add3A_310 : vector<16xi32>
            %swap3A = arith.constant 0 : index
            %swap3A_312 = tpu.vector_load %arg16[%swap3A] {strides = array<i32>} : memref<16xi32, #tpu.memory_space<vmem>>, vector<16xi32>,
            tpu.vector_store %arg16[%swap3A], %add3A_311 {strides = array<i32>} : memref<16xi32, #tpu.memory_space<vmem>>, vector<16xi32>,
            "tpu.region"() ({
              %run_scoped3A = tpu.sem_alloc : memref<!tpu.dma_semaphore, #tpu.memory_space<semaphore_mem>>
              %dma_start3A = arith.constant 0 : i32
              %dma_start3A_314 = arith.constant 0 : i32
              %dma_start3A_315 = tpu.memref_slice %arg19[%dma_start3A, %dma_start3A_314] : memref<2560x128xf32, #tpu.memory_space<vmem_shared>> -> memref<2560x128xf32, #tpu.memory_space<vmem_shared>>
              tpu.enqueue_indirect_dma source(%arg15 : memref<16x128xf32, #tpu.memory_space<vmem>>) target(%dma_start3A_315 : memref<2560x128xf32, #tpu.memory_space<vmem_shared>>) offsets(%arg16 : memref<16xi32, #tpu.memory_space<vmem>>) semaphore(%run_scoped3A : memref<!tpu.dma_semaphore, #tpu.memory_space<semaphore_mem>>) {add = true}
              %dma_wait3A_316 = arith.constant 0 : i32
              %dma_wait3A_317 = arith.constant 0 : i32
              %dma_wait3A_318 = tpu.memref_slice %arg19[%dma_wait3A_316, %dma_wait3A_317] : memref<2560x128xf32, #tpu.memory_space<vmem_shared>> -> memref<2560x128xf32, #tpu.memory_space<vmem_shared>>
              tpu.wait_indirect_dma semaphore(%run_scoped3A : memref<!tpu.dma_semaphore, #tpu.memory_space<semaphore_mem>>) src(%arg15 : memref<16x128xf32, #tpu.memory_space<vmem>>) dst(%dma_wait3A_318 : memref<2560x128xf32, #tpu.memory_space<vmem_shared>>)
              tpu.yield
            }) : () -> ()
            %scan3A_313 = arith.constant 0 : i32
            scf.yield %scan3A_313 : i32
          }
          %scan3A_290 = arith.constant 2 : i32
        } else {
        }
      } else {
      }
      %eq3A_260 = arith.constant 1 : i32
      %eq3A_261 = arith.cmpi eq, %select_n3A_256, %eq3A_260 : i32
      %convert_element_type3A_262 = arith.extui %eq3A_261 : i1 to i32
      %cond3A_263 = arith.constant 0 : i32
      %cond3A_264 = arith.cmpi ne, %convert_element_type3A_262, %cond3A_263 : i32
      scf.if %cond3A_264 {
        %lt3A_266 = arith.constant 20 : i32
        %lt3A_267 = arith.cmpi slt, %scan3A_239, %lt3A_266 : i32
        %convert_element_type3A_268 = arith.extui %lt3A_267 : i1 to i32
        %cond3A_269 = arith.constant 0 : i32
        %cond3A_270 = arith.cmpi ne, %convert_element_type3A_268, %cond3A_269 : i32
        scf.if %cond3A_270 {
          %mul3A_287 = arith.constant 4096 : i32
          %mul3A_288 = arith.muli %scan3A_239, %mul3A_287 : i32
          %add3A_289 = arith.addi %mul3A_32, %mul3A_288 : i32
          %dma_start3A = tpu.memref_slice %arg4[%add3A_289] : memref<327680xi32, #tpu.memory_space<hbm>> -> memref<4096xi32, #tpu.memory_space<hbm>>
          %dma_start3A_290 = tpu.memref_slice %arg4[%add3A_289] : memref<327680xi32, #tpu.memory_space<hbm>> -> memref<4096xi32, #tpu.memory_space<hbm>>
          tpu.enqueue_dma source(%dma_start3A_290 : memref<4096xi32, #tpu.memory_space<hbm>>) target(%arg13 : memref<4096xi32, #tpu.memory_space<vmem>>) target_semaphore(%arg22 : memref<!tpu.dma_semaphore, #tpu.memory_space<semaphore_mem>>)
          %mul3A_291 = arith.constant 4096 : i32
          %mul3A_292 = arith.muli %scan3A_239, %mul3A_291 : i32
          %add3A_293 = arith.addi %mul3A_32, %mul3A_292 : i32
          %dma_start3A_294 = tpu.memref_slice %arg5[%add3A_293] : memref<327680xi32, #tpu.memory_space<hbm>> -> memref<4096xi32, #tpu.memory_space<hbm>>
          %dma_start3A_295 = tpu.memref_slice %arg5[%add3A_293] : memref<327680xi32, #tpu.memory_space<hbm>> -> memref<4096xi32, #tpu.memory_space<hbm>>
          tpu.enqueue_dma source(%dma_start3A_295 : memref<4096xi32, #tpu.memory_space<hbm>>) target(%arg14 : memref<4096xi32, #tpu.memory_space<vmem>>) target_semaphore(%arg22 : memref<!tpu.dma_semaphore, #tpu.memory_space<semaphore_mem>>)
        } else {
        }
        %sub3A_271 = arith.constant 1 : i32
        %sub3A_272 = arith.subi %scan3A_239, %sub3A_271 : i32
        %dma_wait3A = arith.constant 0 : i32
        %dma_wait3A_273 = tpu.memref_slice %arg4[%dma_wait3A] : memref<327680xi32, #tpu.memory_space<hbm>> -> memref<4096xi32, #tpu.memory_space<hbm>>
        %dma_wait3A_274 = arith.constant 0 : i32
        %dma_wait3A_275 = tpu.memref_slice %arg4[%dma_wait3A_274] : memref<327680xi32, #tpu.memory_space<hbm>> -> memref<4096xi32, #tpu.memory_space<hbm>>
        tpu.wait_dma2 semaphore(%arg21 : memref<!tpu.dma_semaphore, #tpu.memory_space<semaphore_mem>>) src(%dma_wait3A_275 : memref<4096xi32, #tpu.memory_space<hbm>>) dst(%arg11 : memref<4096xi32, #tpu.memory_space<vmem>>)
        %dma_wait3A_276 = arith.constant 0 : i32
        %dma_wait3A_277 = tpu.memref_slice %arg4[%dma_wait3A_276] : memref<327680xi32, #tpu.memory_space<hbm>> -> memref<4096xi32, #tpu.memory_space<hbm>>
        %dma_wait3A_278 = arith.constant 0 : i32
        %dma_wait3A_279 = tpu.memref_slice %arg4[%dma_wait3A_278] : memref<327680xi32, #tpu.memory_space<hbm>> -> memref<4096xi32, #tpu.memory_space<hbm>>
        tpu.wait_dma2 semaphore(%arg21 : memref<!tpu.dma_semaphore, #tpu.memory_space<semaphore_mem>>) src(%dma_wait3A_279 : memref<4096xi32, #tpu.memory_space<hbm>>) dst(%arg12 : memref<4096xi32, #tpu.memory_space<vmem>>)
        %scan3A_280 = arith.constant 0 : i32
        %scan3A_281 = arith.constant 0 : i32
        %scan3A_282 = arith.constant 2 : i32
        %scan3A_283 = arith.addi %scan3A_281, %scan3A_282 : i32
        %scan3A_284 = arith.constant 1 : i32
        %scan3A_285 = scf.for %scan3A_287 = %scan3A_281 to %scan3A_283 step %scan3A_284 iter_args(%scan3A_288 = %scan3A_280) -> (i32)  : i32 {
          %mul3A_289 = arith.constant 2048 : i32
          %mul3A_290 = arith.muli %scan3A_287, %mul3A_289 : i32
          %scan3A_291 = arith.constant 0 : i32
          %scan3A_292 = arith.constant 0 : i32
          %scan3A_293 = arith.constant 128 : i32
          %scan3A_294 = arith.addi %scan3A_292, %scan3A_293 : i32
          %scan3A_295 = arith.constant 1 : i32
          %scan3A_296 = scf.for %scan3A_310 = %scan3A_292 to %scan3A_294 step %scan3A_295 iter_args(%scan3A_311 = %scan3A_291) -> (i32)  : i32 {
            %mul3A_312 = arith.constant 16 : i32
            %mul3A_313 = arith.muli %mul3A_312, %scan3A_310 : i32
            %add3A_314 = arith.addi %mul3A_290, %mul3A_313 : i32
            %get3A_315 = arith.index_cast %add3A_314 : i32 to index
            %get3A_316 = tpu.vector_load %arg11[%get3A_315] {strides = array<i32>} : memref<4096xi32, #tpu.memory_space<vmem>>, vector<16xi32>,
            %mul3A_317 = arith.constant 16 : i32
            %mul3A_318 = arith.muli %mul3A_317, %scan3A_310 : i32
            %add3A_319 = arith.addi %mul3A_290, %mul3A_318 : i32
            %get3A_320 = arith.index_cast %add3A_319 : i32 to index
            %get3A_321 = tpu.vector_load %arg12[%get3A_320] {strides = array<i32>} : memref<4096xi32, #tpu.memory_space<vmem>>, vector<16xi32>,
            %broadcast_in_dim3A_322 = arith.constant 0 : i32
            %broadcast_in_dim3A_323 = vector.broadcast %broadcast_in_dim3A_322 : i32 to vector<16xi32>
            %gather3A_324 = tpu.vector_load_idx %arg9[%broadcast_in_dim3A_323, %get3A_316] : memref<4x10240xf32, #tpu.memory_space<vmem>>[vector<16xi32>, vector<16xi32>], vector<16xf32>,
            %gather3A_325 = tpu.vector_load_idx %arg10[%broadcast_in_dim3A_323, %get3A_321] : memref<4x10240xf32, #tpu.memory_space<vmem>>[vector<16xi32>, vector<16xi32>], vector<16xf32>,
            %add3A_326 = arith.addf %gather3A_324, %gather3A_325 : vector<16xf32>
            %max3A = arith.constant 0.000000e+00 : f32
            %max3A_327 = vector.broadcast %max3A : f32 to vector<16xf32>
            %max3A_328 = arith.maximumf %add3A_326, %max3A_327 : vector<16xf32>
            %mul3A_329 = arith.mulf %max3A_328, %gather3A : vector<16xf32>
            %add3A_330 = arith.addf %mul3A_130, %mul3A_329 : vector<16xf32>
            %broadcast_in_dim3A_331 = arith.constant 1 : i32
            %broadcast_in_dim3A_332 = vector.broadcast %broadcast_in_dim3A_331 : i32 to vector<16xi32>
            %gather3A_333 = tpu.vector_load_idx %arg9[%broadcast_in_dim3A_332, %get3A_316] : memref<4x10240xf32, #tpu.memory_space<vmem>>[vector<16xi32>, vector<16xi32>], vector<16xf32>,
            %gather3A_334 = tpu.vector_load_idx %arg10[%broadcast_in_dim3A_332, %get3A_321] : memref<4x10240xf32, #tpu.memory_space<vmem>>[vector<16xi32>, vector<16xi32>], vector<16xf32>,
            %add3A_335 = arith.addf %gather3A_333, %gather3A_334 : vector<16xf32>
            %max3A_336 = arith.constant 0.000000e+00 : f32
            %max3A_337 = vector.broadcast %max3A_336 : f32 to vector<16xf32>
            %max3A_338 = arith.maximumf %add3A_335, %max3A_337 : vector<16xf32>
            %mul3A_339 = arith.mulf %max3A_338, %gather3A_102 : vector<16xf32>
            %add3A_340 = arith.addf %add3A_330, %mul3A_339 : vector<16xf32>
            %broadcast_in_dim3A_341 = arith.constant 2 : i32
            %broadcast_in_dim3A_342 = vector.broadcast %broadcast_in_dim3A_341 : i32 to vector<16xi32>
            %gather3A_343 = tpu.vector_load_idx %arg9[%broadcast_in_dim3A_342, %get3A_316] : memref<4x10240xf32, #tpu.memory_space<vmem>>[vector<16xi32>, vector<16xi32>], vector<16xf32>,
            %gather3A_344 = tpu.vector_load_idx %arg10[%broadcast_in_dim3A_342, %get3A_321] : memref<4x10240xf32, #tpu.memory_space<vmem>>[vector<16xi32>, vector<16xi32>], vector<16xf32>,
            %add3A_345 = arith.addf %gather3A_343, %gather3A_344 : vector<16xf32>
            %max3A_346 = arith.constant 0.000000e+00 : f32
            %max3A_347 = vector.broadcast %max3A_346 : f32 to vector<16xf32>
            %max3A_348 = arith.maximumf %add3A_345, %max3A_347 : vector<16xf32>
            %mul3A_349 = arith.mulf %max3A_348, %gather3A_112 : vector<16xf32>
            %add3A_350 = arith.addf %add3A_340, %mul3A_349 : vector<16xf32>
            %broadcast_in_dim3A_351 = arith.constant 3 : i32
            %broadcast_in_dim3A_352 = vector.broadcast %broadcast_in_dim3A_351 : i32 to vector<16xi32>
            %gather3A_353 = tpu.vector_load_idx %arg9[%broadcast_in_dim3A_352, %get3A_316] : memref<4x10240xf32, #tpu.memory_space<vmem>>[vector<16xi32>, vector<16xi32>], vector<16xf32>,
            %gather3A_354 = tpu.vector_load_idx %arg10[%broadcast_in_dim3A_352, %get3A_321] : memref<4x10240xf32, #tpu.memory_space<vmem>>[vector<16xi32>, vector<16xi32>], vector<16xf32>,
            %add3A_355 = arith.addf %gather3A_353, %gather3A_354 : vector<16xf32>
            %max3A_356 = arith.constant 0.000000e+00 : f32
            %max3A_357 = vector.broadcast %max3A_356 : f32 to vector<16xf32>
            %max3A_358 = arith.maximumf %add3A_355, %max3A_357 : vector<16xf32>
            %mul3A_359 = arith.mulf %max3A_358, %gather3A_122 : vector<16xf32>
            %add3A_360 = arith.addf %add3A_350, %mul3A_359 : vector<16xf32>
            %shift_right_arithmetic3A = arith.constant 3 : i32
            %shift_right_arithmetic3A_361 = arith.shrsi %scan3A_310, %shift_right_arithmetic3A : i32
            %and3A_362 = arith.constant 7 : i32
            %and3A_363 = arith.andi %scan3A_310, %and3A_362 : i32
            %mul3A_364 = arith.constant 16 : i32
            %mul3A_365 = arith.muli %and3A_363, %mul3A_364 : i32
            %swap3A_366 = arith.index_cast %shift_right_arithmetic3A_361 : i32 to index
            %swap3A_367 = arith.index_cast %mul3A_365 : i32 to index
            %swap3A_368 = tpu.vector_load %arg15[%swap3A_366, %swap3A_367] {strides = array<i32>} : memref<16x128xf32, #tpu.memory_space<vmem>>, vector<16xf32>,
            tpu.vector_store %arg15[%swap3A_366, %swap3A_367], %add3A_360 {strides = array<i32>} : memref<16x128xf32, #tpu.memory_space<vmem>>, vector<16xf32>,
            %scan3A_369 = arith.constant 0 : i32
            scf.yield %scan3A_369 : i32
          }
          %scan3A_297 = arith.constant 128 : i32
          %mul3A_298 = arith.constant 640 : i32
          %mul3A_299 = arith.muli %add3A_30, %mul3A_298 : i32
          %mul3A_300 = arith.constant 2 : i32
          %mul3A_301 = arith.muli %sub3A_272, %mul3A_300 : i32
          %add3A_302 = arith.addi %mul3A_301, %scan3A_287 : i32
          %mul3A_303 = arith.constant 16 : i32
          %mul3A_304 = arith.muli %add3A_302, %mul3A_303 : i32
          %add3A_305 = arith.addi %mul3A_299, %mul3A_304 : i32
          %add3A_306 = vector.broadcast %add3A_305 : i32 to vector<16xi32>
          %add3A_307 = arith.addi %iota3A, %add3A_306 : vector<16xi32>
          %swap3A = arith.constant 0 : index
          %swap3A_308 = tpu.vector_load %arg16[%swap3A] {strides = array<i32>} : memref<16xi32, #tpu.memory_space<vmem>>, vector<16xi32>,
          tpu.vector_store %arg16[%swap3A], %add3A_307 {strides = array<i32>} : memref<16xi32, #tpu.memory_space<vmem>>, vector<16xi32>,
          "tpu.region"() ({
            %run_scoped3A = tpu.sem_alloc : memref<!tpu.dma_semaphore, #tpu.memory_space<semaphore_mem>>
            %dma_start3A = arith.constant 0 : i32
            %dma_start3A_310 = arith.constant 0 : i32
            %dma_start3A_311 = tpu.memref_slice %arg19[%dma_start3A, %dma_start3A_310] : memref<2560x128xf32, #tpu.memory_space<vmem_shared>> -> memref<2560x128xf32, #tpu.memory_space<vmem_shared>>
            tpu.enqueue_indirect_dma source(%arg15 : memref<16x128xf32, #tpu.memory_space<vmem>>) target(%dma_start3A_311 : memref<2560x128xf32, #tpu.memory_space<vmem_shared>>) offsets(%arg16 : memref<16xi32, #tpu.memory_space<vmem>>) semaphore(%run_scoped3A : memref<!tpu.dma_semaphore, #tpu.memory_space<semaphore_mem>>) {add = true}
            %dma_wait3A_312 = arith.constant 0 : i32
            %dma_wait3A_313 = arith.constant 0 : i32
            %dma_wait3A_314 = tpu.memref_slice %arg19[%dma_wait3A_312, %dma_wait3A_313] : memref<2560x128xf32, #tpu.memory_space<vmem_shared>> -> memref<2560x128xf32, #tpu.memory_space<vmem_shared>>
            tpu.wait_indirect_dma semaphore(%run_scoped3A : memref<!tpu.dma_semaphore, #tpu.memory_space<semaphore_mem>>) src(%arg15 : memref<16x128xf32, #tpu.memory_space<vmem>>) dst(%dma_wait3A_314 : memref<2560x128xf32, #tpu.memory_space<vmem_shared>>)
            tpu.yield
          }) : () -> ()
          %scan3A_309 = arith.constant 0 : i32
          scf.yield %scan3A_309 : i32
        }
        %scan3A_286 = arith.constant 2 : i32
      } else {
      }
      %scan3A_265 = arith.constant 0 : i32
      scf.yield %scan3A_265 : i32
    }
    %scan3A_137 = arith.constant 21 : i32
    %barrier3A_138 = arith.constant 0 : index
    tpu.barrier barrier_id(%barrier3A_138)
    %add3A_139 = arith.constant 0 : i32
    %add3A_140 = arith.addi %arg0, %add3A_139 : i32
    %mul3A_141 = arith.constant 640 : i32
    %mul3A_142 = arith.muli %add3A_140, %mul3A_141 : i32
    %jit3A_143 = arith.constant 8 : i32
    %eq3A_144 = arith.constant 0 : i32
    %eq3A_145 = arith.cmpi eq, %jit3A_143, %eq3A_144 : i32
    %jit3A_146 = arith.constant 1 : i32
    %select_n3A_147 = arith.select %eq3A_145, %jit3A_146, %jit3A_143 : i32
    %rem3A_148 = arith.remsi %arg1, %select_n3A_147 : i32
    %ne3A_149 = arith.constant 0 : i32
    %ne3A_150 = arith.cmpi ne, %rem3A_148, %ne3A_149 : i32
    %lt3A_151 = arith.constant 0 : i32
    %lt3A_152 = arith.cmpi slt, %rem3A_148, %lt3A_151 : i32
    %lt3A_153 = arith.constant 0 : i32
    %lt3A_154 = arith.cmpi slt, %select_n3A_147, %lt3A_153 : i32
    %ne3A_155 = arith.xori %lt3A_152, %lt3A_154 : i1
    %and3A_156 = arith.andi %ne3A_155, %ne3A_150 : i1
    %add3A_157 = arith.addi %rem3A_148, %select_n3A_147 : i32
    %select_n3A_158 = arith.select %and3A_156, %add3A_157, %rem3A_148 : i32
    %mul3A_159 = arith.constant 80 : i32
    %mul3A_160 = arith.muli %select_n3A_158, %mul3A_159 : i32
    %add3A_161 = arith.addi %mul3A_142, %mul3A_160 : i32
    %jit3A_162 = arith.constant 8 : i32
    %div3A_163 = arith.divsi %arg1, %jit3A_162 : i32
    %sign3A_164 = arith.constant 0 : i32
    %sign3A_165 = arith.cmpi sgt, %arg1, %sign3A_164 : i32
    %sign3A_166 = arith.extui %sign3A_165 : i1 to i32
    %sign3A_167 = arith.constant 0 : i32
    %sign3A_168 = arith.cmpi slt, %arg1, %sign3A_167 : i32
    %sign3A_169 = arith.extui %sign3A_168 : i1 to i32
    %sign3A_170 = arith.subi %sign3A_166, %sign3A_169 : i32
    %sign3A_171 = arith.constant 0 : i32
    %sign3A_172 = arith.cmpi sgt, %jit3A_162, %sign3A_171 : i32
    %sign3A_173 = arith.extui %sign3A_172 : i1 to i32
    %sign3A_174 = arith.constant 0 : i32
    %sign3A_175 = arith.cmpi slt, %jit3A_162, %sign3A_174 : i32
    %sign3A_176 = arith.extui %sign3A_175 : i1 to i32
    %sign3A_177 = arith.subi %sign3A_173, %sign3A_176 : i32
    %ne3A_178 = arith.cmpi ne, %sign3A_170, %sign3A_177 : i32
    %rem3A_179 = arith.remsi %arg1, %jit3A_162 : i32
    %ne3A_180 = arith.constant 0 : i32
    %ne3A_181 = arith.cmpi ne, %rem3A_179, %ne3A_180 : i32
    %and3A_182 = arith.andi %ne3A_178, %ne3A_181 : i1
    %sub3A_183 = arith.constant 1 : i32
    %sub3A_184 = arith.subi %div3A_163, %sub3A_183 : i32
    %select_n3A_185 = arith.select %and3A_182, %sub3A_184, %div3A_163 : i32
    %mul3A_186 = arith.constant 40 : i32
    %mul3A_187 = arith.muli %select_n3A_185, %mul3A_186 : i32
    %add3A_188 = arith.addi %add3A_161, %mul3A_187 : i32
    "tpu.region"() ({
      %run_scoped3A = tpu.sem_alloc : memref<!tpu.dma_semaphore, #tpu.memory_space<semaphore_mem>>
      %dma_start3A = arith.constant 0 : i32
      %dma_start3A_239 = tpu.memref_slice %arg8[%add3A_188, %dma_start3A] : memref<2560x128xf32, #tpu.memory_space<hbm>> -> memref<40x128xf32, #tpu.memory_space<hbm>>
      %dma_start3A_240 = arith.constant 0 : i32
      %dma_start3A_241 = tpu.memref_slice %arg19[%add3A_188, %dma_start3A_240] : memref<2560x128xf32, #tpu.memory_space<vmem_shared>> -> memref<40x128xf32, #tpu.memory_space<vmem_shared>>
      tpu.enqueue_dma source(%dma_start3A_241 : memref<40x128xf32, #tpu.memory_space<vmem_shared>>) target(%dma_start3A_239 : memref<40x128xf32, #tpu.memory_space<hbm>>) target_semaphore(%run_scoped3A : memref<!tpu.dma_semaphore, #tpu.memory_space<semaphore_mem>>)
      %dma_wait3A = arith.constant 0 : i32
      %dma_wait3A_242 = tpu.memref_slice %arg8[%add3A_188, %dma_wait3A] : memref<2560x128xf32, #tpu.memory_space<hbm>> -> memref<40x128xf32, #tpu.memory_space<hbm>>
      %dma_wait3A_243 = arith.constant 0 : i32
      %dma_wait3A_244 = tpu.memref_slice %arg19[%add3A_188, %dma_wait3A_243] : memref<2560x128xf32, #tpu.memory_space<vmem_shared>> -> memref<40x128xf32, #tpu.memory_space<vmem_shared>>
      tpu.wait_dma2 semaphore(%run_scoped3A : memref<!tpu.dma_semaphore, #tpu.memory_space<semaphore_mem>>) src(%dma_wait3A_244 : memref<40x128xf32, #tpu.memory_space<vmem_shared>>) dst(%dma_wait3A_242 : memref<40x128xf32, #tpu.memory_space<hbm>>)
      tpu.yield
    }) : () -> ()
    %add3A_189 = arith.constant 2 : i32
    %add3A_190 = arith.addi %arg0, %add3A_189 : i32
    %mul3A_191 = arith.constant 640 : i32
    %mul3A_192 = arith.muli %add3A_190, %mul3A_191 : i32
    %jit3A_193 = arith.constant 8 : i32
    %eq3A_194 = arith.constant 0 : i32
    %eq3A_195 = arith.cmpi eq, %jit3A_193, %eq3A_194 : i32
    %jit3A_196 = arith.constant 1 : i32
    %select_n3A_197 = arith.select %eq3A_195, %jit3A_196, %jit3A_193 : i32
    %rem3A_198 = arith.remsi %arg1, %select_n3A_197 : i32
    %ne3A_199 = arith.constant 0 : i32
    %ne3A_200 = arith.cmpi ne, %rem3A_198, %ne3A_199 : i32
    %lt3A_201 = arith.constant 0 : i32
    %lt3A_202 = arith.cmpi slt, %rem3A_198, %lt3A_201 : i32
    %lt3A_203 = arith.constant 0 : i32
    %lt3A_204 = arith.cmpi slt, %select_n3A_197, %lt3A_203 : i32
    %ne3A_205 = arith.xori %lt3A_202, %lt3A_204 : i1
    %and3A_206 = arith.andi %ne3A_205, %ne3A_200 : i1
    %add3A_207 = arith.addi %rem3A_198, %select_n3A_197 : i32
    %select_n3A_208 = arith.select %and3A_206, %add3A_207, %rem3A_198 : i32
    %mul3A_209 = arith.constant 80 : i32
    %mul3A_210 = arith.muli %select_n3A_208, %mul3A_209 : i32
    %add3A_211 = arith.addi %mul3A_192, %mul3A_210 : i32
    %jit3A_212 = arith.constant 8 : i32
    %div3A_213 = arith.divsi %arg1, %jit3A_212 : i32
    %sign3A_214 = arith.constant 0 : i32
    %sign3A_215 = arith.cmpi sgt, %arg1, %sign3A_214 : i32
    %sign3A_216 = arith.extui %sign3A_215 : i1 to i32
    %sign3A_217 = arith.constant 0 : i32
    %sign3A_218 = arith.cmpi slt, %arg1, %sign3A_217 : i32
    %sign3A_219 = arith.extui %sign3A_218 : i1 to i32
    %sign3A_220 = arith.subi %sign3A_216, %sign3A_219 : i32
    %sign3A_221 = arith.constant 0 : i32
    %sign3A_222 = arith.cmpi sgt, %jit3A_212, %sign3A_221 : i32
    %sign3A_223 = arith.extui %sign3A_222 : i1 to i32
    %sign3A_224 = arith.constant 0 : i32
    %sign3A_225 = arith.cmpi slt, %jit3A_212, %sign3A_224 : i32
    %sign3A_226 = arith.extui %sign3A_225 : i1 to i32
    %sign3A_227 = arith.subi %sign3A_223, %sign3A_226 : i32
    %ne3A_228 = arith.cmpi ne, %sign3A_220, %sign3A_227 : i32
    %rem3A_229 = arith.remsi %arg1, %jit3A_212 : i32
    %ne3A_230 = arith.constant 0 : i32
    %ne3A_231 = arith.cmpi ne, %rem3A_229, %ne3A_230 : i32
    %and3A_232 = arith.andi %ne3A_228, %ne3A_231 : i1
    %sub3A_233 = arith.constant 1 : i32
    %sub3A_234 = arith.subi %div3A_213, %sub3A_233 : i32
    %select_n3A_235 = arith.select %and3A_232, %sub3A_234, %div3A_213 : i32
    %mul3A_236 = arith.constant 40 : i32
    %mul3A_237 = arith.muli %select_n3A_235, %mul3A_236 : i32
    %add3A_238 = arith.addi %add3A_211, %mul3A_237 : i32
    "tpu.region"() ({
      %run_scoped3A = tpu.sem_alloc : memref<!tpu.dma_semaphore, #tpu.memory_space<semaphore_mem>>
      %dma_start3A = arith.constant 0 : i32
      %dma_start3A_239 = tpu.memref_slice %arg8[%add3A_238, %dma_start3A] : memref<2560x128xf32, #tpu.memory_space<hbm>> -> memref<40x128xf32, #tpu.memory_space<hbm>>
      %dma_start3A_240 = arith.constant 0 : i32
      %dma_start3A_241 = tpu.memref_slice %arg19[%add3A_238, %dma_start3A_240] : memref<2560x128xf32, #tpu.memory_space<vmem_shared>> -> memref<40x128xf32, #tpu.memory_space<vmem_shared>>
      tpu.enqueue_dma source(%dma_start3A_241 : memref<40x128xf32, #tpu.memory_space<vmem_shared>>) target(%dma_start3A_239 : memref<40x128xf32, #tpu.memory_space<hbm>>) target_semaphore(%run_scoped3A : memref<!tpu.dma_semaphore, #tpu.memory_space<semaphore_mem>>)
      %dma_wait3A = arith.constant 0 : i32
      %dma_wait3A_242 = tpu.memref_slice %arg8[%add3A_238, %dma_wait3A] : memref<2560x128xf32, #tpu.memory_space<hbm>> -> memref<40x128xf32, #tpu.memory_space<hbm>>
      %dma_wait3A_243 = arith.constant 0 : i32
      %dma_wait3A_244 = tpu.memref_slice %arg19[%add3A_238, %dma_wait3A_243] : memref<2560x128xf32, #tpu.memory_space<vmem_shared>> -> memref<40x128xf32, #tpu.memory_space<vmem_shared>>
      tpu.wait_dma2 semaphore(%run_scoped3A : memref<!tpu.dma_semaphore, #tpu.memory_space<semaphore_mem>>) src(%dma_wait3A_244 : memref<40x128xf32, #tpu.memory_space<vmem_shared>>) dst(%dma_wait3A_242 : memref<40x128xf32, #tpu.memory_space<hbm>>)
      tpu.yield
    }) : () -> ()
    return
  }
}

module attributes {stable_mosaic.version = 14 : i64} {
  func.func @_tc_a_body(%arg0: i32, %arg1: memref<512x128xf32, #tpu.memory_space<vmem>>, %arg2: memref<128x256xf32, #tpu.memory_space<vmem>>, %arg3: memref<4x128xf32, #tpu.memory_space<vmem>>, %arg4: memref<512x128xf32, #tpu.memory_space<vmem>>, %arg5: memref<512x128xf32, #tpu.memory_space<vmem>>, %arg6: memref<4x512xf32, #tpu.memory_space<vmem>>) attributes {dimension_semantics = [#tpu.dimension_semantics<arbitrary>], iteration_bounds = array<i64: 20>, scalar_prefetch = 0 : i64, scratch_operands = 0 : i64, tpu.core_type = #tpu.core_type<tc>, window_params = [{transform_indices = @transform_0, window_bounds = array<i64: 512, 128>}, {pipeline_mode = #tpu.pipeline_mode<synchronous>, transform_indices = @transform_1, window_bounds = array<i64: 128, 256>}, {pipeline_mode = #tpu.pipeline_mode<synchronous>, transform_indices = @transform_2, window_bounds = array<i64: 4, 128>}, {transform_indices = @transform_3, window_bounds = array<i64: 512, 128>}, {transform_indices = @transform_4, window_bounds = array<i64: 512, 128>}, {transform_indices = @transform_5, window_bounds = array<i64: 4, 512>}]} {
    %get3A = arith.constant 0 : index
    %get3A_0 = arith.constant 0 : index
    %get3A_1 = vector.load %arg1[%get3A, %get3A_0] : memref<512x128xf32, #tpu.memory_space<vmem>>, vector<512x128xf32>
    %get3A_2 = arith.constant 0 : index
    %get3A_3 = arith.constant 0 : index
    %get3A_4 = vector.load %arg2[%get3A_2, %get3A_3] : memref<128x256xf32, #tpu.memory_space<vmem>>, vector<128x256xf32>
    %dot_general3A = arith.constant dense<0.000000e+00> : vector<512x256xf32>
    %dot_general3A_5 = tpu.matmul %get3A_1, %get3A_4, %dot_general3A {dimension_numbers = #tpu.dot_dimension_numbers<[1], [0], [0], [1], [0, 0, 1, 1], [], []>, transpose_lhs_hint = false} : vector<512x128xf32>, vector<128x256xf32>, vector<512x256xf32> -> vector<512x256xf32>
    %slice3A = vector.extract_strided_slice %dot_general3A_5 {offsets = [0, 0], sizes = [512, 128], strides = [1, 1]} : vector<512x256xf32> to vector<512x128xf32>
    %swap3A = arith.constant 0 : index
    %swap3A_6 = arith.constant 0 : index
    %swap3A_7 = vector.load %arg4[%swap3A, %swap3A_6] : memref<512x128xf32, #tpu.memory_space<vmem>>, vector<512x128xf32>
    tpu.vector_store %arg4[%swap3A, %swap3A_6], %slice3A {strides = array<i32>} : memref<512x128xf32, #tpu.memory_space<vmem>>, vector<512x128xf32>,
    %slice3A_8 = vector.extract_strided_slice %dot_general3A_5 {offsets = [0, 128], sizes = [512, 128], strides = [1, 1]} : vector<512x256xf32> to vector<512x128xf32>
    %swap3A_9 = arith.constant 0 : index
    %swap3A_10 = arith.constant 0 : index
    %swap3A_11 = vector.load %arg5[%swap3A_9, %swap3A_10] : memref<512x128xf32, #tpu.memory_space<vmem>>, vector<512x128xf32>
    tpu.vector_store %arg5[%swap3A_9, %swap3A_10], %slice3A_8 {strides = array<i32>} : memref<512x128xf32, #tpu.memory_space<vmem>>, vector<512x128xf32>,
    %get3A_12 = arith.constant 0 : index
    %get3A_13 = arith.constant 0 : index
    %get3A_14 = vector.load %arg3[%get3A_12, %get3A_13] : memref<4x128xf32, #tpu.memory_space<vmem>>, vector<4x128xf32>
    %get3A_15 = arith.constant 0 : index
    %get3A_16 = arith.constant 0 : index
    %get3A_17 = vector.load %arg1[%get3A_15, %get3A_16] : memref<512x128xf32, #tpu.memory_space<vmem>>, vector<512x128xf32>
    %dot_general3A_18 = arith.constant dense<0.000000e+00> : vector<4x512xf32>
    %dot_general3A_19 = tpu.matmul %get3A_14, %get3A_17, %dot_general3A_18 {dimension_numbers = #tpu.dot_dimension_numbers<[1], [1], [0], [0], [0, 0, 1, 0], [], []>, transpose_lhs_hint = false} : vector<4x128xf32>, vector<512x128xf32>, vector<4x512xf32> -> vector<4x512xf32>
    %swap3A_20 = arith.constant 0 : index
    %swap3A_21 = arith.constant 0 : index
    %swap3A_22 = vector.load %arg6[%swap3A_20, %swap3A_21] : memref<4x512xf32, #tpu.memory_space<vmem>>, vector<4x512xf32>
    tpu.vector_store %arg6[%swap3A_20, %swap3A_21], %dot_general3A_19 {strides = array<i32>} : memref<4x512xf32, #tpu.memory_space<vmem>>, vector<4x512xf32>,
    return
  }
  func.func @transform_0(%arg0: i32) -> (i32, i32) {
    %c0_i32 = arith.constant 0 : i32
    %c0_i32_0 = arith.constant 0 : i32
    return %arg0, %c0_i32 : i32, i32
  }
  func.func @transform_1(%arg0: i32) -> (i32, i32) {
    %c0_i32 = arith.constant 0 : i32
    %c0_i32_0 = arith.constant 0 : i32
    %c0_i32_1 = arith.constant 0 : i32
    return %c0_i32, %c0_i32_0 : i32, i32
  }
  func.func @transform_2(%arg0: i32) -> (i32, i32) {
    %c0_i32 = arith.constant 0 : i32
    %c0_i32_0 = arith.constant 0 : i32
    %c0_i32_1 = arith.constant 0 : i32
    return %c0_i32, %c0_i32_0 : i32, i32
  }
  func.func @transform_3(%arg0: i32) -> (i32, i32) {
    %c0_i32 = arith.constant 0 : i32
    %c0_i32_0 = arith.constant 0 : i32
    return %arg0, %c0_i32 : i32, i32
  }
  func.func @transform_4(%arg0: i32) -> (i32, i32) {
    %c0_i32 = arith.constant 0 : i32
    %c0_i32_0 = arith.constant 0 : i32
    return %arg0, %c0_i32 : i32, i32
  }
  func.func @transform_5(%arg0: i32) -> (i32, i32) {
    %c0_i32 = arith.constant 0 : i32
    %c0_i32_0 = arith.constant 0 : i32
    return %c0_i32, %arg0 : i32, i32
  }
}

module attributes {stable_mosaic.version = 14 : i64} {
  func.func @_tc_c_body(%arg0: i32, %arg1: memref<512x128xf32, #tpu.memory_space<vmem>>, %arg2: memref<512x128xf32, #tpu.memory_space<vmem>>, %arg3: memref<512x1xf32, #tpu.memory_space<vmem>>, %arg4: memref<512x1xf32, #tpu.memory_space<vmem>>, %arg5: memref<1x128xf32, #tpu.memory_space<vmem>>, %arg6: memref<32x128xf32, #tpu.memory_space<vmem>>, %arg7: memref<32x128xf32, #tpu.memory_space<vmem>>, %arg8: memref<32x1xf32, #tpu.memory_space<vmem>>, %arg9: memref<32x512xf32, #tpu.memory_space<vmem>>, %arg10: memref<32x512xf32, #tpu.memory_space<vmem>>) attributes {dimension_semantics = [#tpu.dimension_semantics<arbitrary>], iteration_bounds = array<i64: 20>, scalar_prefetch = 0 : i64, scratch_operands = 0 : i64, tpu.core_type = #tpu.core_type<tc>, window_params = [{transform_indices = @transform_0, window_bounds = array<i64: 512, 128>}, {transform_indices = @transform_1, window_bounds = array<i64: 512, 128>}, {transform_indices = @transform_2, window_bounds = array<i64: 512, 1>}, {transform_indices = @transform_3, window_bounds = array<i64: 512, 1>}, {pipeline_mode = #tpu.pipeline_mode<synchronous>, transform_indices = @transform_4, window_bounds = array<i64: 1, 128>}, {pipeline_mode = #tpu.pipeline_mode<synchronous>, transform_indices = @transform_5, window_bounds = array<i64: 32, 128>}, {pipeline_mode = #tpu.pipeline_mode<synchronous>, transform_indices = @transform_6, window_bounds = array<i64: 32, 128>}, {pipeline_mode = #tpu.pipeline_mode<synchronous>, transform_indices = @transform_7, window_bounds = array<i64: 32, 1>}, {transform_indices = @transform_8, window_bounds = array<i64: 32, 512>}, {transform_indices = @transform_9, window_bounds = array<i64: 32, 512>}]} {
    %get3A = arith.constant 0 : index
    %get3A_0 = arith.constant 0 : index
    %get3A_1 = vector.load %arg3[%get3A, %get3A_0] : memref<512x1xf32, #tpu.memory_space<vmem>>, vector<512x1xf32>
    %add3A = arith.constant 1.000000e-16 : f32
    %add3A_2 = vector.broadcast %add3A : f32 to vector<512x1xf32>
    %add3A_3 = arith.addf %get3A_1, %add3A_2 : vector<512x1xf32>
    %div3A = arith.constant 1.000000e+00 : f32
    %div3A_4 = vector.broadcast %div3A : f32 to vector<512x1xf32>
    %div3A_5 = arith.divf %div3A_4, %add3A_3 : vector<512x1xf32>
    %get3A_6 = arith.constant 0 : index
    %get3A_7 = arith.constant 0 : index
    %get3A_8 = vector.load %arg4[%get3A_6, %get3A_7] : memref<512x1xf32, #tpu.memory_space<vmem>>, vector<512x1xf32>
    %add3A_9 = arith.constant 1.000000e-16 : f32
    %add3A_10 = vector.broadcast %add3A_9 : f32 to vector<512x1xf32>
    %add3A_11 = arith.addf %get3A_8, %add3A_10 : vector<512x1xf32>
    %div3A_12 = arith.constant 1.000000e+00 : f32
    %div3A_13 = vector.broadcast %div3A_12 : f32 to vector<512x1xf32>
    %div3A_14 = arith.divf %div3A_13, %add3A_11 : vector<512x1xf32>
    %get3A_15 = arith.constant 0 : index
    %get3A_16 = arith.constant 0 : index
    %get3A_17 = vector.load %arg1[%get3A_15, %get3A_16] : memref<512x128xf32, #tpu.memory_space<vmem>>, vector<512x128xf32>
    %mul3A = vector.broadcast %div3A_5 : vector<512x1xf32> to vector<512x128xf32>
    %mul3A_18 = arith.mulf %get3A_17, %mul3A : vector<512x128xf32>
    %get3A_19 = arith.constant 0 : index
    %get3A_20 = arith.constant 0 : index
    %get3A_21 = vector.load %arg2[%get3A_19, %get3A_20] : memref<512x128xf32, #tpu.memory_space<vmem>>, vector<512x128xf32>
    %mul3A_22 = vector.broadcast %div3A_14 : vector<512x1xf32> to vector<512x128xf32>
    %mul3A_23 = arith.mulf %get3A_21, %mul3A_22 : vector<512x128xf32>
    %add3A_24 = arith.addf %mul3A_18, %mul3A_23 : vector<512x128xf32>
    %mul3A_25 = arith.constant 5.000000e-01 : f32
    %mul3A_26 = vector.broadcast %mul3A_25 : f32 to vector<512x128xf32>
    %mul3A_27 = arith.mulf %add3A_24, %mul3A_26 : vector<512x128xf32>
    %get3A_28 = arith.constant 0 : index
    %get3A_29 = arith.constant 0 : index
    %get3A_30 = vector.load %arg5[%get3A_28, %get3A_29] : memref<1x128xf32, #tpu.memory_space<vmem>>, vector<1x128xf32>
    %add3A_31 = vector.broadcast %get3A_30 : vector<1x128xf32> to vector<512x128xf32>
    %add3A_32 = arith.addf %mul3A_27, %add3A_31 : vector<512x128xf32>
    %get3A_33 = arith.constant 0 : index
    %get3A_34 = arith.constant 0 : index
    %get3A_35 = vector.load %arg6[%get3A_33, %get3A_34] : memref<32x128xf32, #tpu.memory_space<vmem>>, vector<32x128xf32>
    %dot_general3A = arith.constant dense<0.000000e+00> : vector<32x512xf32>
    %dot_general3A_36 = tpu.matmul %get3A_35, %add3A_32, %dot_general3A {dimension_numbers = #tpu.dot_dimension_numbers<[1], [1], [0], [0], [0, 0, 1, 0], [], []>, transpose_lhs_hint = false} : vector<32x128xf32>, vector<512x128xf32>, vector<32x512xf32> -> vector<32x512xf32>
    %get3A_37 = arith.constant 0 : index
    %get3A_38 = arith.constant 0 : index
    %get3A_39 = vector.load %arg8[%get3A_37, %get3A_38] : memref<32x1xf32, #tpu.memory_space<vmem>>, vector<32x1xf32>
    %add3A_40 = vector.broadcast %get3A_39 : vector<32x1xf32> to vector<32x512xf32>
    %add3A_41 = arith.addf %dot_general3A_36, %add3A_40 : vector<32x512xf32>
    %swap3A = arith.constant 0 : index
    %swap3A_42 = arith.constant 0 : index
    %swap3A_43 = vector.load %arg9[%swap3A, %swap3A_42] : memref<32x512xf32, #tpu.memory_space<vmem>>, vector<32x512xf32>
    tpu.vector_store %arg9[%swap3A, %swap3A_42], %add3A_41 {strides = array<i32>} : memref<32x512xf32, #tpu.memory_space<vmem>>, vector<32x512xf32>,
    %get3A_44 = arith.constant 0 : index
    %get3A_45 = arith.constant 0 : index
    %get3A_46 = vector.load %arg7[%get3A_44, %get3A_45] : memref<32x128xf32, #tpu.memory_space<vmem>>, vector<32x128xf32>
    %dot_general3A_47 = arith.constant dense<0.000000e+00> : vector<32x512xf32>
    %dot_general3A_48 = tpu.matmul %get3A_46, %add3A_32, %dot_general3A_47 {dimension_numbers = #tpu.dot_dimension_numbers<[1], [1], [0], [0], [0, 0, 1, 0], [], []>, transpose_lhs_hint = false} : vector<32x128xf32>, vector<512x128xf32>, vector<32x512xf32> -> vector<32x512xf32>
    %get3A_49 = arith.constant 0 : index
    %get3A_50 = arith.constant 0 : index
    %get3A_51 = vector.load %arg8[%get3A_49, %get3A_50] : memref<32x1xf32, #tpu.memory_space<vmem>>, vector<32x1xf32>
    %add3A_52 = vector.broadcast %get3A_51 : vector<32x1xf32> to vector<32x512xf32>
    %add3A_53 = arith.addf %dot_general3A_48, %add3A_52 : vector<32x512xf32>
    %swap3A_54 = arith.constant 0 : index
    %swap3A_55 = arith.constant 0 : index
    %swap3A_56 = vector.load %arg10[%swap3A_54, %swap3A_55] : memref<32x512xf32, #tpu.memory_space<vmem>>, vector<32x512xf32>
    tpu.vector_store %arg10[%swap3A_54, %swap3A_55], %add3A_53 {strides = array<i32>} : memref<32x512xf32, #tpu.memory_space<vmem>>, vector<32x512xf32>,
    return
  }
  func.func @transform_0(%arg0: i32) -> (i32, i32) {
    %c0_i32 = arith.constant 0 : i32
    %c0_i32_0 = arith.constant 0 : i32
    return %arg0, %c0_i32 : i32, i32
  }
  func.func @transform_1(%arg0: i32) -> (i32, i32) {
    %c0_i32 = arith.constant 0 : i32
    %c0_i32_0 = arith.constant 0 : i32
    return %arg0, %c0_i32 : i32, i32
  }
  func.func @transform_2(%arg0: i32) -> (i32, i32) {
    %c0_i32 = arith.constant 0 : i32
    %c0_i32_0 = arith.constant 0 : i32
    return %arg0, %c0_i32 : i32, i32
  }
  func.func @transform_3(%arg0: i32) -> (i32, i32) {
    %c0_i32 = arith.constant 0 : i32
    %c0_i32_0 = arith.constant 0 : i32
    return %arg0, %c0_i32 : i32, i32
  }
  func.func @transform_4(%arg0: i32) -> (i32, i32) {
    %c0_i32 = arith.constant 0 : i32
    %c0_i32_0 = arith.constant 0 : i32
    %c0_i32_1 = arith.constant 0 : i32
    return %c0_i32, %c0_i32_0 : i32, i32
  }
  func.func @transform_5(%arg0: i32) -> (i32, i32) {
    %c0_i32 = arith.constant 0 : i32
    %c0_i32_0 = arith.constant 0 : i32
    %c0_i32_1 = arith.constant 0 : i32
    return %c0_i32, %c0_i32_0 : i32, i32
  }
  func.func @transform_6(%arg0: i32) -> (i32, i32) {
    %c0_i32 = arith.constant 0 : i32
    %c0_i32_0 = arith.constant 0 : i32
    %c0_i32_1 = arith.constant 0 : i32
    return %c0_i32, %c0_i32_0 : i32, i32
  }
  func.func @transform_7(%arg0: i32) -> (i32, i32) {
    %c0_i32 = arith.constant 0 : i32
    %c0_i32_0 = arith.constant 0 : i32
    %c0_i32_1 = arith.constant 0 : i32
    return %c0_i32, %c0_i32_0 : i32, i32
  }
  func.func @transform_8(%arg0: i32) -> (i32, i32) {
    %c0_i32 = arith.constant 0 : i32
    %c0_i32_0 = arith.constant 0 : i32
    return %c0_i32, %arg0 : i32, i32
  }
  func.func @transform_9(%arg0: i32) -> (i32, i32) {
    %c0_i32 = arith.constant 0 : i32
    %c0_i32_0 = arith.constant 0 : i32
    return %c0_i32, %arg0 : i32, i32
  }
}

</mosaic_0001>

<sc_bundles>
// kernel: kernel.6.cloned.1.call-start
scs
__scs_entry_jumppad:
0x0: {  	(pc) =	sbr.rel $0x88, $3  }
0x1: {  	(tag) =	ssettag $0x0;
	lr =	simm.s32 $0x1  }
0x2: {  	[smem:$0x3F97] =	sst lr;
	_ =	strace $0xD0000000  }
0x3: {  	_ = 	snop  }
0x4: {  	_ = 	snop  }
0x5: {  	_ = 	snop  }
0x6: {  	_ = 	snop  }
0x7: {  	_ = 	snop  }
__scs_overlays_trampoline_lowered:
0x8: {  	[smem:$0x3FA6] =	sst s0  }
0x9: {  	[smem:$0x3FA7] =	sst s1  }
0xa: {  	[smem:$0x3FA8] =	sst s2  }
0xb: {  	[smem:$0x3FA9] =	sst s3  }
0xc: {  	[smem:$0x3FAA] =	sst s4  }
0xd: {  	[smem:$0x3FAB] =	sst s5  }
0xe: {  	[smem:$0x3FAC] =	sst s6  }
0xf: {  	[smem:$0x3FAD] =	sst s7  }
0x10: {  	[smem:$0x3FAE] =	sst s8  }
0x11: {  	[smem:$0x3FAF] =	sst s9;
	s0 =	simm.s32 @!p0 $0x0  }
0x12: {  	s1 =	sld [smem:$0x3F95];
	s0 =	simm.s32 @p0 $0x1  }
0x13: {  	[smem:$0x3FB0] =	sst s0;
	s0 =	simm.s32 @!p1 $0x0  }
0x14: {  	s2 =	sld [smem:$0x3F94];
	s0 =	simm.s32 @p1 $0x1  }
0x15: {  	[smem:$0x3FB1] =	sst s0;
	s0 =	simm.s32 @!p2 $0x0  }
0x16: {  	s3 =	sld [smem:$0x3FDB];
	s0 =	simm.s32 @p2 $0x1  }
0x17: {  	s4 =	simm.s32 $0x1BF5;
	[smem:$0x3FB3] =	sst s0  }
0x18: {  	s0 =	sld [smem:$0x3F96];
	_ =	swait.ge [sflag:s4], $0x0  }
0x19: {  	s7 =	sld [smem:$0x3F97]  }
0x1a: {  	s8 =	sadd.s32 $0xFFFFE003, lr  }
0x1b: {  	s9 =	sadd.s32 $0xFFFFFEF7, lr;
	s5 =	simm.s32 $0xFFFFFFFF;
	p2 =	slt.u32 s8, $0xFFFFF086  }
0x1c: {  	p1 =	slt.u32 s9, $0xF7A;
	s5 =	simm.s32 @!p2 $0x0  }
0x1d: {  	s5 =	simm.s32 @p1 $0x1;
	p0 =	seq.s32 s7, s2  }
0x1e: {  	s7 =	smul.u32 @!p0 $0xF7A, s2;
	p2 =	seq.s32 @!p0 s5, $0x0  }
0x1f: {  	s9 =	smul.u32 $0xF7A, s1;
	s8 =	simm.s32 @!p0 $0x1BF5;
	p2 =	por !p2, p0  }
0x20: {  	[sflag:s8] =	ssyncset.s32 @!p0 $0xFFFFF086;
	s6 =	sadd.s32 @!p0 s3, s7;
	s7 =	simm.s32 @!p0 $0x108  }
0x21: {  	s3 =	sadd.s32 s3, s9;
	s6 =	sadd.s32 @!p0 $0x88, s6;
	s7 =	simm.s32 @p2 $0x1082  }
0x22: {  	[simem:s7], [sflag:s8] =	dma.local @!p0 [hbm:s6], $0xF7A  }
0x23: {  	s9 =	sor.u32 $0xD0000000, s2;
	s6 =	simm.s32 $0x108;
	_ =	swait.ge @!p0 [sflag:s8], $0x0  }
0x24: {  	s3 =	sadd.s32 $0x88, s3;
	s6 =	simm.s32 @!p1 $0x1082;
	[sflag:s4] =	ssyncset.s32 $0xFFFFF086  }
0x25: {  	[simem:s6], [sflag:s4] =	dma.local [hbm:s3], $0xF7A  }
0x26: {  	[smem:$0x3F97] =	sst s1;
	(tag) =	ssettag s2;
	_ =	strace s9  }
0x27: {  	s1 =	sld [smem:$0x3FA7]  }
0x28: {  	s2 =	sld [smem:$0x3FA8]  }
0x29: {  	s4 =	sld [smem:$0x3FAA]  }
0x2a: {  	p0 =	seq.s32 s5, $0x0;
	s5 =	sld [smem:$0x3FAB]  }
0x2b: {  	s6 =	sld [smem:$0x3FAC]  }
0x2c: {  	s7 =	sld [smem:$0x3FAD]  }
0x2d: {  	s3 =	simm.s32 $0x108;
	s8 =	sld [smem:$0x3FAE]  }
0x2e: {  	s3 =	simm.s32 @!p0 $0x1082;
	s9 =	sld [smem:$0x3FAF]  }
0x2f: {  	lr =	sadd.s32 s0, s3;
	s0 =	sld [smem:$0x3FA6]  }
0x30: {  	s3 =	sld [smem:$0x3FA9]  }
0x31: {  	[smem:$0x3FB2] =	sst s10  }
0x32: {  	s10 =	sld [smem:$0x3FB0];
	_ =	sdelay $0x3  }
0x33: {  	p0 =	seq.s32 s10, $0x1;
	s10 =	sld [smem:$0x3FB2];
	_ =	sdelay $0x3  }
0x34: {  	[smem:$0x3FB2] =	sst s10  }
0x35: {  	s10 =	sld [smem:$0x3FB1];
	_ =	sdelay $0x3  }
0x36: {  	p1 =	seq.s32 s10, $0x1;
	s10 =	sld [smem:$0x3FB2];
	_ =	sdelay $0x3  }
0x37: {  	[smem:$0x3FB2] =	sst s10  }
0x38: {  	s10 =	sld [smem:$0x3FB3]  }
0x39: {  	_ = 	snop;
	(pc) =	sbr.ind lr, $3  }
0x3a: {  	_ = 	snop  }
0x3b: {  	_ = 	snop  }
0x3c: {  	p2 =	seq.s32 s10, $0x1;
	s10 =	sld [smem:$0x3FB2]  }
0x3d: {  	_ =	shalt  }
0x3e: {  	_ =	shalt  }
0x3f: {  	_ =	shalt  }
0x40: {  	_ =	shalt  }
0x41: {  	_ =	shalt  }
0x42: {  	_ =	shalt  }
0x43: {  	_ =	shalt  }
0x44: {  	_ =	shalt  }
0x45: {  	_ =	shalt  }
0x46: {  	_ =	shalt  }
0x47: {  	_ =	shalt  }
0x48: {  	_ =	shalt  }
0x49: {  	_ =	shalt  }
0x4a: {  	_ =	shalt  }
0x4b: {  	_ =	shalt  }
0x4c: {  	_ =	shalt  }
0x4d: {  	_ =	shalt  }
0x4e: {  	_ =	shalt  }
0x4f: {  	_ =	shalt  }
0x50: {  	_ =	shalt  }
0x51: {  	_ =	shalt  }
0x52: {  	_ =	shalt  }
0x53: {  	_ =	shalt  }
0x54: {  	_ =	shalt  }
0x55: {  	_ =	shalt  }
0x56: {  	_ =	shalt  }
0x57: {  	_ =	shalt  }
0x58: {  	_ =	shalt  }
0x59: {  	_ =	shalt  }
0x5a: {  	_ =	shalt  }
0x5b: {  	_ =	shalt  }
0x5c: {  	_ =	shalt  }
0x5d: {  	_ =	shalt  }
0x5e: {  	_ =	shalt  }
0x5f: {  	_ =	shalt  }
0x60: {  	_ =	shalt  }
0x61: {  	_ =	shalt  }
0x62: {  	_ =	shalt  }
0x63: {  	_ =	shalt  }
0x64: {  	_ =	shalt  }
0x65: {  	_ =	shalt  }
0x66: {  	_ =	shalt  }
0x67: {  	_ =	shalt  }
0x68: {  	_ =	shalt  }
0x69: {  	_ =	shalt  }
0x6a: {  	_ =	shalt  }
0x6b: {  	_ =	shalt  }
0x6c: {  	_ =	shalt  }
0x6d: {  	_ =	shalt  }
0x6e: {  	_ =	shalt  }
0x6f: {  	_ =	shalt  }
0x70: {  	_ =	shalt  }
0x71: {  	_ =	shalt  }
0x72: {  	_ =	shalt  }
0x73: {  	_ =	shalt  }
0x74: {  	_ =	shalt  }
0x75: {  	_ =	shalt  }
0x76: {  	_ =	shalt  }
0x77: {  	_ =	shalt  }
0x78: {  	_ =	shalt  }
0x79: {  	_ =	shalt  }
0x7a: {  	_ =	shalt  }
0x7b: {  	_ =	shalt  }
0x7c: {  	_ =	shalt  }
0x7d: {  	_ =	shalt  }
0x7e: {  	_ =	shalt  }
0x7f: {  	_ =	shalt  }
0x80: {  	_ =	shalt  }
0x81: {  	_ =	shalt  }
0x82: {  	_ =	shalt  }
0x83: {  	_ =	shalt  }
0x84: {  	_ =	shalt  }
0x85: {  	_ =	shalt  }
0x86: {  	_ =	shalt  }
0x87: {  	_ =	shalt  }
.Lfunc_end0:
.L_simem_size_0:
called_computation_lowered:
.L_overlay_start_0:
0x88: {  	s2 =	sld [smem:$0x3FD9]  }
0x89: {  	s3 =	sld [smem:$0x3FFE];
	_ =	sdelay $0x1  }
0x8a: {  	s1 =	srdreg.scid  }
0x8b: {  	s0 =	sand.u32 $0x1, s1  }
0x8c: {  	s17 =	sshll.u32 s0, $0xA;
	s2 =	sadd.s32 s3, s2  }
0x8d: {  	s2 =	sadd.s32 s2, s17  }
0x8e: {  	[smem:$0x3FBE] =	sst s2  }
0x8f: {  	_ = 	snop  }
0x90: {  	s2 =	sld [smem:$0x3FD0];
	(tm) =	ssettm $0x1  }
0x91: {  	s18 =	sld [smem:$0x3FFB];
	_ =	sdelay $0x3  }
0x92: {  	_ =	strace s18  }
0x93: {  	s3 =	sld [smem:$0x3FFC];
	_ =	sdelay $0x3  }
0x94: {  	_ =	strace s3  }
0x95: {  	s3 =	sld [smem:$0x3FFD];
	_ =	sdelay $0x3  }
0x96: {  	_ =	strace s3  }
0x97: {  	_ =	strace $0x8FFFFFFF  }
0x98: {  	s19 =	sld [smem:$0x3FDB];
	_ =	sdelay $0x1  }
0x99: {  	s4 =	simm.s32 $_scs_section_size  }
0x9a: {  	s5 =	simm.s32 $_size__tile_overlayer_lowered;
	s6 =	simm.s32 $_tile_overlayer_lowered  }
0x9b: {  	s22 =	simm.s32 $0x1BFF;
	s21 =	sshll.u32 s6, $0x1;
	s3 =	sadd.s32 s4, s19  }
0x9c: {  	s7 =	simm.s32 $0x0;
	s20 =	sshll.u32 s5, $0x1;
	s5 =	sadd.s32 s21, s3  }
0x9d: {  	[timem:s7], [sflag:s22] =	dma.local [hbm:s5], s20  }
0x9e: {  	_ =	swait.ge [sflag:s22], s20  }
0x9f: {  	s4 =	ssub.s32 $0x0, s20;
	[sflag:s22] =	ssyncset.done $0x0  }
0xa0: {  	[sflag:s22] =	ssyncadd.s32 s4;
	_ =	sdelay $0x1  }
0xa1: {  	s23 =	simm.s32 $0x1B8B  }
0xa2: {  	_ =	swait.ge [sflag:s23], $0x1  }
0xa3: {  	[sflag:s23] =	ssyncset.done $0x0  }
0xa4: {  	s25 =	simm.s32 $0x1B8E;
	s24 =	sld [smem:$0x3FFE];
	[sflag:s23] =	ssyncadd.s32 $0xFFFFFFFF  }
0xa5: {  	s26 =	simm.s32 $execute0_lowered;
	[smem:$0x3FD2] =	sst s25  }
0xa6: {  	s5 =	sshll.u32 s26, $0x1;
	_ =	strace $0x80000046;
	[dreg:$0x1] =	wrdreg $0xFFFFFFFF  }
0xa7: {  	s28 =	simm.s32 $_size_execute0_lowered;
	s3 =	sadd.s32 s3, s5;
	[dreg:$0x0] =	wrdreg $0x0  }
0xa8: {  	s5 =	sshll.u32 s28, $0x1;
	[dreg:$0x2] =	wrdreg s3  }
0xa9: {  	[dreg:$0x3] =	wrdreg s5  }
0xaa: {  	[dreg:$0x4] =	wrdreg $0xC0  }
0xab: {  	_ =	task [dreg:s7], $0x5FFFF  }
0xac: {  	[dreg:$0x1] =	wrdreg $0xFFFFFFFF  }
0xad: {  	[dreg:$0x0] =	wrdreg $0x60  }
0xae: {  	[dreg:$0x2] =	wrdreg s2  }
0xaf: {  	[dreg:$0x3] =	wrdreg s24  }
0xb0: {  	[dreg:$0x4] =	wrdreg $0xAA000  }
0xb1: {  	[dreg:$0x5] =	wrdreg $0xA7800  }
0xb2: {  	[dreg:$0x6] =	wrdreg $0x9  }
0xb3: {  	_ =	task.clear_ibuf [dreg:s7], $0x7FFFF;
	_ =	strace $0x90000046  }
0xb4: {  	s29 =	simm.s32 $0x9;
	_ =	strace $0x80000048  }
0xb5: {  	_ =	swait.ge [sflag:s29], $0x1  }
0xb6: {  	[sflag:s29] =	ssyncadd.s32 $0xFFFFFFFF  }
0xb7: {  	_ =	strace $0x90000048  }
0xb8: {  	_ =	sfence  }
0xb9: {  	s30 =	sld [smem:$0x0];
	_ =	sdelay $0x2  }
0xba: {  	s31 =	sshll.u32 s1, $0xD;
	s1 =	sshrl.u32 s1, $0x2  }
0xbb: {  	s3 =	sand.u32 $0x4000, s31;
	s1 =	sadd.s32 s1, s30  }
0xbc: {  	s0 =	sor.u32 s3, s0;
	s1 =	sshll.u32 s1, $0x11  }
0xbd: {  	s0 =	sor.u32 s1, s0  }
0xbe: {  	s0 =	sadd.s32 $0x8F2B, s0  }
0xbf: {  	[sflag:s0] =	ssyncadd.remote.s32 $0x1  }
0xc0: {  	_ =	sfence.sel $0xFFFF  }
0xc1: {  	[dreg:$0x0] =	wrdreg $0xFFFFFFFF;
	(pc) =	sbr.abs _section_cstart, $3  }
0xc2: {  	[dreg:$0x1] =	wrdreg $0xFFFFFFFF  }
0xc3: {  	_ =	task.clear_ibuf [dreg:s7], $0x2FFFF;
	_ =	strace $0x9FFFFFFF  }
0xc4: {  	(tm) =	ssettm $0x7FFFFFFF  }
0xc5: {  	_ =	shalt  }
tec
execute0_lowered:
.L_overlay_start_1:
0x0: {  	(tag) =	ssettag $0x1  }
0x1: {  	s0 =	rddreg [dreg:$0x0]  }
0x2: {  	s3 =	rddreg [dreg:$0x1]  }
0x3: {  	s1 =	rddreg [dreg:$0x2]  }
0x4: {  	s2 =	rddreg [dreg:$0x3];
	s4 =	simm.s32 $0x0;
	s8 =	srdreg.scid  }
0x5: {  	s25 =	stileid.u32;
	s31 =	simm.s32 $0x2;
	[smem:$0x7FF] =	sst s4  }
0x6: {  	s7 =	sadd.s32 $0x17000, s3;
	s4 =	sadd.s32 $0x3F000, s3;
	s5 =	sadd.s32 $0x2C00, s3  }
0x7: {  	s6 =	sadd.s32 $0xCE00, s3;
	s8 =	sand.u32 $0x1, s8;
	s9 =	sadd.s32 $0x8FC00, s3  }
0x8: {  	s12 =	sadd.s32 $0x67C00, s3;
	s13 =	sadd.s32 $0x67000, s3;
	s28 =	smul.u32 $0x50000, s25  }
0x9: {  	s3 =	sadd.s32 $0x67600, s3;
	s21 =	sadd.s32 $0x10, s0;
	s30 =	smul.u32 $0x280, s25  }
0xa: {  	s23 =	sadd.s32 $0x30, s0;
	s15 =	sadd.s32 $0x20, s0;
	s19 =	smul.u32 $0x2800, s25  }
0xb: {  	s29 =	smul.u32 $0x5100, s25;
	s25 =	simm.s32 $0x0;
	s10 =	ssub.s32 $0x2, s8  }
0xc: {  	_ =	strace $0x80000047;
	p0 =	seq.s32 s8, $0x0;
	s11 =	sshrl.u32 s10, $0x1  }
0xd: {  	s18 =	sshrl.u32 s28, $0x2;
	s16 =	sadd.s32 $0x80, s30;
	s20 =	sadd.s32 $0x180, s30  }
0xe: {  	s22 =	sadd.s32 $0x200, s30;
	s8 =	sshrl.u32 s30, $0x3;
	s4 =	smov.u32 @p0 s7  }
0xf: {  	s3 =	smov.u32 @p0 s13;
	s12 =	smov.u32 @p0 s9;
	s21 =	smov.u32 @p0 s0  }
0x10: {  	s23 =	smov.u32 @p0 s15;
	s0 =	simm.s32 $0x7;
	s15 =	simm.s32 $0x6280  }
0x11: {  	s14 =	ssub.s32 s10, s11;
	s10 =	sadd.s32 s30, s2;
	s11 =	sadd.s32 s18, s1  }
0x12: {  	s17 =	sshll.u32 s16, $0x7;
	s18 =	sadd.s32 $0x100, s30;
	s16 =	sshll.u32 s16, $0x4  }
0x13: {  	s26 =	sshll.u32 s20, $0x4;
	s3 =	sadd.s32 s3, s8;
	[dreg:$0x5] =	wrdreg s21  }
0x14: {  	s28 =	sshll.u32 s22, $0x4;
	s7 =	sadd.s32 s12, s19;
	[dreg:$0x6] =	wrdreg s23  }
0x15: {  	s20 =	sshll.u32 s20, $0x7;
	s24 =	sshll.u32 s18, $0x4;
	[dreg:$0x7] =	wrdreg s3  }
0x16: {  	[dreg:$0x8] =	wrdreg s7;
	s30 =	sadd.s32 s12, s16;
	s13 =	sadd.s32 s12, s26  }
0x17: {  	s3 =	sadd.s32 s12, s28;
	s16 =	sadd.s32 $0x2000, s11;
	[dreg:$0x9] =	wrdreg s30  }
0x18: {  	s19 =	sadd.s32 s17, s1;
	s17 =	sadd.s32 $0x6000, s11;
	[dreg:$0xb] =	wrdreg s13  }
0x19: {  	s18 =	sshll.u32 s18, $0x7;
	s23 =	sadd.s32 $0xA000, s11;
	[dreg:$0xc] =	wrdreg s3  }
0x1a: {  	s26 =	smax.u32 s14, $0x1;
	s28 =	sadd.s32 $0xE000, s11;
	[dreg:$0xd] =	wrdreg s16  }
0x1b: {  	s7 =	simm.s32 $0x6500;
	s14 =	simm.s32 $0x40;
	[dreg:$0xe] =	wrdreg s17  }
0x1c: {  	s8 =	sadd.s32 s12, s24;
	s21 =	sadd.s32 s18, s1;
	[dreg:$0xf] =	wrdreg s23  }
.Ltmp0:
0x1d: {  	s23 =	sadd.s32 s20, s1;
	[dreg:$0x10] =	wrdreg s26;
	(pc) =	sbr.rel .LBB2_1-.Ltmp0, $4  }
0x1e: {  	s24 =	sshll.u32 s22, $0x7;
	[dreg:$0x11] =	wrdreg s28;
	s30 =	sadd.s32 $0x12000, s11  }
0x1f: {  	s3 =	simm.s32 $0x2800;
	s12 =	simm.s32 $0x8500;
	s13 =	simm.s32 $0x1  }
0x20: {  	s16 =	simm.s32 $0x6400;
	s22 =	simm.s32 $0x6380;
	[dreg:$0xa] =	wrdreg s8  }
0x21: {  	v0 =	vimm.f32 $0.0e+00;
	s24 =	sadd.s32 s24, s1;
	[dreg:$0x12] =	wrdreg s30;
	s8 =	simm.s32 $0x6480  }
.LBB2_13:
0x22: {  	s9 =	simm.s32 $0x3  }
0x23: {  	_ =	swait.ge [sflag:s9], $0x2000  }
0x24: {  	[sflag:s9] =	ssyncset.done $0x0  }
0x25: {  	s17 =	simm.s32 $0x4;
	[sflag:s9] =	ssyncadd.s32 $0xFFFFE000  }
0x26: {  	_ =	swait.ge [sflag:s17], $0x2000  }
0x27: {  	[sflag:s17] =	ssyncset.done $0x0  }
0x28: {  	s18 =	simm.s32 $0x5;
	[sflag:s17] =	ssyncadd.s32 $0xFFFFE000  }
0x29: {  	_ =	swait.ge [sflag:s18], $0x40  }
0x2a: {  	[sflag:s18] =	ssyncset.done $0x0  }
0x2b: {  	s20 =	simm.s32 $0x6;
	[sflag:s18] =	ssyncadd.s32 $0xFFFFFFC0  }
0x2c: {  	_ =	swait.ge [sflag:s20], $0x40  }
0x2d: {  	[sflag:s20] =	ssyncset.done $0x0  }
0x2e: {  	s26 =	stileid.u32;
	[sflag:s20] =	ssyncadd.s32 $0xFFFFFFC0  }
0x2f: {  	s9 =	sshll.u32 s26, $0x6;
	[bflag:$0x0] =	sbarrier.arrive $0xFFFF  }
0x30: {  	s9 =	sor.u32 $0x1C07, s9;
	s17 =	sshrl.u32 s10, $0x3;
	s18 =	rddreg [dreg:$0x7]  }
0x31: {  	[hbm:s18], [sflag:s9] =	dma.local [spmem:s17], $0x50  }
0x32: {  	_ =	swait.ge [sflag:s0], $0x50  }
0x33: {  	[sflag:s0] =	ssyncset.done $0x0  }
0x34: {  	s28 =	sshrl.u32 s11, $0x3;
	s30 =	rddreg [dreg:$0x8];
	[sflag:s0] =	ssyncadd.s32 $0xFFFFFFB0  }
0x35: {  	[hbm:s30], [sflag:s9] =	dma.local [spmem:s28], $0x800  }
0x36: {  	_ =	swait.ge [sflag:s0], $0x800  }
0x37: {  	[sflag:s0] =	ssyncset.done $0x0  }
0x38: {  	s20 =	sshrl.u32 s19, $0x3;
	s26 =	rddreg [dreg:$0x9];
	[sflag:s0] =	ssyncadd.s32 $0xFFFFF800  }
0x39: {  	[hbm:s26], [sflag:s9] =	dma.local [spmem:s20], $0x800  }
0x3a: {  	_ =	swait.ge [sflag:s0], $0x800  }
0x3b: {  	[sflag:s0] =	ssyncset.done $0x0  }
0x3c: {  	s28 =	sshrl.u32 s21, $0x3;
	s30 =	rddreg [dreg:$0xa];
	[sflag:s0] =	ssyncadd.s32 $0xFFFFF800  }
0x3d: {  	[hbm:s30], [sflag:s9] =	dma.local [spmem:s28], $0x800  }
0x3e: {  	_ =	swait.ge [sflag:s0], $0x800  }
0x3f: {  	[sflag:s0] =	ssyncset.done $0x0  }
0x40: {  	s18 =	sshrl.u32 s23, $0x3;
	s20 =	rddreg [dreg:$0xb];
	[sflag:s0] =	ssyncadd.s32 $0xFFFFF800  }
0x41: {  	[hbm:s20], [sflag:s9] =	dma.local [spmem:s18], $0x800  }
0x42: {  	_ =	swait.ge [sflag:s0], $0x800  }
0x43: {  	[sflag:s0] =	ssyncset.done $0x0  }
0x44: {  	s26 =	sshrl.u32 s24, $0x3;
	s28 =	rddreg [dreg:$0xc];
	[sflag:s0] =	ssyncadd.s32 $0xFFFFF800  }
0x45: {  	[hbm:s28], [sflag:s9] =	dma.local [spmem:s26], $0x800  }
0x46: {  	_ =	swait.ge [sflag:s0], $0x800  }
0x47: {  	s25 =	sadd.s32 $0x1, s25;
	s30 =	rddreg [dreg:$0x10]  }
0x48: {  	p0 =	sne.s32 s25, s30  }
.Ltmp1:
0x49: {  	_ = 	snop;
	(pc) =	sbr.rel @!p0 .LBB2_14-.Ltmp1, $3  }
0x4a: {  	_ =	sdelay $0x1  }
0x4b: {  	[sflag:s0] =	ssyncset.done $0x0  }
0x4c: {  	[sflag:s0] =	ssyncadd.s32 $0xFFFFF800  }
.LBB2_1:
0x4d: {  	s9 =	simm.s32 $0x0  }
0x4e: {  	s17 =	rddreg [dreg:$0x5];
	s18 =	simm.s32 $0x80;
	s20 =	simm.s32 $0x200  }
0x4f: {  	[tilespmem:s9], [sflag:$0x7] =	stream.strided.gather [hbm4b:s17+s18], $0x2800, s20, s18, $0x38;
	[tilespmem:$0x1EA00] =	vst v63  }
0x50: {  	_ =	swait.ge [sflag:s0], $0x2800  }
0x51: {  	[sflag:s0] =	ssyncset.done $0x0  }
0x52: {  	s30 =	rddreg [dreg:$0x6];
	[sflag:s0] =	ssyncadd.s32 $0xFFFFD800  }
0x53: {  	[tilespmem:s3], [sflag:$0x7] =	stream.strided.gather [hbm4b:s30+s18], $0x2800, s20, s18, $0x38;
	[tilespmem:$0x1EA00] =	vst v63  }
0x54: {  	_ =	swait.ge [sflag:s0], $0x2800  }
0x55: {  	[sflag:s0] =	ssyncset.done $0x0  }
0x56: {  	[sflag:s0] =	ssyncadd.s32 $0xFFFFD800  }
0x57: {  	[tilespmem:$0xA500] =	vst v0  }
0x58: {  	[tilespmem:$0xA510] =	vst v0  }
0x59: {  	[tilespmem:$0xA520] =	vst v0  }
0x5a: {  	[tilespmem:$0xA530] =	vst v0  }
0x5b: {  	[tilespmem:$0xA540] =	vst v0  }
0x5c: {  	[tilespmem:$0xA550] =	vst v0  }
0x5d: {  	[tilespmem:$0xA560] =	vst v0  }
0x5e: {  	[tilespmem:$0xA570] =	vst v0  }
0x5f: {  	[tilespmem:$0xA580] =	vst v0  }
0x60: {  	[tilespmem:$0xA590] =	vst v0  }
0x61: {  	[tilespmem:$0xA5A0] =	vst v0  }
0x62: {  	[tilespmem:$0xA5B0] =	vst v0  }
0x63: {  	[tilespmem:$0xA5C0] =	vst v0  }
0x64: {  	[tilespmem:$0xA5D0] =	vst v0  }
0x65: {  	[tilespmem:$0xA5E0] =	vst v0  }
0x66: {  	[tilespmem:$0xA5F0] =	vst v0  }
0x67: {  	[tilespmem:$0xA600] =	vst v0  }
0x68: {  	[tilespmem:$0xA610] =	vst v0  }
0x69: {  	[tilespmem:$0xA620] =	vst v0  }
0x6a: {  	[tilespmem:$0xA630] =	vst v0  }
0x6b: {  	[tilespmem:$0xA640] =	vst v0  }
0x6c: {  	[tilespmem:$0xA650] =	vst v0  }
0x6d: {  	[tilespmem:$0xA660] =	vst v0  }
0x6e: {  	[tilespmem:$0xA670] =	vst v0  }
0x6f: {  	[tilespmem:$0xA680] =	vst v0  }
0x70: {  	[tilespmem:$0xA690] =	vst v0  }
0x71: {  	[tilespmem:$0xA6A0] =	vst v0  }
0x72: {  	[tilespmem:$0xA6B0] =	vst v0  }
0x73: {  	[tilespmem:$0xA6C0] =	vst v0  }
0x74: {  	[tilespmem:$0xA6D0] =	vst v0  }
0x75: {  	[tilespmem:$0xA6E0] =	vst v0  }
0x76: {  	[tilespmem:$0xA6F0] =	vst v0  }
0x77: {  	[tilespmem:$0xA700] =	vst v0  }
0x78: {  	[tilespmem:$0xA710] =	vst v0  }
0x79: {  	[tilespmem:$0xA720] =	vst v0  }
0x7a: {  	[tilespmem:$0xA730] =	vst v0  }
0x7b: {  	[tilespmem:$0xA740] =	vst v0  }
0x7c: {  	[tilespmem:$0xA750] =	vst v0  }
0x7d: {  	[tilespmem:$0xA760] =	vst v0  }
0x7e: {  	s9 =	simm.s32 $0x0;
	s17 =	simm.s32 $0x200;
	[tilespmem:$0xA770] =	vst v0  }
.LBB2_2:
0x7f: {  	p0 =	sne.s32 s17, $0x7E00;
	[tilespmem:s9+$0x8570] =	vst v0  }
0x80: {  	[tilespmem:s9+$0x6500] =	vst v0  }
0x81: {  	[tilespmem:s9+$0x8500] =	vst v0  }
0x82: {  	[tilespmem:s9+$0x6510] =	vst v0  }
0x83: {  	[tilespmem:s9+$0x8510] =	vst v0  }
0x84: {  	[tilespmem:s9+$0x6520] =	vst v0  }
0x85: {  	[tilespmem:s9+$0x8520] =	vst v0  }
0x86: {  	[tilespmem:s9+$0x6530] =	vst v0  }
0x87: {  	[tilespmem:s9+$0x8530] =	vst v0  }
0x88: {  	[tilespmem:s9+$0x6540] =	vst v0  }
0x89: {  	[tilespmem:s9+$0x8540] =	vst v0  }
.Ltmp2:
0x8a: {  	[tilespmem:s9+$0x6550] =	vst v0;
	(pc) =	sbr.rel @p0 .LBB2_2-.Ltmp2, $4  }
0x8b: {  	[tilespmem:s9+$0x8550] =	vst v0  }
0x8c: {  	[tilespmem:s9+$0x6560] =	vst v0  }
0x8d: {  	[tilespmem:s9+$0x8560] =	vst v0  }
0x8e: {  	[tilespmem:s9+$0x6570] =	vst v0;
	s9 =	sshra.s32 s17, $0x2;
	s17 =	sadd.s32 $0x200, s17  }
0x8f: {  	[tilespmem:s9+$0x8570] =	vst v0  }
0x90: {  	[tilespmem:s9+$0x6500] =	vst v0  }
0x91: {  	[tilespmem:s9+$0x8500] =	vst v0  }
0x92: {  	[tilespmem:s9+$0x6510] =	vst v0  }
0x93: {  	[tilespmem:s9+$0x8510] =	vst v0  }
0x94: {  	[tilespmem:s9+$0x6520] =	vst v0  }
0x95: {  	[tilespmem:s9+$0x8520] =	vst v0  }
0x96: {  	[tilespmem:s9+$0x6530] =	vst v0  }
0x97: {  	[tilespmem:s9+$0x8530] =	vst v0  }
0x98: {  	[tilespmem:s9+$0x6540] =	vst v0  }
0x99: {  	[tilespmem:s9+$0x8540] =	vst v0  }
0x9a: {  	[tilespmem:s9+$0x6550] =	vst v0  }
0x9b: {  	[tilespmem:s9+$0x8550] =	vst v0  }
0x9c: {  	[tilespmem:s9+$0x6560] =	vst v0  }
0x9d: {  	[tilespmem:s9+$0x8560] =	vst v0  }
0x9e: {  	[tilespmem:s9+$0x6570] =	vst v0;
	s17 =	simm.s32 $0xA500  }
0x9f: {  	[spmem:s10] =	stream.linear.scatter [tilespmem:s17], [sflag:$0x7], $0x280, $0x38;
	[tilespmem:$0x1EA00] =	vst v63  }
0xa0: {  	_ =	swait.ge [sflag:s0], $0x280  }
0xa1: {  	[sflag:s0] =	ssyncset.done $0x0  }
0xa2: {  	[sflag:s0] =	ssyncadd.s32 $0xFFFFFD80  }
0xa3: {  	[spmem:s11] =	stream.linear.scatter [tilespmem:s7], [sflag:$0x7], $0x2000, $0x38;
	[tilespmem:$0x1EA00] =	vst v63  }
0xa4: {  	_ =	swait.ge [sflag:s0], $0x2000  }
0xa5: {  	[sflag:s0] =	ssyncset.done $0x0  }
0xa6: {  	s18 =	rddreg [dreg:$0xd];
	[sflag:s0] =	ssyncadd.s32 $0xFFFFE000  }
0xa7: {  	[spmem:s18] =	stream.linear.scatter [tilespmem:s12], [sflag:$0x7], $0x2000, $0x38;
	[tilespmem:$0x1EA00] =	vst v63  }
0xa8: {  	_ =	swait.ge [sflag:s0], $0x2000  }
0xa9: {  	[sflag:s0] =	ssyncset.done $0x0  }
0xaa: {  	[sflag:s0] =	ssyncadd.s32 $0xFFFFE000  }
0xab: {  	[spmem:s19] =	stream.linear.scatter [tilespmem:s7], [sflag:$0x7], $0x2000, $0x38;
	[tilespmem:$0x1EA00] =	vst v63  }
0xac: {  	_ =	swait.ge [sflag:s0], $0x2000  }
0xad: {  	[sflag:s0] =	ssyncset.done $0x0  }
0xae: {  	s20 =	rddreg [dreg:$0xe];
	[sflag:s0] =	ssyncadd.s32 $0xFFFFE000  }
0xaf: {  	[spmem:s20] =	stream.linear.scatter [tilespmem:s12], [sflag:$0x7], $0x2000, $0x38;
	[tilespmem:$0x1EA00] =	vst v63  }
0xb0: {  	_ =	swait.ge [sflag:s0], $0x2000  }
0xb1: {  	[sflag:s0] =	ssyncset.done $0x0  }
0xb2: {  	[sflag:s0] =	ssyncadd.s32 $0xFFFFE000  }
0xb3: {  	[spmem:s21] =	stream.linear.scatter [tilespmem:s7], [sflag:$0x7], $0x2000, $0x38;
	[tilespmem:$0x1EA00] =	vst v63  }
0xb4: {  	_ =	swait.ge [sflag:s0], $0x2000  }
0xb5: {  	[sflag:s0] =	ssyncset.done $0x0  }
0xb6: {  	s26 =	rddreg [dreg:$0xf];
	[sflag:s0] =	ssyncadd.s32 $0xFFFFE000  }
0xb7: {  	[spmem:s26] =	stream.linear.scatter [tilespmem:s12], [sflag:$0x7], $0x2000, $0x38;
	[tilespmem:$0x1EA00] =	vst v63  }
0xb8: {  	_ =	swait.ge [sflag:s0], $0x2000  }
0xb9: {  	[sflag:s0] =	ssyncset.done $0x0  }
0xba: {  	[sflag:s0] =	ssyncadd.s32 $0xFFFFE000  }
0xbb: {  	[spmem:s23] =	stream.linear.scatter [tilespmem:s7], [sflag:$0x7], $0x2000, $0x38;
	[tilespmem:$0x1EA00] =	vst v63  }
0xbc: {  	_ =	swait.ge [sflag:s0], $0x2000  }
0xbd: {  	[sflag:s0] =	ssyncset.done $0x0  }
0xbe: {  	s28 =	rddreg [dreg:$0x11];
	[sflag:s0] =	ssyncadd.s32 $0xFFFFE000  }
0xbf: {  	[spmem:s28] =	stream.linear.scatter [tilespmem:s12], [sflag:$0x7], $0x2000, $0x38;
	[tilespmem:$0x1EA00] =	vst v63  }
0xc0: {  	_ =	swait.ge [sflag:s0], $0x2000  }
0xc1: {  	[sflag:s0] =	ssyncset.done $0x0  }
0xc2: {  	[sflag:s0] =	ssyncadd.s32 $0xFFFFE000  }
0xc3: {  	[spmem:s24] =	stream.linear.scatter [tilespmem:s7], [sflag:$0x7], $0x2000, $0x38;
	[tilespmem:$0x1EA00] =	vst v63  }
0xc4: {  	_ =	swait.ge [sflag:s0], $0x2000  }
0xc5: {  	[sflag:s0] =	ssyncset.done $0x0  }
0xc6: {  	s30 =	rddreg [dreg:$0x12];
	[sflag:s0] =	ssyncadd.s32 $0xFFFFE000  }
0xc7: {  	[spmem:s30] =	stream.linear.scatter [tilespmem:s12], [sflag:$0x7], $0x2000, $0x38;
	[tilespmem:$0x1EA00] =	vst v63  }
.Ltmp3:
0xc8: {  	_ =	swait.ge [sflag:s0], $0x2000;
	(pc) =	sbr.rel .LBB2_4-.Ltmp3, $4  }
0xc9: {  	[sflag:s0] =	ssyncset.done $0x0  }
0xca: {  	[sflag:s0] =	ssyncadd.s32 $0xFFFFE000  }
0xcb: {  	[bflag:$0x0] =	sbarrier.arrive $0xFFFF  }
0xcc: {  	s9 =	simm.s32 $0x0  }
.LBB2_12:
0xcd: {  	s9 =	sadd.s32 $0x1, s9  }
0xce: {  	p0 =	sne.s32 s9, $0x145  }
.Ltmp4:
0xcf: {  	_ = 	snop;
	(pc) =	sbr.rel @!p0 .LBB2_13-.Ltmp4, $1  }
0xd0: {  	_ =	sdelay $0x3  }
.LBB2_4:
0xd1: {  	s17 =	smul.u32 $0xE38F, s9;
	_ =	sdelay $0x1  }
0xd2: {  	s17 =	sshrl.u32 s17, $0x15  }
0xd3: {  	s17 =	smul.u32 $0x24, s17;
	_ =	sdelay $0x1  }
0xd4: {  	p0 =	seq.s32 s9, $0x144;
	s17 =	ssub.s32 s9, s17  }
0xd5: {  	s18 =	sand.u32 @!p0 $0xFFFF, s17  }
0xd6: {  	p1 =	sne.s32 @!p0 s18, $0x0  }
0xd7: {  	p1 =	por p1, p0  }
0xd8: {  	s18 =	smul.u32 @!p1 $0xE38F, s9;
	_ =	sdelay $0x1  }
0xd9: {  	s18 =	sshrl.u32 @!p1 s18, $0x15  }
0xda: {  	s18 =	smul.u32 @!p1 $0x900, s18;
	_ =	sdelay $0x1  }
0xdb: {  	s18 =	sand.u32 @!p1 $0xFF00, s18  }
0xdc: {  	s18 =	sadd.s32 @!p1 s18, s29  }
0xdd: {  	s18 =	sshrl.u32 @!p1 s18, $0x3  }
0xde: {  	s26 =	simm.s32 @!p1 $0x0;
	s28 =	simm.s32 @!p1 $0x5000;
	s20 =	sadd.s32 @!p1 s5, s18  }
0xdf: {  	[tilespmem:s28], [sflag:$0x7] =	stream.linear.gather @!p1 [hbm4b:s20+s26], $0x900, $0x38;
	[tilespmem:$0x1EA00] =	vst v63  }
0xe0: {  	s20 =	simm.s32 @!p1 $0x7  }
0xe1: {  	_ =	swait.ge @!p1 [sflag:s20], $0x900  }
0xe2: {  	[sflag:s20] =	ssyncset.done @!p1 $0x0  }
0xe3: {  	s18 =	sadd.s32 @!p1 s6, s18;
	s28 =	simm.s32 @!p1 $0x5900;
	[sflag:s20] =	ssyncadd.s32 @!p1 $0xFFFFF700  }
0xe4: {  	[tilespmem:s28], [sflag:$0x7] =	stream.linear.gather @!p1 [hbm4b:s18+s26], $0x900, $0x38;
	[tilespmem:$0x1EA00] =	vst v63  }
0xe5: {  	s28 =	sand.u32 $0x1, s9  }
0xe6: {  	p2 =	seq.s32 s28, $0x1  }
.Ltmp5:
0xe7: {  	_ = 	snop;
	(pc) =	sbr.rel @p2 .LBB2_9-.Ltmp5, $4  }
0xe8: {  	_ = 	snop  }
0xe9: {  	_ =	swait.ge @!p1 [sflag:s20], $0x900  }
0xea: {  	s17 =	sand.u32 $0xFFFF, s17;
	[sflag:s20] =	ssyncset.done @!p1 $0x0  }
0xeb: {  	s26 =	sshll.u32 @!p0 s17, $0x6;
	[sflag:s20] =	ssyncadd.s32 @!p1 $0xFFFFF700;
	p1 =	slt.u32 @!p0 s9, $0x2  }
0xec: {  	p2 =	por p1, p0  }
0xed: {  	s17 =	simm.s32 @!p2 $0x3  }
0xee: {  	_ =	swait.ge @!p2 [sflag:s17], $0x2000  }
0xef: {  	[sflag:s17] =	ssyncset.done @!p2 $0x0  }
0xf0: {  	[sflag:s17] =	ssyncadd.s32 @!p2 $0xFFFFE000;
	s17 =	simm.s32 @!p2 $0x5  }
0xf1: {  	_ =	swait.ge @!p2 [sflag:s17], $0x40  }
0xf2: {  	[sflag:s17] =	ssyncset.done @!p2 $0x0  }
0xf3: {  	[sflag:s17] =	ssyncadd.s32 @!p2 $0xFFFFFFC0  }
0xf4: {  	v1 =	vld @!p0 [tilespmem:s26+$0x5000];
	_ =	sdelay $0x4  }
0xf5: {  	[tilespmem:$0x6200] =	vst @!p0 v1  }
0xf6: {  	v1 =	vld @!p0 [tilespmem:s26+$0x5900];
	_ =	sdelay $0x4  }
0xf7: {  	[tilespmem:$0x6280] =	vst @!p0 v1  }
0xf8: {  	v1 =	vld @!p0 [tilespmem:s26+$0x5010];
	_ =	sdelay $0x4  }
0xf9: {  	[tilespmem:$0x6210] =	vst @!p0 v1  }
0xfa: {  	v1 =	vld @!p0 [tilespmem:s26+$0x5910];
	_ =	sdelay $0x4  }
0xfb: {  	[tilespmem:$0x6290] =	vst @!p0 v1  }
0xfc: {  	v1 =	vld @!p0 [tilespmem:s26+$0x5020];
	_ =	sdelay $0x4  }
0xfd: {  	[tilespmem:$0x6220] =	vst @!p0 v1  }
0xfe: {  	v1 =	vld @!p0 [tilespmem:s26+$0x5920];
	_ =	sdelay $0x4  }
0xff: {  	[tilespmem:$0x62A0] =	vst @!p0 v1  }
0x100: {  	v1 =	vld @!p0 [tilespmem:s26+$0x5030];
	_ =	sdelay $0x4  }
0x101: {  	[tilespmem:$0x6230] =	vst @!p0 v1  }
0x102: {  	p2 =	seq.s32 @!p0 s9, $0x0;
	v1 =	vld @!p0 [tilespmem:s26+$0x5930]  }
0x103: {  	p2 =	por p0, !p2  }
.Ltmp6:
0x104: {  	_ = 	snop;
	(pc) =	sbr.rel @!p2 .LBB2_12-.Ltmp6, $3  }
0x105: {  	_ =	sdelay $0x1  }
0x106: {  	s18 =	simm.s32 @!p0 $0x6200;
	s20 =	simm.s32 @!p0 $0x6500;
	s17 =	simm.s32 @!p0 $0x40;
	[tilespmem:$0x62B0] =	vst @!p0 v1  }
0x107: {  	[tilespmem:s20], [sflag:$0x1] =	stream.indirect.gather @!p0 [hbm4b:s4+s17], $0x80, s18, s17, $0xb8;
	[tilespmem:$0x1EA00] =	vst v63  }
0x108: {  	_ =	swait.ge [sflag:s31], $0x2000  }
0x109: {  	[sflag:s31] =	ssyncset.done $0x0  }
0x10a: {  	[sflag:s31] =	ssyncadd.s32 $0xFFFFE000  }
0x10b: {  	v1 =	vld [tilespmem:$0x6300]  }
0x10c: {  	v2 =	vld [tilespmem:$0x6380];
	_ =	sdelay $0x5  }
0x10d: {  	s17 =	simm.s32 $0x0  }
0x10e: {  	v1 =	vld.idx.msk [tilespmem:v1+s17+$0x0], $0xffff  }
0x10f: {  	v2 =	vld.idx.msk [tilespmem:v2+s3+$0x0], $0xffff;
	_ =	sdelay $0x4  }
0x110: {  	v1 =	vadd.f32 v2, v1;
	_ =	sdelay $0x1  }
0x111: {  	v2 =	vmul.f32 $2.000000030e-01, v1  }
0x112: {  	vm0 =	vge.f32 v1, $0.0e+00  }
0x113: {  	v1 =	vsel vm0, v1, v2  }
0x114: {  	v1 =	vmul.f32 $1.442695020e+00, v1;
	_ =	sdelay $0x1  }
0x115: {  	(erf) = vpow2.f32 v1;
	_ =	sdelay $0x2  }
0x116: {  	v1 =	vld [tilespmem:$0x6310]  }
0x117: {  	v2 =	vld [tilespmem:$0x6390];
	_ =	sdelay $0x4  }
0x118: {  	v3 =	vpop (erf)  }
0x119: {  	[tilespmem:$0x6480] =	vst v3  }
0x11a: {  	v1 =	vld.idx.msk [tilespmem:v1+s17+$0x0], $0xffff  }
0x11b: {  	v2 =	vld.idx.msk [tilespmem:v2+s3+$0x0], $0xffff;
	_ =	sdelay $0x4  }
0x11c: {  	v1 =	vadd.f32 v2, v1;
	_ =	sdelay $0x1  }
0x11d: {  	v2 =	vmul.f32 $2.000000030e-01, v1  }
0x11e: {  	vm13 =	vge.f32 v1, $0.0e+00  }
0x11f: {  	v1 =	vsel vm13, v1, v2  }
0x120: {  	v1 =	vmul.f32 $1.442695020e+00, v1;
	_ =	sdelay $0x1  }
0x121: {  	(erf) = vpow2.f32 v1;
	_ =	sdelay $0x2  }
0x122: {  	v1 =	vld [tilespmem:$0x6320]  }
0x123: {  	v2 =	vld [tilespmem:$0x63A0];
	_ =	sdelay $0x4  }
0x124: {  	v3 =	vpop (erf)  }
0x125: {  	[tilespmem:$0x6490] =	vst v3  }
0x126: {  	v1 =	vld.idx.msk [tilespmem:v1+s17+$0x0], $0xffff  }
0x127: {  	v2 =	vld.idx.msk [tilespmem:v2+s3+$0x0], $0xffff;
	_ =	sdelay $0x4  }
0x128: {  	v1 =	vadd.f32 v2, v1;
	_ =	sdelay $0x1  }
0x129: {  	v2 =	vmul.f32 $2.000000030e-01, v1  }
0x12a: {  	vm14 =	vge.f32 v1, $0.0e+00  }
0x12b: {  	v1 =	vsel vm14, v1, v2  }
0x12c: {  	v1 =	vmul.f32 $1.442695020e+00, v1;
	_ =	sdelay $0x1  }
0x12d: {  	(erf) = vpow2.f32 v1;
	_ =	sdelay $0x2  }
0x12e: {  	v1 =	vld [tilespmem:$0x6330]  }
0x12f: {  	v2 =	vld [tilespmem:$0x63B0];
	_ =	sdelay $0x4  }
0x130: {  	v3 =	vpop (erf)  }
0x131: {  	[tilespmem:$0x64A0] =	vst v3  }
0x132: {  	v1 =	vld.idx.msk [tilespmem:v1+s17+$0x0], $0xffff  }
0x133: {  	v2 =	vld.idx.msk [tilespmem:v2+s3+$0x0], $0xffff;
	_ =	sdelay $0x4  }
0x134: {  	v1 =	vadd.f32 v2, v1;
	_ =	sdelay $0x1  }
0x135: {  	v2 =	vmul.f32 $2.000000030e-01, v1  }
0x136: {  	vm15 =	vge.f32 v1, $0.0e+00  }
0x137: {  	v1 =	vsel vm15, v1, v2  }
0x138: {  	v1 =	vmul.f32 $1.442695020e+00, v1;
	_ =	sdelay $0x1  }
0x139: {  	(erf) = vpow2.f32 v1;
	_ =	sdelay $0x8  }
0x13a: {  	v1 =	vpop (erf)  }
0x13b: {  	[tilespmem:$0x64B0] =	vst v1;
	v1 =	vmov s17;
	s17 =	simm.s32 $0x8540  }
0x13c: {  	[spmem:s2] =	stream.indirect.scatter.add.f32 [tilespmem:s8], [sflag:$0x6], $0x1, s22, s14, $0xb8;
	[tilespmem:$0x1EA00] =	vst v63  }
0x13d: {  	v5 =	vld [tilespmem:s17+$0x30]  }
0x13e: {  	v8 =	vld [tilespmem:s17+$0x10]  }
0x13f: {  	v6 =	vld [tilespmem:s17+$0xFFFFFFC0]  }
0x140: {  	v2 =	vld.idx.msk [tilespmem:v1+s8+$0x0], $0xffff  }
0x141: {  	v10 =	vld [tilespmem:s17+$0xFFFFFFE0]  }
0x142: {  	v3 =	vld [tilespmem:s17+$0x20]  }
0x143: {  	v4 =	vld [tilespmem:s17+$0xFFFFFFD0]  }
0x144: {  	v1 =	vld [tilespmem:s17+$0xFFFFFFF0]  }
0x145: {  	v9 =	vmul.f32 v5, v2;
	v5 =	vld [tilespmem:s17+$0x0]  }
0x146: {  	v7 =	vmul.f32 v6, v2  }
0x147: {  	s18 =	simm.s32 $0x1;
	s20 =	simm.s32 $0x8540;
	v6 =	vmul.f32 v10, v2;
	v8 =	vmul.f32 v8, v2  }
.LBB2_7:
0x148: {  	p2 =	sne.s32 s18, $0x3F  }
0x149: {  	v4 =	vmul.f32 v4, v2;
	v3 =	vmul.f32 v3, v2;
	[tilespmem:s17+$0x30] =	vst v9;
	s20 =	sadd.s32 $0x80, s20;
	s30 =	smov.u32 s18;
	s18 =	sadd.s32 $0x1, s18  }
0x14a: {  	[tilespmem:s17+$0xFFFFFFC0] =	vst v7;
	v7 =	vmul.f32 v1, v2;
	v2 =	vmul.f32 v5, v2  }
0x14b: {  	[tilespmem:s17+$0x10] =	vst v8  }
0x14c: {  	v5 =	vmov s30;
	[tilespmem:s17+$0xFFFFFFE0] =	vst v6  }
0x14d: {  	v1 =	vld [tilespmem:s20+$0xFFFFFFF0];
	[tilespmem:s17+$0xFFFFFFF0] =	vst v7  }
0x14e: {  	v6 =	vld [tilespmem:s20+$0x30];
	[tilespmem:s17+$0x0] =	vst v2  }
0x14f: {  	v8 =	vld [tilespmem:s20+$0x10];
	[tilespmem:s17+$0x20] =	vst v3  }
0x150: {  	v7 =	vld [tilespmem:s20+$0xFFFFFFC0];
	[tilespmem:s17+$0xFFFFFFD0] =	vst v4;
	s17 =	smov.u32 s20  }
0x151: {  	v2 =	vld.idx.msk [tilespmem:v5+s8+$0x0], $0xffff  }
0x152: {  	v10 =	vld [tilespmem:s20+$0xFFFFFFE0]  }
0x153: {  	v3 =	vld [tilespmem:s20+$0x20]  }
.Ltmp7:
0x154: {  	v4 =	vld [tilespmem:s20+$0xFFFFFFD0];
	(pc) =	sbr.rel @p2 .LBB2_7-.Ltmp7, $3  }
0x155: {  	v5 =	vld [tilespmem:s20+$0x0];
	_ =	sdelay $0x1  }
0x156: {  	v7 =	vmul.f32 v7, v2;
	v9 =	vmul.f32 v6, v2  }
0x157: {  	v8 =	vmul.f32 v8, v2;
	v6 =	vmul.f32 v10, v2  }
0x158: {  	[tilespmem:s17+$0x30] =	vst v9  }
0x159: {  	[tilespmem:s17+$0xFFFFFFC0] =	vst v7  }
0x15a: {  	v1 =	vmul.f32 v1, v2;
	[tilespmem:s17+$0x10] =	vst v8  }
0x15b: {  	v3 =	vmul.f32 v3, v2;
	p2 =	seq.s32 s28, $0x0;
	[tilespmem:s17+$0xFFFFFFE0] =	vst v6  }
.Ltmp8:
0x15c: {  	v5 =	vmul.f32 v5, v2;
	[tilespmem:s17+$0xFFFFFFF0] =	vst v1;
	(pc) =	sbr.rel @p2 .LBB2_12-.Ltmp8, $4  }
0x15d: {  	v1 =	vmul.f32 v4, v2;
	[tilespmem:s17+$0x20] =	vst v3  }
0x15e: {  	[tilespmem:s17+$0x0] =	vst v5  }
0x15f: {  	[tilespmem:s17+$0xFFFFFFD0] =	vst v1  }
0x160: {  	[spmem:s1] =	stream.indirect.scatter.add.f32 [tilespmem:s12], [sflag:$0x4], $0x80, s22, s14, $0xb8;
	[tilespmem:$0x1EA00] =	vst v63  }
.LBB2_9:
0x161: {  	p1 =	por p1, p0  }
0x162: {  	s17 =	simm.s32 @!p1 $0x4  }
0x163: {  	_ =	swait.ge @!p1 [sflag:s17], $0x2000  }
0x164: {  	[sflag:s17] =	ssyncset.done @!p1 $0x0  }
0x165: {  	[sflag:s17] =	ssyncadd.s32 @!p1 $0xFFFFE000;
	s17 =	simm.s32 @!p1 $0x6  }
0x166: {  	_ =	swait.ge @!p1 [sflag:s17], $0x40  }
0x167: {  	[sflag:s17] =	ssyncset.done @!p1 $0x0  }
0x168: {  	[sflag:s17] =	ssyncadd.s32 @!p1 $0xFFFFFFC0  }
0x169: {  	v1 =	vld @!p0 [tilespmem:s26+$0x5000];
	_ =	sdelay $0x4  }
0x16a: {  	[tilespmem:$0x6300] =	vst @!p0 v1  }
0x16b: {  	v1 =	vld @!p0 [tilespmem:s26+$0x5900];
	_ =	sdelay $0x4  }
0x16c: {  	[tilespmem:$0x6380] =	vst @!p0 v1  }
0x16d: {  	v1 =	vld @!p0 [tilespmem:s26+$0x5010];
	_ =	sdelay $0x4  }
0x16e: {  	[tilespmem:$0x6310] =	vst @!p0 v1  }
0x16f: {  	v1 =	vld @!p0 [tilespmem:s26+$0x5910];
	_ =	sdelay $0x4  }
0x170: {  	[tilespmem:$0x6390] =	vst @!p0 v1  }
0x171: {  	v1 =	vld @!p0 [tilespmem:s26+$0x5020];
	_ =	sdelay $0x4  }
0x172: {  	[tilespmem:$0x6320] =	vst @!p0 v1  }
0x173: {  	v1 =	vld @!p0 [tilespmem:s26+$0x5920];
	_ =	sdelay $0x4  }
0x174: {  	[tilespmem:$0x63A0] =	vst @!p0 v1  }
0x175: {  	v1 =	vld @!p0 [tilespmem:s26+$0x5030];
	_ =	sdelay $0x4  }
0x176: {  	[tilespmem:$0x6330] =	vst @!p0 v1  }
0x177: {  	v1 =	vld @!p0 [tilespmem:s26+$0x5930];
	_ =	sdelay $0x4  }
0x178: {  	s18 =	simm.s32 @!p0 $0x6300;
	s20 =	simm.s32 @!p0 $0x8500;
	s17 =	simm.s32 @!p0 $0x40;
	[tilespmem:$0x63B0] =	vst @!p0 v1  }
0x179: {  	[tilespmem:s20], [sflag:$0x2] =	stream.indirect.gather @!p0 [hbm4b:s4+s17], $0x80, s18, s17, $0xb8;
	[tilespmem:$0x1EA00] =	vst v63  }
0x17a: {  	_ =	swait.ge [sflag:s13], $0x2000  }
0x17b: {  	[sflag:s13] =	ssyncset.done $0x0  }
0x17c: {  	[sflag:s13] =	ssyncadd.s32 $0xFFFFE000  }
0x17d: {  	v1 =	vld [tilespmem:$0x6200]  }
0x17e: {  	v2 =	vld [tilespmem:$0x6280];
	_ =	sdelay $0x5  }
0x17f: {  	s30 =	simm.s32 $0x0  }
0x180: {  	v1 =	vld.idx.msk [tilespmem:v1+s30+$0x0], $0xffff  }
0x181: {  	v2 =	vld.idx.msk [tilespmem:v2+s3+$0x0], $0xffff;
	_ =	sdelay $0x4  }
0x182: {  	v1 =	vadd.f32 v2, v1;
	_ =	sdelay $0x1  }
0x183: {  	v2 =	vmul.f32 $2.000000030e-01, v1  }
0x184: {  	vm0 =	vge.f32 v1, $0.0e+00  }
0x185: {  	v1 =	vsel vm0, v1, v2  }
0x186: {  	v1 =	vmul.f32 $1.442695020e+00, v1;
	_ =	sdelay $0x1  }
0x187: {  	(erf) = vpow2.f32 v1;
	_ =	sdelay $0x2  }
0x188: {  	v1 =	vld [tilespmem:$0x6210]  }
0x189: {  	v2 =	vld [tilespmem:$0x6290];
	_ =	sdelay $0x4  }
0x18a: {  	v3 =	vpop (erf)  }
0x18b: {  	[tilespmem:$0x6400] =	vst v3  }
0x18c: {  	v1 =	vld.idx.msk [tilespmem:v1+s30+$0x0], $0xffff  }
0x18d: {  	v2 =	vld.idx.msk [tilespmem:v2+s3+$0x0], $0xffff;
	_ =	sdelay $0x4  }
0x18e: {  	v1 =	vadd.f32 v2, v1;
	_ =	sdelay $0x1  }
0x18f: {  	v2 =	vmul.f32 $2.000000030e-01, v1  }
0x190: {  	vm13 =	vge.f32 v1, $0.0e+00  }
0x191: {  	v1 =	vsel vm13, v1, v2  }
0x192: {  	v1 =	vmul.f32 $1.442695020e+00, v1;
	_ =	sdelay $0x1  }
0x193: {  	(erf) = vpow2.f32 v1;
	_ =	sdelay $0x2  }
0x194: {  	v1 =	vld [tilespmem:$0x6220]  }
0x195: {  	v2 =	vld [tilespmem:$0x62A0];
	_ =	sdelay $0x4  }
0x196: {  	v3 =	vpop (erf)  }
0x197: {  	[tilespmem:$0x6410] =	vst v3  }
0x198: {  	v1 =	vld.idx.msk [tilespmem:v1+s30+$0x0], $0xffff  }
0x199: {  	v2 =	vld.idx.msk [tilespmem:v2+s3+$0x0], $0xffff;
	_ =	sdelay $0x4  }
0x19a: {  	v1 =	vadd.f32 v2, v1;
	_ =	sdelay $0x1  }
0x19b: {  	v2 =	vmul.f32 $2.000000030e-01, v1  }
0x19c: {  	vm14 =	vge.f32 v1, $0.0e+00  }
0x19d: {  	v1 =	vsel vm14, v1, v2  }
0x19e: {  	v1 =	vmul.f32 $1.442695020e+00, v1;
	_ =	sdelay $0x1  }
0x19f: {  	(erf) = vpow2.f32 v1;
	_ =	sdelay $0x2  }
0x1a0: {  	v1 =	vld [tilespmem:$0x6230]  }
0x1a1: {  	v2 =	vld [tilespmem:$0x62B0];
	_ =	sdelay $0x4  }
0x1a2: {  	v3 =	vpop (erf)  }
0x1a3: {  	[tilespmem:$0x6420] =	vst v3  }
0x1a4: {  	v1 =	vld.idx.msk [tilespmem:v1+s30+$0x0], $0xffff  }
0x1a5: {  	v2 =	vld.idx.msk [tilespmem:v2+s3+$0x0], $0xffff;
	_ =	sdelay $0x4  }
0x1a6: {  	v1 =	vadd.f32 v2, v1;
	_ =	sdelay $0x1  }
0x1a7: {  	v2 =	vmul.f32 $2.000000030e-01, v1  }
0x1a8: {  	vm15 =	vge.f32 v1, $0.0e+00  }
0x1a9: {  	v1 =	vsel vm15, v1, v2  }
0x1aa: {  	v1 =	vmul.f32 $1.442695020e+00, v1;
	_ =	sdelay $0x1  }
0x1ab: {  	(erf) = vpow2.f32 v1;
	_ =	sdelay $0x8  }
0x1ac: {  	v1 =	vpop (erf)  }
0x1ad: {  	s17 =	simm.s32 $0x6540;
	[tilespmem:$0x6430] =	vst v1;
	v1 =	vmov s30  }
0x1ae: {  	[spmem:s2] =	stream.indirect.scatter.add.f32 [tilespmem:s16], [sflag:$0x5], $0x1, s15, s14, $0xb8;
	[tilespmem:$0x1EA00] =	vst v63  }
0x1af: {  	v5 =	vld [tilespmem:s17+$0x30]  }
0x1b0: {  	v8 =	vld [tilespmem:s17+$0x10]  }
0x1b1: {  	v6 =	vld [tilespmem:s17+$0xFFFFFFC0]  }
0x1b2: {  	v2 =	vld.idx.msk [tilespmem:v1+s16+$0x0], $0xffff  }
0x1b3: {  	v10 =	vld [tilespmem:s17+$0xFFFFFFE0]  }
0x1b4: {  	v3 =	vld [tilespmem:s17+$0x20]  }
0x1b5: {  	v4 =	vld [tilespmem:s17+$0xFFFFFFD0]  }
0x1b6: {  	v1 =	vld [tilespmem:s17+$0xFFFFFFF0]  }
0x1b7: {  	v9 =	vmul.f32 v5, v2;
	v5 =	vld [tilespmem:s17+$0x0]  }
0x1b8: {  	v7 =	vmul.f32 v6, v2  }
0x1b9: {  	s18 =	simm.s32 $0x1;
	s20 =	simm.s32 $0x6540;
	v6 =	vmul.f32 v10, v2;
	v8 =	vmul.f32 v8, v2  }
.LBB2_10:
0x1ba: {  	p0 =	sne.s32 s18, $0x3F  }
0x1bb: {  	v4 =	vmul.f32 v4, v2;
	v3 =	vmul.f32 v3, v2;
	[tilespmem:s17+$0x30] =	vst v9;
	s20 =	sadd.s32 $0x80, s20;
	s26 =	smov.u32 s18;
	s18 =	sadd.s32 $0x1, s18  }
0x1bc: {  	[tilespmem:s17+$0xFFFFFFC0] =	vst v7;
	v7 =	vmul.f32 v1, v2;
	v2 =	vmul.f32 v5, v2  }
0x1bd: {  	[tilespmem:s17+$0x10] =	vst v8  }
0x1be: {  	v5 =	vmov s26;
	[tilespmem:s17+$0xFFFFFFE0] =	vst v6  }
0x1bf: {  	v1 =	vld [tilespmem:s20+$0xFFFFFFF0];
	[tilespmem:s17+$0xFFFFFFF0] =	vst v7  }
0x1c0: {  	v6 =	vld [tilespmem:s20+$0x30];
	[tilespmem:s17+$0x0] =	vst v2  }
0x1c1: {  	v8 =	vld [tilespmem:s20+$0x10];
	[tilespmem:s17+$0x20] =	vst v3  }
0x1c2: {  	v7 =	vld [tilespmem:s20+$0xFFFFFFC0];
	[tilespmem:s17+$0xFFFFFFD0] =	vst v4;
	s17 =	smov.u32 s20  }
0x1c3: {  	v2 =	vld.idx.msk [tilespmem:v5+s16+$0x0], $0xffff  }
0x1c4: {  	v10 =	vld [tilespmem:s20+$0xFFFFFFE0]  }
0x1c5: {  	v3 =	vld [tilespmem:s20+$0x20]  }
.Ltmp9:
0x1c6: {  	v4 =	vld [tilespmem:s20+$0xFFFFFFD0];
	(pc) =	sbr.rel @p0 .LBB2_10-.Ltmp9, $3  }
0x1c7: {  	v5 =	vld [tilespmem:s20+$0x0];
	_ =	sdelay $0x1  }
0x1c8: {  	v7 =	vmul.f32 v7, v2;
	v9 =	vmul.f32 v6, v2  }
0x1c9: {  	v8 =	vmul.f32 v8, v2;
	v6 =	vmul.f32 v10, v2  }
0x1ca: {  	[tilespmem:s17+$0x30] =	vst v9  }
0x1cb: {  	[tilespmem:s17+$0xFFFFFFC0] =	vst v7  }
0x1cc: {  	v1 =	vmul.f32 v1, v2;
	[tilespmem:s17+$0x10] =	vst v8  }
0x1cd: {  	v3 =	vmul.f32 v3, v2;
	[tilespmem:s17+$0xFFFFFFE0] =	vst v6  }
.Ltmp10:
0x1ce: {  	v5 =	vmul.f32 v5, v2;
	[tilespmem:s17+$0xFFFFFFF0] =	vst v1;
	(pc) =	sbr.rel .LBB2_12-.Ltmp10, $4  }
0x1cf: {  	v1 =	vmul.f32 v4, v2;
	[tilespmem:s17+$0x20] =	vst v3  }
0x1d0: {  	[tilespmem:s17+$0x0] =	vst v5  }
0x1d1: {  	[tilespmem:s17+$0xFFFFFFD0] =	vst v1  }
0x1d2: {  	[spmem:s1] =	stream.indirect.scatter.add.f32 [tilespmem:s7], [sflag:$0x3], $0x80, s15, s14, $0xb8;
	[tilespmem:$0x1EA00] =	vst v63  }
.LBB2_14:
0x1d3: {  	_ =	sfence.sel $0x180000  }
0x1d4: {  	[bflag:$0x0] =	sbarrier.arrive $0xFFFF  }
0x1d5: {  	_ =	strace $0x90000047  }
0x1d6: {  	s0 =	stileid.u32;
	[bflag:$0x2] =	sbarrier.arrive $0xFFFF  }
0x1d7: {  	p0 =	sne.s32 s0, $0x0;
	s0 =	rddreg [dreg:$0x4]  }
0x1d8: {  	s0 =	sadd.s32 @!p0 $0x100000, s0  }
0x1d9: {  	[sflag:s0] =	ssyncadd.tile.s32 @!p0 $0x1;
	_ =	shalt  }
.Lfunc_end2:
_tile_overlayer_lowered:
.L_overlay_start_2:
0x1da: {  	(tag) =	ssettag $0x2  }
0x1db: {  	s0 =	rddreg [dreg:$0x0];
	s2 =	stileid.u32  }
0x1dc: {  	s1 =	rddreg [dreg:$0x1];
	p0 =	sne.s32 s2, $0x0  }
0x1dd: {  	s3 =	rddreg [dreg:$0x2];
	[bflag:$0x3] =	sbarrier.arrive $0xFFFF;
	s2 =	simm.s32 @!p0 $0x1C07  }
0x1de: {  	[timem:s3], [sflag:s2] =	dma.local @!p0 [hbm:s0], s1  }
0x1df: {  	s0 =	simm.s32 @!p0 $0x7  }
0x1e0: {  	_ =	swait.ge @!p0 [sflag:s0], s1  }
0x1e1: {  	s1 =	ssub.s32 @!p0 $0x0, s1;
	[sflag:s0] =	ssyncset.done @!p0 $0x0  }
0x1e2: {  	[sflag:s0] =	ssyncadd.s32 @!p0 s1  }
0x1e3: {  	[bflag:$0x3] =	sbarrier.arrive $0xFFFF  }
0x1e4: {  	_ =	shalt  }

// kernel: kernel.9.cloned.1.call-start
scs
__scs_entry_jumppad:
0x0: {  	(pc) =	sbr.rel $0x88, $3  }
0x1: {  	(tag) =	ssettag $0x0;
	lr =	simm.s32 $0x1  }
0x2: {  	[smem:$0x3F97] =	sst lr;
	_ =	strace $0xD0000000  }
0x3: {  	_ = 	snop  }
0x4: {  	_ = 	snop  }
0x5: {  	_ = 	snop  }
0x6: {  	_ = 	snop  }
0x7: {  	_ = 	snop  }
__scs_overlays_trampoline_lowered:
0x8: {  	[smem:$0x3FA6] =	sst s0  }
0x9: {  	[smem:$0x3FA7] =	sst s1  }
0xa: {  	[smem:$0x3FA8] =	sst s2  }
0xb: {  	[smem:$0x3FA9] =	sst s3  }
0xc: {  	[smem:$0x3FAA] =	sst s4  }
0xd: {  	[smem:$0x3FAB] =	sst s5  }
0xe: {  	[smem:$0x3FAC] =	sst s6  }
0xf: {  	[smem:$0x3FAD] =	sst s7  }
0x10: {  	[smem:$0x3FAE] =	sst s8  }
0x11: {  	[smem:$0x3FAF] =	sst s9;
	s0 =	simm.s32 @!p0 $0x0  }
0x12: {  	s1 =	sld [smem:$0x3F95];
	s0 =	simm.s32 @p0 $0x1  }
0x13: {  	[smem:$0x3FB0] =	sst s0;
	s0 =	simm.s32 @!p1 $0x0  }
0x14: {  	s2 =	sld [smem:$0x3F94];
	s0 =	simm.s32 @p1 $0x1  }
0x15: {  	[smem:$0x3FB1] =	sst s0;
	s0 =	simm.s32 @!p2 $0x0  }
0x16: {  	s3 =	sld [smem:$0x3FDB];
	s0 =	simm.s32 @p2 $0x1  }
0x17: {  	s4 =	simm.s32 $0x1BF5;
	[smem:$0x3FB3] =	sst s0  }
0x18: {  	s0 =	sld [smem:$0x3F96];
	_ =	swait.ge [sflag:s4], $0x0  }
0x19: {  	s7 =	sld [smem:$0x3F97]  }
0x1a: {  	s8 =	sadd.s32 $0xFFFFE003, lr  }
0x1b: {  	s9 =	sadd.s32 $0xFFFFFEF7, lr;
	s5 =	simm.s32 $0xFFFFFFFF;
	p2 =	slt.u32 s8, $0xFFFFF086  }
0x1c: {  	p1 =	slt.u32 s9, $0xF7A;
	s5 =	simm.s32 @!p2 $0x0  }
0x1d: {  	s5 =	simm.s32 @p1 $0x1;
	p0 =	seq.s32 s7, s2  }
0x1e: {  	s7 =	smul.u32 @!p0 $0xF7A, s2;
	p2 =	seq.s32 @!p0 s5, $0x0  }
0x1f: {  	s9 =	smul.u32 $0xF7A, s1;
	s8 =	simm.s32 @!p0 $0x1BF5;
	p2 =	por !p2, p0  }
0x20: {  	[sflag:s8] =	ssyncset.s32 @!p0 $0xFFFFF086;
	s6 =	sadd.s32 @!p0 s3, s7;
	s7 =	simm.s32 @!p0 $0x108  }
0x21: {  	s3 =	sadd.s32 s3, s9;
	s6 =	sadd.s32 @!p0 $0x88, s6;
	s7 =	simm.s32 @p2 $0x1082  }
0x22: {  	[simem:s7], [sflag:s8] =	dma.local @!p0 [hbm:s6], $0xF7A  }
0x23: {  	s9 =	sor.u32 $0xD0000000, s2;
	s6 =	simm.s32 $0x108;
	_ =	swait.ge @!p0 [sflag:s8], $0x0  }
0x24: {  	s3 =	sadd.s32 $0x88, s3;
	s6 =	simm.s32 @!p1 $0x1082;
	[sflag:s4] =	ssyncset.s32 $0xFFFFF086  }
0x25: {  	[simem:s6], [sflag:s4] =	dma.local [hbm:s3], $0xF7A  }
0x26: {  	[smem:$0x3F97] =	sst s1;
	(tag) =	ssettag s2;
	_ =	strace s9  }
0x27: {  	s1 =	sld [smem:$0x3FA7]  }
0x28: {  	s2 =	sld [smem:$0x3FA8]  }
0x29: {  	s4 =	sld [smem:$0x3FAA]  }
0x2a: {  	p0 =	seq.s32 s5, $0x0;
	s5 =	sld [smem:$0x3FAB]  }
0x2b: {  	s6 =	sld [smem:$0x3FAC]  }
0x2c: {  	s7 =	sld [smem:$0x3FAD]  }
0x2d: {  	s3 =	simm.s32 $0x108;
	s8 =	sld [smem:$0x3FAE]  }
0x2e: {  	s3 =	simm.s32 @!p0 $0x1082;
	s9 =	sld [smem:$0x3FAF]  }
0x2f: {  	lr =	sadd.s32 s0, s3;
	s0 =	sld [smem:$0x3FA6]  }
0x30: {  	s3 =	sld [smem:$0x3FA9]  }
0x31: {  	[smem:$0x3FB2] =	sst s10  }
0x32: {  	s10 =	sld [smem:$0x3FB0];
	_ =	sdelay $0x3  }
0x33: {  	p0 =	seq.s32 s10, $0x1;
	s10 =	sld [smem:$0x3FB2];
	_ =	sdelay $0x3  }
0x34: {  	[smem:$0x3FB2] =	sst s10  }
0x35: {  	s10 =	sld [smem:$0x3FB1];
	_ =	sdelay $0x3  }
0x36: {  	p1 =	seq.s32 s10, $0x1;
	s10 =	sld [smem:$0x3FB2];
	_ =	sdelay $0x3  }
0x37: {  	[smem:$0x3FB2] =	sst s10  }
0x38: {  	s10 =	sld [smem:$0x3FB3]  }
0x39: {  	_ = 	snop;
	(pc) =	sbr.ind lr, $3  }
0x3a: {  	_ = 	snop  }
0x3b: {  	_ = 	snop  }
0x3c: {  	p2 =	seq.s32 s10, $0x1;
	s10 =	sld [smem:$0x3FB2]  }
0x3d: {  	_ =	shalt  }
0x3e: {  	_ =	shalt  }
0x3f: {  	_ =	shalt  }
0x40: {  	_ =	shalt  }
0x41: {  	_ =	shalt  }
0x42: {  	_ =	shalt  }
0x43: {  	_ =	shalt  }
0x44: {  	_ =	shalt  }
0x45: {  	_ =	shalt  }
0x46: {  	_ =	shalt  }
0x47: {  	_ =	shalt  }
0x48: {  	_ =	shalt  }
0x49: {  	_ =	shalt  }
0x4a: {  	_ =	shalt  }
0x4b: {  	_ =	shalt  }
0x4c: {  	_ =	shalt  }
0x4d: {  	_ =	shalt  }
0x4e: {  	_ =	shalt  }
0x4f: {  	_ =	shalt  }
0x50: {  	_ =	shalt  }
0x51: {  	_ =	shalt  }
0x52: {  	_ =	shalt  }
0x53: {  	_ =	shalt  }
0x54: {  	_ =	shalt  }
0x55: {  	_ =	shalt  }
0x56: {  	_ =	shalt  }
0x57: {  	_ =	shalt  }
0x58: {  	_ =	shalt  }
0x59: {  	_ =	shalt  }
0x5a: {  	_ =	shalt  }
0x5b: {  	_ =	shalt  }
0x5c: {  	_ =	shalt  }
0x5d: {  	_ =	shalt  }
0x5e: {  	_ =	shalt  }
0x5f: {  	_ =	shalt  }
0x60: {  	_ =	shalt  }
0x61: {  	_ =	shalt  }
0x62: {  	_ =	shalt  }
0x63: {  	_ =	shalt  }
0x64: {  	_ =	shalt  }
0x65: {  	_ =	shalt  }
0x66: {  	_ =	shalt  }
0x67: {  	_ =	shalt  }
0x68: {  	_ =	shalt  }
0x69: {  	_ =	shalt  }
0x6a: {  	_ =	shalt  }
0x6b: {  	_ =	shalt  }
0x6c: {  	_ =	shalt  }
0x6d: {  	_ =	shalt  }
0x6e: {  	_ =	shalt  }
0x6f: {  	_ =	shalt  }
0x70: {  	_ =	shalt  }
0x71: {  	_ =	shalt  }
0x72: {  	_ =	shalt  }
0x73: {  	_ =	shalt  }
0x74: {  	_ =	shalt  }
0x75: {  	_ =	shalt  }
0x76: {  	_ =	shalt  }
0x77: {  	_ =	shalt  }
0x78: {  	_ =	shalt  }
0x79: {  	_ =	shalt  }
0x7a: {  	_ =	shalt  }
0x7b: {  	_ =	shalt  }
0x7c: {  	_ =	shalt  }
0x7d: {  	_ =	shalt  }
0x7e: {  	_ =	shalt  }
0x7f: {  	_ =	shalt  }
0x80: {  	_ =	shalt  }
0x81: {  	_ =	shalt  }
0x82: {  	_ =	shalt  }
0x83: {  	_ =	shalt  }
0x84: {  	_ =	shalt  }
0x85: {  	_ =	shalt  }
0x86: {  	_ =	shalt  }
0x87: {  	_ =	shalt  }
.Lfunc_end0:
.L_simem_size_0:
called_computation.1_lowered:
.L_overlay_start_0:
0x88: {  	s2 =	sld [smem:$0x3FD9]  }
0x89: {  	s3 =	sld [smem:$0x3FFE];
	_ =	sdelay $0x1  }
0x8a: {  	s1 =	srdreg.scid  }
0x8b: {  	s0 =	sand.u32 $0x1, s1  }
0x8c: {  	s17 =	sshll.u32 s0, $0xA;
	s2 =	sadd.s32 s3, s2  }
0x8d: {  	s2 =	sadd.s32 s2, s17  }
0x8e: {  	[smem:$0x3FBE] =	sst s2  }
0x8f: {  	_ = 	snop  }
0x90: {  	s2 =	sld [smem:$0x3FD0];
	(tm) =	ssettm $0x1  }
0x91: {  	s18 =	sld [smem:$0x3FFB];
	_ =	sdelay $0x3  }
0x92: {  	_ =	strace s18  }
0x93: {  	s3 =	sld [smem:$0x3FFC];
	_ =	sdelay $0x3  }
0x94: {  	_ =	strace s3  }
0x95: {  	s3 =	sld [smem:$0x3FFD];
	_ =	sdelay $0x3  }
0x96: {  	_ =	strace s3  }
0x97: {  	_ =	strace $0x8FFFFFFF  }
0x98: {  	s19 =	sld [smem:$0x3FDB];
	_ =	sdelay $0x1  }
0x99: {  	s4 =	simm.s32 $_scs_section_size  }
0x9a: {  	s5 =	simm.s32 $_size__tile_overlayer_lowered;
	s6 =	simm.s32 $_tile_overlayer_lowered  }
0x9b: {  	s22 =	simm.s32 $0x1BFF;
	s21 =	sshll.u32 s6, $0x1;
	s3 =	sadd.s32 s4, s19  }
0x9c: {  	s7 =	simm.s32 $0x0;
	s20 =	sshll.u32 s5, $0x1;
	s5 =	sadd.s32 s21, s3  }
0x9d: {  	[timem:s7], [sflag:s22] =	dma.local [hbm:s5], s20  }
0x9e: {  	_ =	swait.ge [sflag:s22], s20  }
0x9f: {  	s4 =	ssub.s32 $0x0, s20;
	[sflag:s22] =	ssyncset.done $0x0  }
0xa0: {  	[sflag:s22] =	ssyncadd.s32 s4;
	_ =	sdelay $0x1  }
0xa1: {  	s23 =	simm.s32 $0x1B8B  }
0xa2: {  	_ =	swait.ge [sflag:s23], $0x1  }
0xa3: {  	[sflag:s23] =	ssyncset.done $0x0  }
0xa4: {  	s25 =	simm.s32 $0x1B8E;
	s24 =	sld [smem:$0x3FFE];
	[sflag:s23] =	ssyncadd.s32 $0xFFFFFFFF  }
0xa5: {  	s26 =	simm.s32 $execute0_lowered;
	[smem:$0x3FD2] =	sst s25  }
0xa6: {  	s5 =	sshll.u32 s26, $0x1;
	_ =	strace $0x80000049;
	[dreg:$0x1] =	wrdreg $0xFFFFFFFF  }
0xa7: {  	s28 =	simm.s32 $_size_execute0_lowered;
	s3 =	sadd.s32 s3, s5;
	[dreg:$0x0] =	wrdreg $0x0  }
0xa8: {  	s5 =	sshll.u32 s28, $0x1;
	[dreg:$0x2] =	wrdreg s3  }
0xa9: {  	[dreg:$0x3] =	wrdreg s5  }
0xaa: {  	[dreg:$0x4] =	wrdreg $0xC0  }
0xab: {  	_ =	task [dreg:s7], $0x5FFFF  }
0xac: {  	[dreg:$0x1] =	wrdreg $0xFFFFFFFF  }
0xad: {  	[dreg:$0x0] =	wrdreg $0x60  }
0xae: {  	[dreg:$0x2] =	wrdreg s24  }
0xaf: {  	[dreg:$0x3] =	wrdreg s2  }
0xb0: {  	[dreg:$0x4] =	wrdreg $0x188400  }
0xb1: {  	[dreg:$0x5] =	wrdreg $0x9  }
0xb2: {  	_ =	task.clear_ibuf [dreg:s7], $0x6FFFF;
	_ =	strace $0x90000049  }
0xb3: {  	s29 =	simm.s32 $0x9;
	_ =	strace $0x8000004B  }
0xb4: {  	_ =	swait.ge [sflag:s29], $0x1  }
0xb5: {  	[sflag:s29] =	ssyncadd.s32 $0xFFFFFFFF  }
0xb6: {  	_ =	strace $0x9000004B  }
0xb7: {  	_ =	sfence  }
0xb8: {  	s30 =	sld [smem:$0x0];
	_ =	sdelay $0x2  }
0xb9: {  	s31 =	sshll.u32 s1, $0xD;
	s1 =	sshrl.u32 s1, $0x2  }
0xba: {  	s3 =	sand.u32 $0x4000, s31;
	s1 =	sadd.s32 s1, s30  }
0xbb: {  	s0 =	sor.u32 s3, s0;
	s1 =	sshll.u32 s1, $0x11  }
0xbc: {  	s0 =	sor.u32 s1, s0  }
0xbd: {  	s0 =	sadd.s32 $0x8F2B, s0  }
0xbe: {  	[sflag:s0] =	ssyncadd.remote.s32 $0x1  }
0xbf: {  	_ =	sfence.sel $0xFFFF  }
0xc0: {  	[dreg:$0x0] =	wrdreg $0xFFFFFFFF;
	(pc) =	sbr.abs _section_cstart, $3  }
0xc1: {  	[dreg:$0x1] =	wrdreg $0xFFFFFFFF  }
0xc2: {  	_ =	task.clear_ibuf [dreg:s7], $0x2FFFF;
	_ =	strace $0x9FFFFFFF  }
0xc3: {  	(tm) =	ssettm $0x7FFFFFFF  }
tec
execute0_lowered:
.L_overlay_start_1:
0x0: {  	(tag) =	ssettag $0x1  }
0x1: {  	s0 =	rddreg [dreg:$0x0]  }
0x2: {  	s3 =	rddreg [dreg:$0x2];
	s12 =	stileid.u32;
	s4 =	simm.s32 $0x0  }
0x3: {  	s5 =	srdreg.scid;
	s28 =	simm.s32 $0x3;
	s29 =	simm.s32 $0xA000  }
0x4: {  	s30 =	simm.s32 $0x18810;
	s31 =	simm.s32 $0x18800;
	s1 =	sand.u32 $0x7, s12  }
0x5: {  	s8 =	sshrl.u32 s12, $0x3;
	[smem:$0x7FF] =	sst s4;
	s9 =	sand.u32 $0x1, s5  }
0x6: {  	s5 =	sadd.s32 $0xC2000, s0;
	s6 =	sadd.s32 $0xB8000, s0;
	s12 =	smul.u32 $0x14000, s12  }
0x7: {  	s11 =	sadd.s32 $0xB7E00, s0;
	s2 =	smul.u32 $0x1400, s1;
	s14 =	sshll.u32 s8, $0x1  }
0x8: {  	_ =	strace $0x8000004A;
	[dreg:$0x4] =	wrdreg s11;
	s15 =	ssub.s32 $0x2, s9  }
0x9: {  	s8 =	smul.u32 $0x28, s8;
	p0 =	seq.s32 s1, $0x0;
	s10 =	sor.u32 s9, s14  }
0xa: {  	s13 =	sshrl.u32 s15, $0x1;
	s9 =	smul.u32 $0x280, s9;
	s2 =	sadd.s32 s2, s0  }
0xb: {  	s14 =	sshll.u32 s1, $0x2;
	s17 =	sshrl.u32 s12, $0x2;
	s16 =	sadd.s32 $0xCC00, s2  }
0xc: {  	s11 =	sadd.s32 s17, s3;
	s2 =	sadd.s32 $0x2C00, s2;
	[dreg:$0x5] =	wrdreg s16  }
0xd: {  	s7 =	smul.u32 $0x14000, s10;
	s19 =	sadd.s32 $0x800, s11;
	[dreg:$0x6] =	wrdreg s2  }
0xe: {  	s0 =	sadd.s32 $0x16C00, s0;
	s20 =	sadd.s32 $0x1000, s11;
	[dreg:$0x7] =	wrdreg s19  }
0xf: {  	s13 =	ssub.s32 s15, s13;
	s21 =	sadd.s32 $0x1800, s11;
	[dreg:$0x8] =	wrdreg s20  }
0x10: {  	s15 =	smul.u32 $0x50, s1;
	s22 =	sadd.s32 $0x2000, s11;
	[dreg:$0x9] =	wrdreg s21  }
0x11: {  	s26 =	sadd.s32 $0x2800, s11;
	s17 =	smax.u32 s13, $0x1;
	[dreg:$0xa] =	wrdreg s22  }
0x12: {  	s18 =	sadd.s32 s9, s15;
	s15 =	simm.f32 $1.000000000e+00;
	[dreg:$0xd] =	wrdreg s26  }
0x13: {  	s19 =	smul.u32 $0x280, s10;
	[dreg:$0xe] =	wrdreg s17;
	s20 =	sor.u32 $0x2, s14  }
0x14: {  	s26 =	sadd.s32 $0x4800, s11;
	s2 =	sadd.s32 s8, s18;
	s15 =	simm.s32 @!p0 $0x0  }
0x15: {  	s18 =	sor.u32 $0x1, s14;
	s8 =	simm.s32 $0x2;
	s23 =	sadd.s32 $0x500, s2  }
0x16: {  	s24 =	sshll.u32 s2, $0x4;
	s12 =	sshll.u32 s2, $0x7;
	s25 =	sshll.u32 s23, $0x4  }
0x17: {  	s9 =	sadd.s32 s0, s24;
	s16 =	sshll.u32 s23, $0x7;
	s23 =	sadd.s32 $0x3000, s11  }
.Ltmp0:
0x18: {  	s24 =	sadd.s32 $0x3800, s11;
	[dreg:$0xb] =	wrdreg s9;
	(pc) =	sbr.rel .LBB2_1-.Ltmp0, $4  }
0x19: {  	v5 =	vimm.f32 $0.0e+00;
	v0 =	vmov s14;
	s0 =	sadd.s32 s0, s25;
	s9 =	sshllo.u32 s1, $0x2;
	s1 =	sadd.s32 s12, s3  }
0x1a: {  	v6 =	vlaneseq.u32;
	v0 =	vbroadcast v0, $0x0;
	v3 =	vmov s20;
	s2 =	sadd.s32 s16, s3;
	s25 =	sadd.s32 $0x4000, s11;
	[dreg:$0xc] =	wrdreg s0  }
0x1b: {  	v2 =	vmov s18;
	v3 =	vbroadcast v3, $0x0;
	s21 =	sshrl.u32 s1, $0x3;
	s22 =	sshrl.u32 s2, $0x3;
	v4 =	vmov s9;
	s0 =	simm.s32 $0x18000  }
0x1c: {  	v1 =	vmov s15;
	v2 =	vbroadcast v2, $0x0;
	s2 =	simm.s32 $0x1;
	s1 =	simm.s32 $0x10;
	s9 =	simm.s32 $0x0;
	v4 =	vbroadcast v4, $0x0  }
.LBB2_16:
0x1d: {  	s10 =	stileid.u32  }
0x1e: {  	[bflag:$0x0] =	sbarrier.arrive $0xFFFF;
	s10 =	sshll.u32 s10, $0x6  }
0x1f: {  	s12 =	rddreg [dreg:$0xb];
	s10 =	sor.u32 $0x1C03, s10  }
0x20: {  	[hbm:s12], [sflag:s10] =	dma.local [spmem:s21], $0x280  }
0x21: {  	_ =	swait.ge [sflag:s28], $0x280  }
0x22: {  	[sflag:s28] =	ssyncset.done $0x0  }
0x23: {  	s18 =	rddreg [dreg:$0xc];
	[sflag:s28] =	ssyncadd.s32 $0xFFFFFD80  }
0x24: {  	[hbm:s18], [sflag:s10] =	dma.local [spmem:s22], $0x280  }
0x25: {  	_ =	swait.ge [sflag:s28], $0x280  }
0x26: {  	s9 =	sadd.s32 $0x1, s9;
	s20 =	rddreg [dreg:$0xe]  }
0x27: {  	p0 =	sne.s32 s9, s20  }
.Ltmp1:
0x28: {  	_ = 	snop;
	(pc) =	sbr.rel @!p0 .LBB2_17-.Ltmp1, $3  }
0x29: {  	_ =	sdelay $0x1  }
0x2a: {  	[sflag:s28] =	ssyncset.done $0x0  }
0x2b: {  	[sflag:s28] =	ssyncadd.s32 $0xFFFFFD80  }
.LBB2_1:
0x2c: {  	s10 =	rddreg [dreg:$0x5]  }
0x2d: {  	[tilespmem:s4], [sflag:$0x3] =	stream.linear.gather [hbm4b:s10+s4], $0xA000, $0x38;
	[tilespmem:$0x1D840] =	vst v63  }
0x2e: {  	_ =	swait.ge [sflag:s28], $0xA000  }
0x2f: {  	[sflag:s28] =	ssyncset.done $0x0  }
0x30: {  	s17 =	rddreg [dreg:$0x6];
	[sflag:s28] =	ssyncadd.s32 $0xFFFF6000  }
0x31: {  	[tilespmem:s29], [sflag:$0x3] =	stream.linear.gather [hbm4b:s17+s4], $0xA000, $0x38;
	[tilespmem:$0x1D840] =	vst v63  }
0x32: {  	_ =	swait.ge [sflag:s28], $0xA000  }
0x33: {  	[sflag:s28] =	ssyncset.done $0x0  }
0x34: {  	s18 =	rddreg [dreg:$0x4];
	[sflag:s28] =	ssyncadd.s32 $0xFFFF6000  }
0x35: {  	[tilespmem:s30], [sflag:$0x3] =	stream.linear.gather [hbm4b:s18+s4], $0x20, $0x38;
	[tilespmem:$0x1D840] =	vst v63  }
0x36: {  	_ =	swait.ge [sflag:s28], $0x20  }
0x37: {  	[sflag:s28] =	ssyncset.done $0x0  }
0x38: {  	[sflag:s28] =	ssyncadd.s32 $0xFFFFFFE0  }
0x39: {  	s12 =	simm.s32 $0x18830;
	s20 =	rddreg [dreg:$0x1]  }
0x3a: {  	[tilespmem:s12], [sflag:$0x3] =	stream.linear.gather [hbm4b:s20+s4], $0x10, $0x38;
	[tilespmem:$0x1D840] =	vst v63  }
0x3b: {  	_ =	swait.ge [sflag:s28], $0x10  }
0x3c: {  	[sflag:s28] =	ssyncset.done $0x0  }
0x3d: {  	s10 =	simm.s32 $0x0;
	s12 =	simm.s32 $0x200;
	[sflag:s28] =	ssyncadd.s32 $0xFFFFFFF0  }
.LBB2_2:
0x3e: {  	p0 =	sne.s32 s12, $0x1E00;
	[tilespmem:s10+$0x18070] =	vst v5  }
0x3f: {  	[tilespmem:s10+$0x18000] =	vst v5  }
0x40: {  	[tilespmem:s10+$0x18010] =	vst v5  }
.Ltmp2:
0x41: {  	[tilespmem:s10+$0x18020] =	vst v5;
	(pc) =	sbr.rel @p0 .LBB2_2-.Ltmp2, $4  }
0x42: {  	[tilespmem:s10+$0x18030] =	vst v5  }
0x43: {  	[tilespmem:s10+$0x18040] =	vst v5  }
0x44: {  	[tilespmem:s10+$0x18050] =	vst v5  }
0x45: {  	[tilespmem:s10+$0x18060] =	vst v5;
	s10 =	sshra.s32 s12, $0x2;
	s12 =	sadd.s32 $0x200, s12  }
0x46: {  	[tilespmem:s10+$0x18070] =	vst v5  }
0x47: {  	[tilespmem:s10+$0x18000] =	vst v5  }
0x48: {  	[tilespmem:s10+$0x18010] =	vst v5  }
0x49: {  	[tilespmem:s10+$0x18020] =	vst v5  }
0x4a: {  	[tilespmem:s10+$0x18030] =	vst v5  }
0x4b: {  	[tilespmem:s10+$0x18040] =	vst v5  }
0x4c: {  	[tilespmem:s10+$0x18050] =	vst v5  }
0x4d: {  	[tilespmem:s10+$0x18060] =	vst v5  }
0x4e: {  	[spmem:s11] =	stream.linear.scatter [tilespmem:s0], [sflag:$0x3], $0x800, $0x38;
	[tilespmem:$0x1D840] =	vst v63  }
0x4f: {  	_ =	swait.ge [sflag:s28], $0x800  }
0x50: {  	[sflag:s28] =	ssyncset.done $0x0  }
0x51: {  	s15 =	rddreg [dreg:$0x7];
	[sflag:s28] =	ssyncadd.s32 $0xFFFFF800  }
0x52: {  	[spmem:s15] =	stream.linear.scatter [tilespmem:s0], [sflag:$0x3], $0x800, $0x38;
	[tilespmem:$0x1D840] =	vst v63  }
0x53: {  	_ =	swait.ge [sflag:s28], $0x800  }
0x54: {  	[sflag:s28] =	ssyncset.done $0x0  }
0x55: {  	s16 =	rddreg [dreg:$0x8];
	[sflag:s28] =	ssyncadd.s32 $0xFFFFF800  }
0x56: {  	[spmem:s16] =	stream.linear.scatter [tilespmem:s0], [sflag:$0x3], $0x800, $0x38;
	[tilespmem:$0x1D840] =	vst v63  }
0x57: {  	_ =	swait.ge [sflag:s28], $0x800  }
0x58: {  	[sflag:s28] =	ssyncset.done $0x0  }
0x59: {  	s17 =	rddreg [dreg:$0x9];
	[sflag:s28] =	ssyncadd.s32 $0xFFFFF800  }
0x5a: {  	[spmem:s17] =	stream.linear.scatter [tilespmem:s0], [sflag:$0x3], $0x800, $0x38;
	[tilespmem:$0x1D840] =	vst v63  }
0x5b: {  	_ =	swait.ge [sflag:s28], $0x800  }
0x5c: {  	[sflag:s28] =	ssyncset.done $0x0  }
0x5d: {  	s18 =	rddreg [dreg:$0xa];
	[sflag:s28] =	ssyncadd.s32 $0xFFFFF800  }
0x5e: {  	[spmem:s18] =	stream.linear.scatter [tilespmem:s0], [sflag:$0x3], $0x800, $0x38;
	[tilespmem:$0x1D840] =	vst v63  }
0x5f: {  	_ =	swait.ge [sflag:s28], $0x800  }
0x60: {  	[sflag:s28] =	ssyncset.done $0x0  }
0x61: {  	s20 =	rddreg [dreg:$0xd];
	[sflag:s28] =	ssyncadd.s32 $0xFFFFF800  }
0x62: {  	[spmem:s20] =	stream.linear.scatter [tilespmem:s0], [sflag:$0x3], $0x800, $0x38;
	[tilespmem:$0x1D840] =	vst v63  }
0x63: {  	_ =	swait.ge [sflag:s28], $0x800  }
0x64: {  	[sflag:s28] =	ssyncset.done $0x0  }
0x65: {  	[sflag:s28] =	ssyncadd.s32 $0xFFFFF800  }
0x66: {  	[spmem:s23] =	stream.linear.scatter [tilespmem:s0], [sflag:$0x3], $0x800, $0x38;
	[tilespmem:$0x1D840] =	vst v63  }
0x67: {  	_ =	swait.ge [sflag:s28], $0x800  }
0x68: {  	[sflag:s28] =	ssyncset.done $0x0  }
0x69: {  	[sflag:s28] =	ssyncadd.s32 $0xFFFFF800  }
0x6a: {  	[spmem:s24] =	stream.linear.scatter [tilespmem:s0], [sflag:$0x3], $0x800, $0x38;
	[tilespmem:$0x1D840] =	vst v63  }
0x6b: {  	_ =	swait.ge [sflag:s28], $0x800  }
0x6c: {  	[sflag:s28] =	ssyncset.done $0x0  }
0x6d: {  	[sflag:s28] =	ssyncadd.s32 $0xFFFFF800  }
0x6e: {  	[spmem:s25] =	stream.linear.scatter [tilespmem:s0], [sflag:$0x3], $0x800, $0x38;
	[tilespmem:$0x1D840] =	vst v63  }
0x6f: {  	_ =	swait.ge [sflag:s28], $0x800  }
0x70: {  	[sflag:s28] =	ssyncset.done $0x0  }
0x71: {  	[sflag:s28] =	ssyncadd.s32 $0xFFFFF800  }
0x72: {  	[spmem:s26] =	stream.linear.scatter [tilespmem:s0], [sflag:$0x3], $0x800, $0x38;
	[tilespmem:$0x1D840] =	vst v63  }
0x73: {  	_ =	swait.ge [sflag:s28], $0x800  }
0x74: {  	[sflag:s28] =	ssyncset.done $0x0  }
0x75: {  	[sflag:s28] =	ssyncadd.s32 $0xFFFFF800  }
0x76: {  	[bflag:$0x0] =	sbarrier.arrive $0xFFFF  }
0x77: {  	v11 =	vld [tilespmem:$0x18830]  }
.Ltmp3:
0x78: {  	_ = 	snop;
	(pc) =	sbr.rel .LBB2_4-.Ltmp3, $4  }
0x79: {  	v7 =	vld.idx.msk [tilespmem:v0+s30+$0x0], $0xffff  }
0x7a: {  	v8 =	vld.idx.msk [tilespmem:v2+s30+$0x0], $0xffff  }
0x7b: {  	v9 =	vld.idx.msk [tilespmem:v3+s30+$0x0], $0xffff  }
0x7c: {  	s10 =	simm.s32 $0x0;
	v10 =	vld.idx.msk [tilespmem:v4+s30+$0x0], $0xffff;
	v11 =	vmul.f32 v11, v1  }
.LBB2_15:
0x7d: {  	s10 =	sadd.s32 $0x1, s10  }
0x7e: {  	p0 =	sne.s32 s10, $0x15  }
.Ltmp4:
0x7f: {  	_ = 	snop;
	(pc) =	sbr.rel @!p0 .LBB2_16-.Ltmp4, $1  }
0x80: {  	_ =	sdelay $0x3  }
.LBB2_4:
0x81: {  	s12 =	sand.u32 $0x1, s10  }
0x82: {  	p0 =	seq.s32 s12, $0x1  }
.Ltmp5:
0x83: {  	_ = 	snop;
	(pc) =	sbr.rel @p0 .LBB2_11-.Ltmp5, $1  }
0x84: {  	_ =	sdelay $0x3  }
0x85: {  	p0 =	seq.s32 s10, $0x14  }
0x86: {  	s13 =	sshll.u32 @!p0 s10, $0xC  }
0x87: {  	s13 =	sadd.s32 @!p0 s7, s13  }
0x88: {  	s13 =	sshrl.u32 @!p0 s13, $0x3  }
0x89: {  	s15 =	simm.s32 @!p0 $0x0;
	s16 =	simm.s32 @!p0 $0x14000;
	s14 =	sadd.s32 @!p0 s5, s13  }
0x8a: {  	[tilespmem:s16], [sflag:$0x1] =	stream.linear.gather @!p0 [hbm4b:s14+s15], $0x1000, $0x38;
	[tilespmem:$0x1D840] =	vst v63  }
0x8b: {  	p1 =	seq.s32 @!p0 s10, $0x0;
	s13 =	sadd.s32 @!p0 s6, s13;
	s14 =	simm.s32 @!p0 $0x15000  }
0x8c: {  	[tilespmem:s14], [sflag:$0x1] =	stream.linear.gather @!p0 [hbm4b:s13+s15], $0x1000, $0x38;
	[tilespmem:$0x1D840] =	vst v63  }
0x8d: {  	p0 =	por p0, !p1  }
.Ltmp6:
0x8e: {  	_ = 	snop;
	(pc) =	sbr.rel @!p0 .LBB2_15-.Ltmp6, $1  }
0x8f: {  	_ =	sdelay $0x3  }
0x90: {  	_ =	swait.ge [sflag:s8], $0x1000  }
0x91: {  	[sflag:s8] =	ssyncset.done $0x0  }
0x92: {  	[sflag:s8] =	ssyncadd.s32 $0xFFFFF000  }
0x93: {  	_ =	swait.ge [sflag:s8], $0x1000  }
0x94: {  	s13 =	sshll.u32 s10, $0x1;
	s14 =	simm.s32 $0x0;
	[sflag:s8] =	ssyncset.done $0x0  }
0x95: {  	p1 =	por $0x1, $0x1;
	s13 =	sadd.s32 $0xFFFFFFE, s13;
	[sflag:s8] =	ssyncadd.s32 $0xFFFFF000  }
.LBB2_7:
0x96: {  	s15 =	sshll.u32 s14, $0xB  }
0x97: {  	s15 =	sand.u32 $0x3FFFF800, s15  }
0x98: {  	s16 =	sadd.s32 $0x16000, s15  }
0x99: {  	s17 =	sadd.s32 $0x17000, s15;
	v12 =	vld [tilespmem:s16+$0x0]  }
0x9a: {  	p0 =	por p1, p1;
	s18 =	simm.s32 $0x10;
	s15 =	simm.s32 $0x0;
	v13 =	vld [tilespmem:s17+$0x0]  }
.LBB2_8:
0x9b: {  	p1 =	sne.s32 s18, $0x7F0;
	_ =	sdelay $0x2  }
0x9c: {  	v14 =	vadd.s32 $0x2800, v12  }
0x9d: {  	v15 =	vadd.s32 $0x2800, v13  }
0x9e: {  	v16 =	vadd.s32 $0x5000, v12  }
0x9f: {  	v18 =	vadd.s32 $0x5000, v13;
	v17 =	vld.idx.msk [tilespmem:v12+s4+$0x0], $0xffff  }
0xa0: {  	v12 =	vadd.s32 $0x7800, v12;
	v19 =	vld.idx.msk [tilespmem:v13+s29+$0x0], $0xffff  }
0xa1: {  	v13 =	vadd.s32 $0x7800, v13;
	v14 =	vld.idx.msk [tilespmem:v14+s4+$0x0], $0xffff  }
0xa2: {  	v15 =	vld.idx.msk [tilespmem:v15+s29+$0x0], $0xffff  }
0xa3: {  	v16 =	vld.idx.msk [tilespmem:v16+s4+$0x0], $0xffff  }
0xa4: {  	v18 =	vld.idx.msk [tilespmem:v18+s29+$0x0], $0xffff  }
0xa5: {  	v12 =	vld.idx.msk [tilespmem:v12+s4+$0x0], $0xffff  }
0xa6: {  	v17 =	vadd.f32 v19, v17;
	v13 =	vld.idx.msk [tilespmem:v13+s29+$0x0], $0xffff;
	_ =	sdelay $0x1  }
0xa7: {  	v17 =	vmax.f32 v17, $0.0e+00;
	v14 =	vadd.f32 v15, v14  }
0xa8: {  	v15 =	vmul.f32 v17, v7  }
0xa9: {  	v14 =	vmax.f32 v14, $0.0e+00;
	v16 =	vadd.f32 v18, v16  }
0xaa: {  	v15 =	vadd.f32 v15, v11;
	v14 =	vmul.f32 v14, v8  }
0xab: {  	v16 =	vmax.f32 v16, $0.0e+00;
	v12 =	vadd.f32 v13, v12  }
0xac: {  	v13 =	vadd.f32 v14, v15;
	v14 =	vmul.f32 v16, v9  }
0xad: {  	v12 =	vmax.f32 v12, $0.0e+00  }
0xae: {  	v13 =	vadd.f32 v14, v13;
	v12 =	vmul.f32 v12, v10;
	_ =	sdelay $0x1  }
.Ltmp7:
0xaf: {  	v12 =	vadd.f32 v12, v13;
	(pc) =	sbr.rel @p1 .LBB2_8-.Ltmp7, $4  }
0xb0: {  	s20 =	sand.u32 $0x7F0, s15;
	s15 =	smov.u32 s18  }
0xb1: {  	s16 =	sadd.s32 $0x10, s16;
	[tilespmem:s20+$0x18000] =	vst v12  }
0xb2: {  	s17 =	sadd.s32 $0x10, s17;
	v12 =	vld [tilespmem:s16+$0x0]  }
0xb3: {  	s18 =	sadd.s32 $0x10, s18;
	v13 =	vld [tilespmem:s17+$0x0]  }
0xb4: {  	_ =	sdelay $0x3  }
0xb5: {  	v14 =	vadd.s32 $0x2800, v12  }
0xb6: {  	v15 =	vadd.s32 $0x2800, v13  }
0xb7: {  	v16 =	vadd.s32 $0x5000, v12  }
0xb8: {  	v17 =	vld.idx.msk [tilespmem:v12+s4+$0x0], $0xffff;
	v18 =	vadd.s32 $0x5000, v13  }
0xb9: {  	v58 =	vadd.s32 $0x7800, v12;
	v19 =	vld.idx.msk [tilespmem:v13+s29+$0x0], $0xffff  }
0xba: {  	v59 =	vadd.s32 $0x7800, v13;
	v14 =	vld.idx.msk [tilespmem:v14+s4+$0x0], $0xffff  }
0xbb: {  	v15 =	vld.idx.msk [tilespmem:v15+s29+$0x0], $0xffff  }
0xbc: {  	v16 =	vld.idx.msk [tilespmem:v16+s4+$0x0], $0xffff  }
0xbd: {  	v18 =	vld.idx.msk [tilespmem:v18+s29+$0x0], $0xffff  }
0xbe: {  	v12 =	vld.idx.msk [tilespmem:v58+s4+$0x0], $0xffff;
	v17 =	vadd.f32 v19, v17  }
0xbf: {  	v13 =	vld.idx.msk [tilespmem:v59+s29+$0x0], $0xffff  }
0xc0: {  	v17 =	vmax.f32 v17, $0.0e+00;
	v14 =	vadd.f32 v15, v14  }
0xc1: {  	v60 =	vmul.f32 v17, v7  }
0xc2: {  	v16 =	vadd.f32 v18, v16;
	v14 =	vmax.f32 v14, $0.0e+00  }
0xc3: {  	v15 =	vadd.f32 v60, v11;
	v14 =	vmul.f32 v14, v8  }
0xc4: {  	v12 =	vadd.f32 v13, v12;
	v16 =	vmax.f32 v16, $0.0e+00  }
0xc5: {  	v62 =	vmul.f32 v16, v9;
	v61 =	vadd.f32 v14, v15  }
0xc6: {  	v12 =	vmax.f32 v12, $0.0e+00  }
0xc7: {  	v12 =	vmul.f32 v12, v10;
	v13 =	vadd.f32 v62, v61  }
0xc8: {  	s14 =	sor.u32 s13, s14  }
0xc9: {  	s14 =	sshll.u32 s14, $0x4;
	v12 =	vadd.f32 v12, v13  }
0xca: {  	s15 =	sand.u32 $0x7F0, s15;
	s14 =	sadd.s32 s19, s14  }
0xcb: {  	v63 =	vor.u32 s14, v6;
	[tilespmem:s15+$0x18000] =	vst v12  }
.Ltmp8:
0xcc: {  	[tilespmem:$0x18800] =	vst v63;
	(pc) =	sbr.rel @p0 .LBB2_7-.Ltmp8, $4  }
0xcd: {  	[spmem:s3] =	stream.indirect.scatter.add.f32 [tilespmem:s0], [sflag:$0x3], $0x80, s31, s1, $0xb8;
	[tilespmem:$0x1D840] =	vst v63  }
0xce: {  	_ =	swait.ge [sflag:s28], $0x800  }
0xcf: {  	[sflag:s28] =	ssyncset.done $0x0  }
0xd0: {  	p1 =	por $0x0, $0x0;
	s14 =	simm.s32 $0x1;
	[sflag:s28] =	ssyncadd.s32 $0xFFFFF800  }
0xd1: {  	p0 =	seq.s32 s12, $0x0  }
.Ltmp9:
0xd2: {  	_ = 	snop;
	(pc) =	sbr.rel @p0 .LBB2_15-.Ltmp9, $1  }
0xd3: {  	_ =	sdelay $0x3  }
.LBB2_11:
0xd4: {  	p0 =	seq.s32 s10, $0x14  }
0xd5: {  	s12 =	sshll.u32 @!p0 s10, $0xC  }
0xd6: {  	s12 =	sadd.s32 @!p0 s7, s12  }
0xd7: {  	s12 =	sshrl.u32 @!p0 s12, $0x3  }
0xd8: {  	s14 =	simm.s32 @!p0 $0x0;
	s15 =	simm.s32 @!p0 $0x16000;
	s13 =	sadd.s32 @!p0 s5, s12  }
0xd9: {  	[tilespmem:s15], [sflag:$0x2] =	stream.linear.gather @!p0 [hbm4b:s13+s14], $0x1000, $0x38;
	[tilespmem:$0x1D840] =	vst v63  }
0xda: {  	s12 =	sadd.s32 @!p0 s6, s12;
	s13 =	simm.s32 @!p0 $0x17000  }
0xdb: {  	[tilespmem:s13], [sflag:$0x2] =	stream.linear.gather @!p0 [hbm4b:s12+s14], $0x1000, $0x38;
	[tilespmem:$0x1D840] =	vst v63  }
0xdc: {  	_ =	swait.ge [sflag:s2], $0x1000  }
0xdd: {  	[sflag:s2] =	ssyncset.done $0x0  }
0xde: {  	[sflag:s2] =	ssyncadd.s32 $0xFFFFF000  }
0xdf: {  	_ =	swait.ge [sflag:s2], $0x1000  }
0xe0: {  	s20 =	sshll.u32 s10, $0x1;
	p1 =	por $0x1, $0x1;
	[sflag:s2] =	ssyncset.done $0x0  }
0xe1: {  	s12 =	sadd.s32 $0xFFFFFFE, s20;
	s13 =	simm.s32 $0x0;
	[sflag:s2] =	ssyncadd.s32 $0xFFFFF000  }
.LBB2_12:
0xe2: {  	s14 =	sshll.u32 s13, $0xB  }
0xe3: {  	s14 =	sand.u32 $0x3FFFF800, s14  }
0xe4: {  	s15 =	sadd.s32 $0x14000, s14  }
0xe5: {  	s16 =	sadd.s32 $0x15000, s14;
	v12 =	vld [tilespmem:s15+$0x0]  }
0xe6: {  	p0 =	por p1, p1;
	s17 =	simm.s32 $0x10;
	s14 =	simm.s32 $0x0;
	v13 =	vld [tilespmem:s16+$0x0]  }
.LBB2_13:
0xe7: {  	p1 =	sne.s32 s17, $0x7F0;
	_ =	sdelay $0x2  }
0xe8: {  	v14 =	vadd.s32 $0x2800, v12  }
0xe9: {  	v15 =	vadd.s32 $0x2800, v13  }
0xea: {  	v16 =	vadd.s32 $0x5000, v12  }
0xeb: {  	v18 =	vadd.s32 $0x5000, v13;
	v17 =	vld.idx.msk [tilespmem:v12+s4+$0x0], $0xffff  }
0xec: {  	v12 =	vadd.s32 $0x7800, v12;
	v19 =	vld.idx.msk [tilespmem:v13+s29+$0x0], $0xffff  }
0xed: {  	v13 =	vadd.s32 $0x7800, v13;
	v14 =	vld.idx.msk [tilespmem:v14+s4+$0x0], $0xffff  }
0xee: {  	v15 =	vld.idx.msk [tilespmem:v15+s29+$0x0], $0xffff  }
0xef: {  	v16 =	vld.idx.msk [tilespmem:v16+s4+$0x0], $0xffff  }
0xf0: {  	v18 =	vld.idx.msk [tilespmem:v18+s29+$0x0], $0xffff  }
0xf1: {  	v12 =	vld.idx.msk [tilespmem:v12+s4+$0x0], $0xffff  }
0xf2: {  	v17 =	vadd.f32 v19, v17;
	v13 =	vld.idx.msk [tilespmem:v13+s29+$0x0], $0xffff;
	_ =	sdelay $0x1  }
0xf3: {  	v17 =	vmax.f32 v17, $0.0e+00;
	v14 =	vadd.f32 v15, v14  }
0xf4: {  	v15 =	vmul.f32 v17, v7  }
0xf5: {  	v14 =	vmax.f32 v14, $0.0e+00;
	v16 =	vadd.f32 v18, v16  }
0xf6: {  	v15 =	vadd.f32 v15, v11;
	v14 =	vmul.f32 v14, v8  }
0xf7: {  	v16 =	vmax.f32 v16, $0.0e+00;
	v12 =	vadd.f32 v13, v12  }
0xf8: {  	v13 =	vadd.f32 v14, v15;
	v14 =	vmul.f32 v16, v9  }
0xf9: {  	v12 =	vmax.f32 v12, $0.0e+00  }
0xfa: {  	v13 =	vadd.f32 v14, v13;
	v12 =	vmul.f32 v12, v10;
	_ =	sdelay $0x1  }
.Ltmp10:
0xfb: {  	v12 =	vadd.f32 v12, v13;
	(pc) =	sbr.rel @p1 .LBB2_13-.Ltmp10, $4  }
0xfc: {  	s18 =	sand.u32 $0x7F0, s14;
	s14 =	smov.u32 s17  }
0xfd: {  	s15 =	sadd.s32 $0x10, s15;
	[tilespmem:s18+$0x18000] =	vst v12  }
0xfe: {  	s16 =	sadd.s32 $0x10, s16;
	v12 =	vld [tilespmem:s15+$0x0]  }
0xff: {  	s17 =	sadd.s32 $0x10, s17;
	v13 =	vld [tilespmem:s16+$0x0]  }
0x100: {  	_ =	sdelay $0x3  }
0x101: {  	v14 =	vadd.s32 $0x2800, v12  }
0x102: {  	v15 =	vadd.s32 $0x2800, v13  }
0x103: {  	v16 =	vadd.s32 $0x5000, v12  }
0x104: {  	v17 =	vld.idx.msk [tilespmem:v12+s4+$0x0], $0xffff;
	v18 =	vadd.s32 $0x5000, v13  }
0x105: {  	v58 =	vadd.s32 $0x7800, v12;
	v19 =	vld.idx.msk [tilespmem:v13+s29+$0x0], $0xffff  }
0x106: {  	v59 =	vadd.s32 $0x7800, v13;
	v14 =	vld.idx.msk [tilespmem:v14+s4+$0x0], $0xffff  }
0x107: {  	v15 =	vld.idx.msk [tilespmem:v15+s29+$0x0], $0xffff  }
0x108: {  	v16 =	vld.idx.msk [tilespmem:v16+s4+$0x0], $0xffff  }
0x109: {  	v18 =	vld.idx.msk [tilespmem:v18+s29+$0x0], $0xffff  }
0x10a: {  	v12 =	vld.idx.msk [tilespmem:v58+s4+$0x0], $0xffff;
	v17 =	vadd.f32 v19, v17  }
0x10b: {  	v13 =	vld.idx.msk [tilespmem:v59+s29+$0x0], $0xffff  }
0x10c: {  	v17 =	vmax.f32 v17, $0.0e+00;
	v14 =	vadd.f32 v15, v14  }
0x10d: {  	v60 =	vmul.f32 v17, v7  }
0x10e: {  	v16 =	vadd.f32 v18, v16;
	v14 =	vmax.f32 v14, $0.0e+00  }
0x10f: {  	v15 =	vadd.f32 v60, v11;
	v14 =	vmul.f32 v14, v8  }
0x110: {  	v12 =	vadd.f32 v13, v12;
	v16 =	vmax.f32 v16, $0.0e+00  }
0x111: {  	v62 =	vmul.f32 v16, v9;
	v61 =	vadd.f32 v14, v15  }
0x112: {  	v12 =	vmax.f32 v12, $0.0e+00  }
0x113: {  	v12 =	vmul.f32 v12, v10;
	v13 =	vadd.f32 v62, v61  }
0x114: {  	s13 =	sor.u32 s12, s13  }
0x115: {  	s13 =	sshll.u32 s13, $0x4;
	v12 =	vadd.f32 v12, v13  }
0x116: {  	s14 =	sand.u32 $0x7F0, s14;
	s13 =	sadd.s32 s19, s13  }
0x117: {  	v63 =	vor.u32 s13, v6;
	[tilespmem:s14+$0x18000] =	vst v12  }
0x118: {  	[tilespmem:$0x18800] =	vst v63  }
0x119: {  	[spmem:s3] =	stream.indirect.scatter.add.f32 [tilespmem:s0], [sflag:$0x3], $0x80, s31, s1, $0xb8;
	[tilespmem:$0x1D840] =	vst v63  }
.Ltmp11:
0x11a: {  	_ = 	snop;
	(pc) =	sbr.rel @p0 .LBB2_12-.Ltmp11, $4  }
.Ltmp12:
0x11b: {  	_ = 	snop;
	(pc) =	sbr.rel @!p0 .LBB2_15-.Ltmp12, $4  }
0x11c: {  	_ =	swait.ge [sflag:s28], $0x800  }
0x11d: {  	[sflag:s28] =	ssyncset.done $0x0  }
0x11e: {  	p1 =	por $0x0, $0x0;
	s13 =	simm.s32 $0x1;
	[sflag:s28] =	ssyncadd.s32 $0xFFFFF800  }
0x11f: {  	_ = 	snop  }
.LBB2_17:
0x120: {  	_ =	sfence.sel $0x180000  }
0x121: {  	[bflag:$0x0] =	sbarrier.arrive $0xFFFF  }
0x122: {  	_ =	strace $0x9000004A  }
0x123: {  	s0 =	stileid.u32;
	[bflag:$0x2] =	sbarrier.arrive $0xFFFF  }
0x124: {  	p0 =	sne.s32 s0, $0x0;
	s0 =	rddreg [dreg:$0x3]  }
0x125: {  	s0 =	sadd.s32 @!p0 $0x100000, s0  }
0x126: {  	[sflag:s0] =	ssyncadd.tile.s32 @!p0 $0x1;
	_ =	shalt  }
.Lfunc_end2:
_tile_overlayer_lowered:
.L_overlay_start_2:
0x127: {  	(tag) =	ssettag $0x2  }
0x128: {  	s0 =	rddreg [dreg:$0x0];
	s2 =	stileid.u32  }
0x129: {  	s1 =	rddreg [dreg:$0x1];
	p0 =	sne.s32 s2, $0x0  }
0x12a: {  	s3 =	rddreg [dreg:$0x2];
	[bflag:$0x3] =	sbarrier.arrive $0xFFFF;
	s2 =	simm.s32 @!p0 $0x1C03  }
0x12b: {  	[timem:s3], [sflag:s2] =	dma.local @!p0 [hbm:s0], s1  }
0x12c: {  	s0 =	simm.s32 @!p0 $0x3  }
0x12d: {  	_ =	swait.ge @!p0 [sflag:s0], s1  }
0x12e: {  	s1 =	ssub.s32 @!p0 $0x0, s1;
	[sflag:s0] =	ssyncset.done @!p0 $0x0  }
0x12f: {  	[sflag:s0] =	ssyncadd.s32 @!p0 s1  }
0x130: {  	[bflag:$0x3] =	sbarrier.arrive $0xFFFF  }
0x131: {  	_ =	shalt  }

</sc_bundles>
